<compile_context>
chip_gen: v7x
topology: tpu7x:2x2x1
jax: 0.10.2.dev20260603
libtpu: 0.0.44.dev20260713+nightly
codegen_flags: <defaults>
</compile_context>

<pallas_src>
import functools

import jax
import jax.numpy as jnp
from jax import lax
from jax.experimental import pallas as pl
from jax.experimental.pallas import tpu as pltpu
from jax.experimental.pallas import tpu_sc as plsc

B, N, C, M = 8, 65536, 128, 16384
NW = 32
WPB = NW // B
CPW = C // WPB
MPW = M // WPB
HALF = N // 2

_IOTA16 = functools.partial(lax.iota, jnp.int32, 16)


def _sc_body(xs_hbm, ys_hbm, zs_hbm, feat_hbm, inds_hbm,
             ox_hbm, oy_hbm, oz_hbm, out_feat_hbm,
             lists_v, buf0_v, buf1_v, fout0_v, stage_v,
             sem_in0, sem_in1):
    cid = lax.axis_index("c")
    sid = lax.axis_index("s")
    wid = sid * 2 + cid
    b = wid // WPB
    q = wid % WPB
    c0 = q * CPW
    bufs = (buf0_v, buf1_v)
    sems = (sem_in0, sem_in1)
    planes = (xs_hbm, ys_hbm, zs_hbm)
    outs = (ox_hbm, oy_hbm, oz_hbm)

    pltpu.sync_copy(inds_hbm.at[b, pl.ds(q * MPW, MPW)], stage_v)

    cps = [pltpu.async_copy(xs_hbm.at[b, pl.ds(0, HALF)], bufs[0], sems[0])]
    for t in range(2 * len(planes)):
        if t + 1 < 2 * len(planes):
            cps.append(pltpu.async_copy(
                planes[(t + 1) // 2].at[b, pl.ds(((t + 1) % 2) * HALF, HALF)],
                bufs[(t + 1) % 2], sems[(t + 1) % 2]))
        cps[t].wait()
        buf = bufs[t % 2]
        j, h = t // 2, t % 2

        @plsc.parallel_loop(0, MPW, 16, unroll=4)
        def _xpass(base, j=j, h=h, buf=buf):
            iv = stage_v[pl.ds(base, 16)]
            e = iv - h * HALF
            mask = (e >= 0) & (e < HALF)
            ec = jnp.clip(e, 0, HALF - 1)
            vals = plsc.load_gather(buf, [ec], mask=mask)
            plsc.store_scatter(fout0_v, [j * MPW + base + _IOTA16()],
                               vals, mask=mask)

    for j in range(len(planes)):
        pltpu.sync_copy(fout0_v.at[pl.ds(j * MPW, MPW)],
                        outs[j].at[b, pl.ds(q * MPW, MPW)])

    pltpu.make_async_copy(
        feat_hbm.at[b, c0, pl.ds(0, HALF)], buf0_v, sem_in0).start()
    pltpu.make_async_copy(
        feat_hbm.at[b, c0, pl.ds(HALF, HALF)], buf1_v, sem_in1).start()

    lo_cur, hi_cur = jnp.int32(0), jnp.int32(M)
    for piece in range(M // MPW):
        pltpu.sync_copy(inds_hbm.at[b, pl.ds(piece * MPW, MPW)], stage_v)

        @plsc.parallel_loop(0, MPW, 16, unroll=4, carry=(lo_cur, hi_cur))
        def _bucket(base, carry, piece=piece):
            lo, hi = carry
            iv = stage_v[pl.ds(base, 16)]
            pos = piece * MPW + base + _IOTA16()
            mlo = iv < HALF
            pk_lo = lax.shift_left(pos, 16) | iv
            pk_hi = lax.shift_left(pos, 16) | (iv - HALF)
            nlo = jnp.sum(mlo.astype(jnp.int32))
            plsc.store_compressed(lists_v.at[pl.ds(lo, 16)], pk_lo, mask=mlo)
            nhi = 16 - nlo
            hi2 = hi - nhi
            plsc.store_compressed(lists_v.at[pl.ds(hi2, 16)], pk_hi,
                                  mask=jnp.logical_not(mlo))
            return lo + nlo, hi2

        lo_cur, hi_cur = _bucket
    lo_n = lo_cur

    def _half_pass(buf, fout, s0, cnt):
        nfull = lax.shift_left(lax.shift_right_logical(cnt, 4), 4)

        @plsc.parallel_loop(0, nfull, 16, unroll=8)
        def _body(v):
            pk = lists_v[pl.ds(s0 + v, 16)]
            pos = lax.shift_right_logical(pk, 16)
            local = pk & (HALF - 1)
            vals = plsc.load_gather(buf, [local])
            plsc.store_scatter(fout, [pos], vals)

        ntail = lax.shift_right_logical((cnt - nfull) + 15, 4)

        def _tail(v, carry):
            base = s0 + nfull + v * 16
            mask = (nfull + v * 16 + _IOTA16()) < cnt
            pk = lists_v[pl.ds(base, 16)]
            pos = lax.shift_right_logical(pk, 16) & (M - 1)
            local = pk & (HALF - 1)
            vals = plsc.load_gather(buf, [local], mask=mask)
            plsc.store_scatter(fout, [pos], vals, mask=mask)
            return carry

        lax.fori_loop(0, ntail, _tail, 0)

    def _in_cp(r, half, buf, sem):
        return pltpu.make_async_copy(
            feat_hbm.at[b, c0 + r, pl.ds(half * HALF, HALF)], buf, sem)

    def _row(k, carry):
        knext = jnp.minimum(k + 1, CPW - 1)
        _in_cp(k, 0, buf0_v, sem_in0).wait()
        _half_pass(buf0_v, fout0_v, 0, lo_n)
        _in_cp(knext, 0, buf0_v, sem_in0).start()
        _in_cp(k, 1, buf1_v, sem_in1).wait()
        _half_pass(buf1_v, fout0_v, lo_n, M - lo_n)
        _in_cp(knext, 1, buf1_v, sem_in1).start()
        pltpu.sync_copy(fout0_v, out_feat_hbm.at[b, c0 + k])
        return carry

    lax.fori_loop(0, CPW, _row, 0)
    _in_cp(CPW - 1, 0, buf0_v, sem_in0).wait()
    _in_cp(CPW - 1, 1, buf1_v, sem_in1).wait()


@jax.jit
def _sc_gather(xs, ys, zs, features, inds):
    mesh = plsc.VectorSubcoreMesh(core_axis_name="c", subcore_axis_name="s")
    kern = functools.partial(
        pl.kernel,
        mesh=mesh,
        compiler_params=pltpu.CompilerParams(needs_layout_passes=False),
        out_type=(
            jax.ShapeDtypeStruct((B, M), jnp.float32),
            jax.ShapeDtypeStruct((B, M), jnp.float32),
            jax.ShapeDtypeStruct((B, M), jnp.float32),
            jax.ShapeDtypeStruct((B, C, M), jnp.float32),
        ),
        scratch_types=[
            pltpu.VMEM((M + 16,), jnp.int32),
            pltpu.VMEM((HALF,), jnp.float32),
            pltpu.VMEM((HALF,), jnp.float32),
            pltpu.VMEM((M,), jnp.float32),
            pltpu.VMEM((MPW,), jnp.int32),
            pltpu.SemaphoreType.DMA,
            pltpu.SemaphoreType.DMA,
        ],
    )(_sc_body)
    return kern(xs, ys, zs, features, inds)


def kernel(xyz, features, sample_inds):
    inds = sample_inds.astype(jnp.int32)
    ox, oy, oz, out_feat = _sc_gather(
        xyz[:, :, 0], xyz[:, :, 1], xyz[:, :, 2], features, inds)
    new_xyz = jnp.stack([ox, oy, oz], axis=-1)
    return (new_xyz, out_feat, sample_inds)

# --- scband reference (transcript-rebuilt; emitter-appended) ---
"""Pipeline reference for scband-general-sampling-module-1726576855003 (READ-ONLY COPY).

The authoritative reference and input builder live on the scoring server;
editing this copy changes nothing except your own understanding.
"""

import jax, jax.numpy as jnp
import numpy as np

B, N, C, M = 8, 65536, 128, 16384


def setup_inputs(seed: int = 0) -> dict:
    key = jax.random.key(seed)
    k1, k2, k3 = jax.random.split(key, 3)
    xyz = jax.random.normal(k1, (B, N, 3), dtype=jnp.float32)
    features = jax.random.normal(k2, (B, C, N), dtype=jnp.float32)
    sample_inds = jax.random.randint(k3, (B, M), 0, N, dtype=jnp.int64 if jax.config.read('jax_enable_x64') else jnp.int32)
    return {"xyz": xyz, "features": features, "sample_inds": sample_inds}


def reference(xyz, features, sample_inds):
    # Faithful translation of GeneralSamplingModule.forward:
    #   xyz_t = xyz.transpose(1, 2); new_xyz = gather_points(xyz_t, inds).transpose(1, 2)
    # gather_points(features[B,C,N], inds[B,M]) -> out[B,C,M] with out[b,c,m]=features[b,c,inds[b,m]]
    # Equivalent via take_along_axis without materializing the transpose:
    new_xyz = jnp.take_along_axis(xyz, sample_inds[:, :, None], axis=1)  # (B, M, 3)
    new_features = jnp.take_along_axis(features, sample_inds[:, None, :], axis=2)  # (B, C, M)
    return (new_xyz, new_features, sample_inds)

if __name__ == "__main__":
    import jax
    _d = setup_inputs()
    print(jax.jit(kernel)(*tuple(_d.values())))

</pallas_src>

<mosaic_0001>
#map = affine_map<(d0, d1) -> (0, 0)>
#map1 = affine_map<(d0, d1) -> (0, 0, 0)>
module attributes {stable_mosaic.version = 14 : i64} {
  func.func @_sc_body(%arg0: i32, %arg1: i32, %arg2: memref<8x65536xf32, #tpu.memory_space<hbm>>, %arg3: memref<8x65536xf32, #tpu.memory_space<hbm>>, %arg4: memref<8x65536xf32, #tpu.memory_space<hbm>>, %arg5: memref<8x128x65536xf32, #tpu.memory_space<hbm>>, %arg6: memref<8x16384xi32, #tpu.memory_space<hbm>>, %arg7: memref<8x16384xf32, #tpu.memory_space<hbm>>, %arg8: memref<8x16384xf32, #tpu.memory_space<hbm>>, %arg9: memref<8x16384xf32, #tpu.memory_space<hbm>>, %arg10: memref<8x128x16384xf32, #tpu.memory_space<hbm>>, %arg11: memref<16400xi32, #tpu.memory_space<vmem>>, %arg12: memref<32768xf32, #tpu.memory_space<vmem>>, %arg13: memref<32768xf32, #tpu.memory_space<vmem>>, %arg14: memref<16384xf32, #tpu.memory_space<vmem>>, %arg15: memref<4096xi32, #tpu.memory_space<vmem>>, %arg16: memref<!tpu.dma_semaphore, #tpu.memory_space<semaphore_mem>>, %arg17: memref<!tpu.dma_semaphore, #tpu.memory_space<semaphore_mem>>) attributes {dimension_semantics = [#tpu.dimension_semantics<core_parallel>, #tpu.dimension_semantics<subcore_parallel>], iteration_bounds = array<i64: 2, 16>, scalar_prefetch = 0 : i64, scratch_operands = 7 : i64, tpu.core_type = #tpu.core_type<sc_vector_subcore>, window_params = [{transform_indices = #map}, {transform_indices = #map}, {transform_indices = #map}, {transform_indices = #map1}, {transform_indices = #map}, {transform_indices = #map}, {transform_indices = #map}, {transform_indices = #map}, {transform_indices = #map1}]} {
    %mul3A = arith.constant 2 : i32
    %mul3A_0 = arith.muli %arg1, %mul3A : i32
    %add3A = arith.addi %mul3A_0, %arg0 : i32
    %jit3A = arith.constant 4 : i32
    %div3A = arith.divsi %add3A, %jit3A : i32
    %sign3A = arith.constant 0 : i32
    %sign3A_1 = arith.cmpi sgt, %add3A, %sign3A : i32
    %sign3A_2 = arith.extui %sign3A_1 : i1 to i32
    %sign3A_3 = arith.constant 0 : i32
    %sign3A_4 = arith.cmpi slt, %add3A, %sign3A_3 : i32
    %sign3A_5 = arith.extui %sign3A_4 : i1 to i32
    %sign3A_6 = arith.subi %sign3A_2, %sign3A_5 : i32
    %sign3A_7 = arith.constant 0 : i32
    %sign3A_8 = arith.cmpi sgt, %jit3A, %sign3A_7 : i32
    %sign3A_9 = arith.extui %sign3A_8 : i1 to i32
    %sign3A_10 = arith.constant 0 : i32
    %sign3A_11 = arith.cmpi slt, %jit3A, %sign3A_10 : i32
    %sign3A_12 = arith.extui %sign3A_11 : i1 to i32
    %sign3A_13 = arith.subi %sign3A_9, %sign3A_12 : i32
    %ne3A = arith.cmpi ne, %sign3A_6, %sign3A_13 : i32
    %rem3A = arith.remsi %add3A, %jit3A : i32
    %ne3A_14 = arith.constant 0 : i32
    %ne3A_15 = arith.cmpi ne, %rem3A, %ne3A_14 : i32
    %and3A = arith.andi %ne3A, %ne3A_15 : i1
    %sub3A = arith.constant 1 : i32
    %sub3A_16 = arith.subi %div3A, %sub3A : i32
    %select_n3A = arith.select %and3A, %sub3A_16, %div3A : i32
    %jit3A_17 = arith.constant 4 : i32
    %eq3A = arith.constant 0 : i32
    %eq3A_18 = arith.cmpi eq, %jit3A_17, %eq3A : i32
    %jit3A_19 = arith.constant 1 : i32
    %select_n3A_20 = arith.select %eq3A_18, %jit3A_19, %jit3A_17 : i32
    %rem3A_21 = arith.remsi %add3A, %select_n3A_20 : i32
    %ne3A_22 = arith.constant 0 : i32
    %ne3A_23 = arith.cmpi ne, %rem3A_21, %ne3A_22 : i32
    %lt3A = arith.constant 0 : i32
    %lt3A_24 = arith.cmpi slt, %rem3A_21, %lt3A : i32
    %lt3A_25 = arith.constant 0 : i32
    %lt3A_26 = arith.cmpi slt, %select_n3A_20, %lt3A_25 : i32
    %ne3A_27 = arith.xori %lt3A_24, %lt3A_26 : i1
    %and3A_28 = arith.andi %ne3A_27, %ne3A_23 : i1
    %add3A_29 = arith.addi %rem3A_21, %select_n3A_20 : i32
    %select_n3A_30 = arith.select %and3A_28, %add3A_29, %rem3A_21 : i32
    %mul3A_31 = arith.constant 32 : i32
    %mul3A_32 = arith.muli %select_n3A_30, %mul3A_31 : i32
    %mul3A_33 = arith.constant 4096 : i32
    %mul3A_34 = arith.muli %select_n3A_30, %mul3A_33 : i32
    "tpu.region"() ({
      %run_scoped3A = tpu.sem_alloc : memref<!tpu.dma_semaphore, #tpu.memory_space<semaphore_mem>>
      %dma_start3A_179 = tpu.memref_slice %arg6[%select_n3A, %mul3A_34] : memref<8x16384xi32, #tpu.memory_space<hbm>> -> memref<1x4096xi32, #tpu.memory_space<hbm>>
      %dma_start3A_180 = tpu.memref_squeeze %dma_start3A_179 : memref<1x4096xi32, #tpu.memory_space<hbm>> -> memref<4096xi32, #tpu.memory_space<hbm>>
      %dma_start3A_181 = tpu.memref_slice %arg6[%select_n3A, %mul3A_34] : memref<8x16384xi32, #tpu.memory_space<hbm>> -> memref<1x4096xi32, #tpu.memory_space<hbm>>
      %dma_start3A_182 = tpu.memref_squeeze %dma_start3A_181 : memref<1x4096xi32, #tpu.memory_space<hbm>> -> memref<4096xi32, #tpu.memory_space<hbm>>
      tpu.enqueue_dma source(%dma_start3A_182 : memref<4096xi32, #tpu.memory_space<hbm>>) target(%arg15 : memref<4096xi32, #tpu.memory_space<vmem>>) target_semaphore(%run_scoped3A : memref<!tpu.dma_semaphore, #tpu.memory_space<semaphore_mem>>)
      %dma_wait3A_183 = tpu.memref_slice %arg6[%select_n3A, %mul3A_34] : memref<8x16384xi32, #tpu.memory_space<hbm>> -> memref<1x4096xi32, #tpu.memory_space<hbm>>
      %dma_wait3A_184 = tpu.memref_squeeze %dma_wait3A_183 : memref<1x4096xi32, #tpu.memory_space<hbm>> -> memref<4096xi32, #tpu.memory_space<hbm>>
      %dma_wait3A_185 = tpu.memref_slice %arg6[%select_n3A, %mul3A_34] : memref<8x16384xi32, #tpu.memory_space<hbm>> -> memref<1x4096xi32, #tpu.memory_space<hbm>>
      %dma_wait3A_186 = tpu.memref_squeeze %dma_wait3A_185 : memref<1x4096xi32, #tpu.memory_space<hbm>> -> memref<4096xi32, #tpu.memory_space<hbm>>
      tpu.wait_dma2 semaphore(%run_scoped3A : memref<!tpu.dma_semaphore, #tpu.memory_space<semaphore_mem>>) src(%dma_wait3A_186 : memref<4096xi32, #tpu.memory_space<hbm>>) dst(%arg15 : memref<4096xi32, #tpu.memory_space<vmem>>)
      tpu.yield
    }) : () -> ()
    %dma_start3A = arith.constant 0 : i32
    %dma_start3A_35 = tpu.memref_slice %arg2[%select_n3A, %dma_start3A] : memref<8x65536xf32, #tpu.memory_space<hbm>> -> memref<1x32768xf32, #tpu.memory_space<hbm>>
    %dma_start3A_36 = tpu.memref_squeeze %dma_start3A_35 : memref<1x32768xf32, #tpu.memory_space<hbm>> -> memref<32768xf32, #tpu.memory_space<hbm>>
    %dma_start3A_37 = arith.constant 0 : i32
    %dma_start3A_38 = tpu.memref_slice %arg2[%select_n3A, %dma_start3A_37] : memref<8x65536xf32, #tpu.memory_space<hbm>> -> memref<1x32768xf32, #tpu.memory_space<hbm>>
    %dma_start3A_39 = tpu.memref_squeeze %dma_start3A_38 : memref<1x32768xf32, #tpu.memory_space<hbm>> -> memref<32768xf32, #tpu.memory_space<hbm>>
    tpu.enqueue_dma source(%dma_start3A_39 : memref<32768xf32, #tpu.memory_space<hbm>>) target(%arg12 : memref<32768xf32, #tpu.memory_space<vmem>>) target_semaphore(%arg16 : memref<!tpu.dma_semaphore, #tpu.memory_space<semaphore_mem>>)
    %dma_start3A_40 = arith.constant 32768 : i32
    %dma_start3A_41 = tpu.memref_slice %arg2[%select_n3A, %dma_start3A_40] : memref<8x65536xf32, #tpu.memory_space<hbm>> -> memref<1x32768xf32, #tpu.memory_space<hbm>>
    %dma_start3A_42 = tpu.memref_squeeze %dma_start3A_41 : memref<1x32768xf32, #tpu.memory_space<hbm>> -> memref<32768xf32, #tpu.memory_space<hbm>>
    %dma_start3A_43 = arith.constant 32768 : i32
    %dma_start3A_44 = tpu.memref_slice %arg2[%select_n3A, %dma_start3A_43] : memref<8x65536xf32, #tpu.memory_space<hbm>> -> memref<1x32768xf32, #tpu.memory_space<hbm>>
    %dma_start3A_45 = tpu.memref_squeeze %dma_start3A_44 : memref<1x32768xf32, #tpu.memory_space<hbm>> -> memref<32768xf32, #tpu.memory_space<hbm>>
    tpu.enqueue_dma source(%dma_start3A_45 : memref<32768xf32, #tpu.memory_space<hbm>>) target(%arg13 : memref<32768xf32, #tpu.memory_space<vmem>>) target_semaphore(%arg17 : memref<!tpu.dma_semaphore, #tpu.memory_space<semaphore_mem>>)
    %dma_wait3A = arith.constant 0 : i32
    %dma_wait3A_46 = tpu.memref_slice %arg2[%select_n3A, %dma_wait3A] : memref<8x65536xf32, #tpu.memory_space<hbm>> -> memref<1x32768xf32, #tpu.memory_space<hbm>>
    %dma_wait3A_47 = tpu.memref_squeeze %dma_wait3A_46 : memref<1x32768xf32, #tpu.memory_space<hbm>> -> memref<32768xf32, #tpu.memory_space<hbm>>
    %dma_wait3A_48 = arith.constant 0 : i32
    %dma_wait3A_49 = tpu.memref_slice %arg2[%select_n3A, %dma_wait3A_48] : memref<8x65536xf32, #tpu.memory_space<hbm>> -> memref<1x32768xf32, #tpu.memory_space<hbm>>
    %dma_wait3A_50 = tpu.memref_squeeze %dma_wait3A_49 : memref<1x32768xf32, #tpu.memory_space<hbm>> -> memref<32768xf32, #tpu.memory_space<hbm>>
    tpu.wait_dma2 semaphore(%arg16 : memref<!tpu.dma_semaphore, #tpu.memory_space<semaphore_mem>>) src(%dma_wait3A_50 : memref<32768xf32, #tpu.memory_space<hbm>>) dst(%arg12 : memref<32768xf32, #tpu.memory_space<vmem>>)
    %parallel_loop3A = arith.constant 0 : i32
    %parallel_loop3A_51 = arith.constant 4096 : i32
    %parallel_loop3A_52 = arith.constant 16 : i32
    scf.for %parallel_loop3A_179 = %parallel_loop3A to %parallel_loop3A_51 step %parallel_loop3A_52  : i32 {
      %parallel_loop3A_180 = arith.index_cast %parallel_loop3A_179 : i32 to index
      %parallel_loop3A_181 = tpu.vector_load %arg15[%parallel_loop3A_180] {strides = array<i32>} : memref<4096xi32, #tpu.memory_space<vmem>>, vector<16xi32>,
      %parallel_loop3A_182 = arith.constant 0 : i32
      %parallel_loop3A_183 = vector.broadcast %parallel_loop3A_182 : i32 to vector<16xi32>
      %parallel_loop3A_184 = arith.subi %parallel_loop3A_181, %parallel_loop3A_183 : vector<16xi32>
      %parallel_loop3A_185 = arith.constant 0 : i32
      %parallel_loop3A_186 = vector.broadcast %parallel_loop3A_185 : i32 to vector<16xi32>
      %parallel_loop3A_187 = arith.cmpi sge, %parallel_loop3A_184, %parallel_loop3A_186 : vector<16xi32>
      %parallel_loop3A_188 = arith.constant 32768 : i32
      %parallel_loop3A_189 = vector.broadcast %parallel_loop3A_188 : i32 to vector<16xi32>
      %parallel_loop3A_190 = arith.cmpi slt, %parallel_loop3A_184, %parallel_loop3A_189 : vector<16xi32>
      %parallel_loop3A_191 = arith.andi %parallel_loop3A_187, %parallel_loop3A_190 : vector<16xi1>
      %parallel_loop3A_192 = arith.constant 0 : i32
      %parallel_loop3A_193 = arith.constant 32767 : i32
      %parallel_loop3A_194 = vector.broadcast %parallel_loop3A_192 : i32 to vector<16xi32>
      %parallel_loop3A_195 = arith.maxsi %parallel_loop3A_194, %parallel_loop3A_184 : vector<16xi32>
      %parallel_loop3A_196 = vector.broadcast %parallel_loop3A_193 : i32 to vector<16xi32>
      %parallel_loop3A_197 = arith.minsi %parallel_loop3A_196, %parallel_loop3A_195 : vector<16xi32>
      %parallel_loop3A_198 = tpu.vector_load_idx %arg12[%parallel_loop3A_197] masked %parallel_loop3A_191 : memref<32768xf32, #tpu.memory_space<vmem>>[vector<16xi32>], vector<16xf32>, vector<16xi1>
      %parallel_loop3A_199 = arith.constant 0 : i32
      %parallel_loop3A_200 = arith.addi %parallel_loop3A_199, %parallel_loop3A_179 : i32
      %parallel_loop3A_201 = tpu.iota {dimensions = array<i32: 0>} : vector<16xi32>
      %parallel_loop3A_202 = vector.broadcast %parallel_loop3A_200 : i32 to vector<16xi32>
      %parallel_loop3A_203 = arith.addi %parallel_loop3A_202, %parallel_loop3A_201 : vector<16xi32>
      tpu.vector_store_idx %arg14[%parallel_loop3A_203], %parallel_loop3A_198 masked %parallel_loop3A_191 : memref<16384xf32, #tpu.memory_space<vmem>>[vector<16xi32>], vector<16xf32>, vector<16xi1>
    } {sc.loop_unroll_factor = 4 : i64, sc.parallel_access}
    %dma_start3A_53 = arith.constant 0 : i32
    %dma_start3A_54 = tpu.memref_slice %arg3[%select_n3A, %dma_start3A_53] : memref<8x65536xf32, #tpu.memory_space<hbm>> -> memref<1x32768xf32, #tpu.memory_space<hbm>>
    %dma_start3A_55 = tpu.memref_squeeze %dma_start3A_54 : memref<1x32768xf32, #tpu.memory_space<hbm>> -> memref<32768xf32, #tpu.memory_space<hbm>>
    %dma_start3A_56 = arith.constant 0 : i32
    %dma_start3A_57 = tpu.memref_slice %arg3[%select_n3A, %dma_start3A_56] : memref<8x65536xf32, #tpu.memory_space<hbm>> -> memref<1x32768xf32, #tpu.memory_space<hbm>>
    %dma_start3A_58 = tpu.memref_squeeze %dma_start3A_57 : memref<1x32768xf32, #tpu.memory_space<hbm>> -> memref<32768xf32, #tpu.memory_space<hbm>>
    tpu.enqueue_dma source(%dma_start3A_58 : memref<32768xf32, #tpu.memory_space<hbm>>) target(%arg12 : memref<32768xf32, #tpu.memory_space<vmem>>) target_semaphore(%arg16 : memref<!tpu.dma_semaphore, #tpu.memory_space<semaphore_mem>>)
    %dma_wait3A_59 = arith.constant 32768 : i32
    %dma_wait3A_60 = tpu.memref_slice %arg2[%select_n3A, %dma_wait3A_59] : memref<8x65536xf32, #tpu.memory_space<hbm>> -> memref<1x32768xf32, #tpu.memory_space<hbm>>
    %dma_wait3A_61 = tpu.memref_squeeze %dma_wait3A_60 : memref<1x32768xf32, #tpu.memory_space<hbm>> -> memref<32768xf32, #tpu.memory_space<hbm>>
    %dma_wait3A_62 = arith.constant 32768 : i32
    %dma_wait3A_63 = tpu.memref_slice %arg2[%select_n3A, %dma_wait3A_62] : memref<8x65536xf32, #tpu.memory_space<hbm>> -> memref<1x32768xf32, #tpu.memory_space<hbm>>
    %dma_wait3A_64 = tpu.memref_squeeze %dma_wait3A_63 : memref<1x32768xf32, #tpu.memory_space<hbm>> -> memref<32768xf32, #tpu.memory_space<hbm>>
    tpu.wait_dma2 semaphore(%arg17 : memref<!tpu.dma_semaphore, #tpu.memory_space<semaphore_mem>>) src(%dma_wait3A_64 : memref<32768xf32, #tpu.memory_space<hbm>>) dst(%arg13 : memref<32768xf32, #tpu.memory_space<vmem>>)
    %parallel_loop3A_65 = arith.constant 0 : i32
    %parallel_loop3A_66 = arith.constant 4096 : i32
    %parallel_loop3A_67 = arith.constant 16 : i32
    scf.for %parallel_loop3A_179 = %parallel_loop3A_65 to %parallel_loop3A_66 step %parallel_loop3A_67  : i32 {
      %parallel_loop3A_180 = arith.index_cast %parallel_loop3A_179 : i32 to index
      %parallel_loop3A_181 = tpu.vector_load %arg15[%parallel_loop3A_180] {strides = array<i32>} : memref<4096xi32, #tpu.memory_space<vmem>>, vector<16xi32>,
      %parallel_loop3A_182 = arith.constant 32768 : i32
      %parallel_loop3A_183 = vector.broadcast %parallel_loop3A_182 : i32 to vector<16xi32>
      %parallel_loop3A_184 = arith.subi %parallel_loop3A_181, %parallel_loop3A_183 : vector<16xi32>
      %parallel_loop3A_185 = arith.constant 0 : i32
      %parallel_loop3A_186 = vector.broadcast %parallel_loop3A_185 : i32 to vector<16xi32>
      %parallel_loop3A_187 = arith.cmpi sge, %parallel_loop3A_184, %parallel_loop3A_186 : vector<16xi32>
      %parallel_loop3A_188 = arith.constant 32768 : i32
      %parallel_loop3A_189 = vector.broadcast %parallel_loop3A_188 : i32 to vector<16xi32>
      %parallel_loop3A_190 = arith.cmpi slt, %parallel_loop3A_184, %parallel_loop3A_189 : vector<16xi32>
      %parallel_loop3A_191 = arith.andi %parallel_loop3A_187, %parallel_loop3A_190 : vector<16xi1>
      %parallel_loop3A_192 = arith.constant 0 : i32
      %parallel_loop3A_193 = arith.constant 32767 : i32
      %parallel_loop3A_194 = vector.broadcast %parallel_loop3A_192 : i32 to vector<16xi32>
      %parallel_loop3A_195 = arith.maxsi %parallel_loop3A_194, %parallel_loop3A_184 : vector<16xi32>
      %parallel_loop3A_196 = vector.broadcast %parallel_loop3A_193 : i32 to vector<16xi32>
      %parallel_loop3A_197 = arith.minsi %parallel_loop3A_196, %parallel_loop3A_195 : vector<16xi32>
      %parallel_loop3A_198 = tpu.vector_load_idx %arg13[%parallel_loop3A_197] masked %parallel_loop3A_191 : memref<32768xf32, #tpu.memory_space<vmem>>[vector<16xi32>], vector<16xf32>, vector<16xi1>
      %parallel_loop3A_199 = arith.constant 0 : i32
      %parallel_loop3A_200 = arith.addi %parallel_loop3A_199, %parallel_loop3A_179 : i32
      %parallel_loop3A_201 = tpu.iota {dimensions = array<i32: 0>} : vector<16xi32>
      %parallel_loop3A_202 = vector.broadcast %parallel_loop3A_200 : i32 to vector<16xi32>
      %parallel_loop3A_203 = arith.addi %parallel_loop3A_202, %parallel_loop3A_201 : vector<16xi32>
      tpu.vector_store_idx %arg14[%parallel_loop3A_203], %parallel_loop3A_198 masked %parallel_loop3A_191 : memref<16384xf32, #tpu.memory_space<vmem>>[vector<16xi32>], vector<16xf32>, vector<16xi1>
    } {sc.loop_unroll_factor = 4 : i64, sc.parallel_access}
    %dma_start3A_68 = arith.constant 32768 : i32
    %dma_start3A_69 = tpu.memref_slice %arg3[%select_n3A, %dma_start3A_68] : memref<8x65536xf32, #tpu.memory_space<hbm>> -> memref<1x32768xf32, #tpu.memory_space<hbm>>
    %dma_start3A_70 = tpu.memref_squeeze %dma_start3A_69 : memref<1x32768xf32, #tpu.memory_space<hbm>> -> memref<32768xf32, #tpu.memory_space<hbm>>
    %dma_start3A_71 = arith.constant 32768 : i32
    %dma_start3A_72 = tpu.memref_slice %arg3[%select_n3A, %dma_start3A_71] : memref<8x65536xf32, #tpu.memory_space<hbm>> -> memref<1x32768xf32, #tpu.memory_space<hbm>>
    %dma_start3A_73 = tpu.memref_squeeze %dma_start3A_72 : memref<1x32768xf32, #tpu.memory_space<hbm>> -> memref<32768xf32, #tpu.memory_space<hbm>>
    tpu.enqueue_dma source(%dma_start3A_73 : memref<32768xf32, #tpu.memory_space<hbm>>) target(%arg13 : memref<32768xf32, #tpu.memory_space<vmem>>) target_semaphore(%arg17 : memref<!tpu.dma_semaphore, #tpu.memory_space<semaphore_mem>>)
    %dma_wait3A_74 = arith.constant 0 : i32
    %dma_wait3A_75 = tpu.memref_slice %arg3[%select_n3A, %dma_wait3A_74] : memref<8x65536xf32, #tpu.memory_space<hbm>> -> memref<1x32768xf32, #tpu.memory_space<hbm>>
    %dma_wait3A_76 = tpu.memref_squeeze %dma_wait3A_75 : memref<1x32768xf32, #tpu.memory_space<hbm>> -> memref<32768xf32, #tpu.memory_space<hbm>>
    %dma_wait3A_77 = arith.constant 0 : i32
    %dma_wait3A_78 = tpu.memref_slice %arg3[%select_n3A, %dma_wait3A_77] : memref<8x65536xf32, #tpu.memory_space<hbm>> -> memref<1x32768xf32, #tpu.memory_space<hbm>>
    %dma_wait3A_79 = tpu.memref_squeeze %dma_wait3A_78 : memref<1x32768xf32, #tpu.memory_space<hbm>> -> memref<32768xf32, #tpu.memory_space<hbm>>
    tpu.wait_dma2 semaphore(%arg16 : memref<!tpu.dma_semaphore, #tpu.memory_space<semaphore_mem>>) src(%dma_wait3A_79 : memref<32768xf32, #tpu.memory_space<hbm>>) dst(%arg12 : memref<32768xf32, #tpu.memory_space<vmem>>)
    %parallel_loop3A_80 = arith.constant 0 : i32
    %parallel_loop3A_81 = arith.constant 4096 : i32
    %parallel_loop3A_82 = arith.constant 16 : i32
    scf.for %parallel_loop3A_179 = %parallel_loop3A_80 to %parallel_loop3A_81 step %parallel_loop3A_82  : i32 {
      %parallel_loop3A_180 = arith.index_cast %parallel_loop3A_179 : i32 to index
      %parallel_loop3A_181 = tpu.vector_load %arg15[%parallel_loop3A_180] {strides = array<i32>} : memref<4096xi32, #tpu.memory_space<vmem>>, vector<16xi32>,
      %parallel_loop3A_182 = arith.constant 0 : i32
      %parallel_loop3A_183 = vector.broadcast %parallel_loop3A_182 : i32 to vector<16xi32>
      %parallel_loop3A_184 = arith.subi %parallel_loop3A_181, %parallel_loop3A_183 : vector<16xi32>
      %parallel_loop3A_185 = arith.constant 0 : i32
      %parallel_loop3A_186 = vector.broadcast %parallel_loop3A_185 : i32 to vector<16xi32>
      %parallel_loop3A_187 = arith.cmpi sge, %parallel_loop3A_184, %parallel_loop3A_186 : vector<16xi32>
      %parallel_loop3A_188 = arith.constant 32768 : i32
      %parallel_loop3A_189 = vector.broadcast %parallel_loop3A_188 : i32 to vector<16xi32>
      %parallel_loop3A_190 = arith.cmpi slt, %parallel_loop3A_184, %parallel_loop3A_189 : vector<16xi32>
      %parallel_loop3A_191 = arith.andi %parallel_loop3A_187, %parallel_loop3A_190 : vector<16xi1>
      %parallel_loop3A_192 = arith.constant 0 : i32
      %parallel_loop3A_193 = arith.constant 32767 : i32
      %parallel_loop3A_194 = vector.broadcast %parallel_loop3A_192 : i32 to vector<16xi32>
      %parallel_loop3A_195 = arith.maxsi %parallel_loop3A_194, %parallel_loop3A_184 : vector<16xi32>
      %parallel_loop3A_196 = vector.broadcast %parallel_loop3A_193 : i32 to vector<16xi32>
      %parallel_loop3A_197 = arith.minsi %parallel_loop3A_196, %parallel_loop3A_195 : vector<16xi32>
      %parallel_loop3A_198 = tpu.vector_load_idx %arg12[%parallel_loop3A_197] masked %parallel_loop3A_191 : memref<32768xf32, #tpu.memory_space<vmem>>[vector<16xi32>], vector<16xf32>, vector<16xi1>
      %parallel_loop3A_199 = arith.constant 4096 : i32
      %parallel_loop3A_200 = arith.addi %parallel_loop3A_199, %parallel_loop3A_179 : i32
      %parallel_loop3A_201 = tpu.iota {dimensions = array<i32: 0>} : vector<16xi32>
      %parallel_loop3A_202 = vector.broadcast %parallel_loop3A_200 : i32 to vector<16xi32>
      %parallel_loop3A_203 = arith.addi %parallel_loop3A_202, %parallel_loop3A_201 : vector<16xi32>
      tpu.vector_store_idx %arg14[%parallel_loop3A_203], %parallel_loop3A_198 masked %parallel_loop3A_191 : memref<16384xf32, #tpu.memory_space<vmem>>[vector<16xi32>], vector<16xf32>, vector<16xi1>
    } {sc.loop_unroll_factor = 4 : i64, sc.parallel_access}
    %dma_start3A_83 = arith.constant 0 : i32
    %dma_start3A_84 = tpu.memref_slice %arg4[%select_n3A, %dma_start3A_83] : memref<8x65536xf32, #tpu.memory_space<hbm>> -> memref<1x32768xf32, #tpu.memory_space<hbm>>
    %dma_start3A_85 = tpu.memref_squeeze %dma_start3A_84 : memref<1x32768xf32, #tpu.memory_space<hbm>> -> memref<32768xf32, #tpu.memory_space<hbm>>
    %dma_start3A_86 = arith.constant 0 : i32
    %dma_start3A_87 = tpu.memref_slice %arg4[%select_n3A, %dma_start3A_86] : memref<8x65536xf32, #tpu.memory_space<hbm>> -> memref<1x32768xf32, #tpu.memory_space<hbm>>
    %dma_start3A_88 = tpu.memref_squeeze %dma_start3A_87 : memref<1x32768xf32, #tpu.memory_space<hbm>> -> memref<32768xf32, #tpu.memory_space<hbm>>
    tpu.enqueue_dma source(%dma_start3A_88 : memref<32768xf32, #tpu.memory_space<hbm>>) target(%arg12 : memref<32768xf32, #tpu.memory_space<vmem>>) target_semaphore(%arg16 : memref<!tpu.dma_semaphore, #tpu.memory_space<semaphore_mem>>)
    %dma_wait3A_89 = arith.constant 32768 : i32
    %dma_wait3A_90 = tpu.memref_slice %arg3[%select_n3A, %dma_wait3A_89] : memref<8x65536xf32, #tpu.memory_space<hbm>> -> memref<1x32768xf32, #tpu.memory_space<hbm>>
    %dma_wait3A_91 = tpu.memref_squeeze %dma_wait3A_90 : memref<1x32768xf32, #tpu.memory_space<hbm>> -> memref<32768xf32, #tpu.memory_space<hbm>>
    %dma_wait3A_92 = arith.constant 32768 : i32
    %dma_wait3A_93 = tpu.memref_slice %arg3[%select_n3A, %dma_wait3A_92] : memref<8x65536xf32, #tpu.memory_space<hbm>> -> memref<1x32768xf32, #tpu.memory_space<hbm>>
    %dma_wait3A_94 = tpu.memref_squeeze %dma_wait3A_93 : memref<1x32768xf32, #tpu.memory_space<hbm>> -> memref<32768xf32, #tpu.memory_space<hbm>>
    tpu.wait_dma2 semaphore(%arg17 : memref<!tpu.dma_semaphore, #tpu.memory_space<semaphore_mem>>) src(%dma_wait3A_94 : memref<32768xf32, #tpu.memory_space<hbm>>) dst(%arg13 : memref<32768xf32, #tpu.memory_space<vmem>>)
    %parallel_loop3A_95 = arith.constant 0 : i32
    %parallel_loop3A_96 = arith.constant 4096 : i32
    %parallel_loop3A_97 = arith.constant 16 : i32
    scf.for %parallel_loop3A_179 = %parallel_loop3A_95 to %parallel_loop3A_96 step %parallel_loop3A_97  : i32 {
      %parallel_loop3A_180 = arith.index_cast %parallel_loop3A_179 : i32 to index
      %parallel_loop3A_181 = tpu.vector_load %arg15[%parallel_loop3A_180] {strides = array<i32>} : memref<4096xi32, #tpu.memory_space<vmem>>, vector<16xi32>,
      %parallel_loop3A_182 = arith.constant 32768 : i32
      %parallel_loop3A_183 = vector.broadcast %parallel_loop3A_182 : i32 to vector<16xi32>
      %parallel_loop3A_184 = arith.subi %parallel_loop3A_181, %parallel_loop3A_183 : vector<16xi32>
      %parallel_loop3A_185 = arith.constant 0 : i32
      %parallel_loop3A_186 = vector.broadcast %parallel_loop3A_185 : i32 to vector<16xi32>
      %parallel_loop3A_187 = arith.cmpi sge, %parallel_loop3A_184, %parallel_loop3A_186 : vector<16xi32>
      %parallel_loop3A_188 = arith.constant 32768 : i32
      %parallel_loop3A_189 = vector.broadcast %parallel_loop3A_188 : i32 to vector<16xi32>
      %parallel_loop3A_190 = arith.cmpi slt, %parallel_loop3A_184, %parallel_loop3A_189 : vector<16xi32>
      %parallel_loop3A_191 = arith.andi %parallel_loop3A_187, %parallel_loop3A_190 : vector<16xi1>
      %parallel_loop3A_192 = arith.constant 0 : i32
      %parallel_loop3A_193 = arith.constant 32767 : i32
      %parallel_loop3A_194 = vector.broadcast %parallel_loop3A_192 : i32 to vector<16xi32>
      %parallel_loop3A_195 = arith.maxsi %parallel_loop3A_194, %parallel_loop3A_184 : vector<16xi32>
      %parallel_loop3A_196 = vector.broadcast %parallel_loop3A_193 : i32 to vector<16xi32>
      %parallel_loop3A_197 = arith.minsi %parallel_loop3A_196, %parallel_loop3A_195 : vector<16xi32>
      %parallel_loop3A_198 = tpu.vector_load_idx %arg13[%parallel_loop3A_197] masked %parallel_loop3A_191 : memref<32768xf32, #tpu.memory_space<vmem>>[vector<16xi32>], vector<16xf32>, vector<16xi1>
      %parallel_loop3A_199 = arith.constant 4096 : i32
      %parallel_loop3A_200 = arith.addi %parallel_loop3A_199, %parallel_loop3A_179 : i32
      %parallel_loop3A_201 = tpu.iota {dimensions = array<i32: 0>} : vector<16xi32>
      %parallel_loop3A_202 = vector.broadcast %parallel_loop3A_200 : i32 to vector<16xi32>
      %parallel_loop3A_203 = arith.addi %parallel_loop3A_202, %parallel_loop3A_201 : vector<16xi32>
      tpu.vector_store_idx %arg14[%parallel_loop3A_203], %parallel_loop3A_198 masked %parallel_loop3A_191 : memref<16384xf32, #tpu.memory_space<vmem>>[vector<16xi32>], vector<16xf32>, vector<16xi1>
    } {sc.loop_unroll_factor = 4 : i64, sc.parallel_access}
    %dma_start3A_98 = arith.constant 32768 : i32
    %dma_start3A_99 = tpu.memref_slice %arg4[%select_n3A, %dma_start3A_98] : memref<8x65536xf32, #tpu.memory_space<hbm>> -> memref<1x32768xf32, #tpu.memory_space<hbm>>
    %dma_start3A_100 = tpu.memref_squeeze %dma_start3A_99 : memref<1x32768xf32, #tpu.memory_space<hbm>> -> memref<32768xf32, #tpu.memory_space<hbm>>
    %dma_start3A_101 = arith.constant 32768 : i32
    %dma_start3A_102 = tpu.memref_slice %arg4[%select_n3A, %dma_start3A_101] : memref<8x65536xf32, #tpu.memory_space<hbm>> -> memref<1x32768xf32, #tpu.memory_space<hbm>>
    %dma_start3A_103 = tpu.memref_squeeze %dma_start3A_102 : memref<1x32768xf32, #tpu.memory_space<hbm>> -> memref<32768xf32, #tpu.memory_space<hbm>>
    tpu.enqueue_dma source(%dma_start3A_103 : memref<32768xf32, #tpu.memory_space<hbm>>) target(%arg13 : memref<32768xf32, #tpu.memory_space<vmem>>) target_semaphore(%arg17 : memref<!tpu.dma_semaphore, #tpu.memory_space<semaphore_mem>>)
    %dma_wait3A_104 = arith.constant 0 : i32
    %dma_wait3A_105 = tpu.memref_slice %arg4[%select_n3A, %dma_wait3A_104] : memref<8x65536xf32, #tpu.memory_space<hbm>> -> memref<1x32768xf32, #tpu.memory_space<hbm>>
    %dma_wait3A_106 = tpu.memref_squeeze %dma_wait3A_105 : memref<1x32768xf32, #tpu.memory_space<hbm>> -> memref<32768xf32, #tpu.memory_space<hbm>>
    %dma_wait3A_107 = arith.constant 0 : i32
    %dma_wait3A_108 = tpu.memref_slice %arg4[%select_n3A, %dma_wait3A_107] : memref<8x65536xf32, #tpu.memory_space<hbm>> -> memref<1x32768xf32, #tpu.memory_space<hbm>>
    %dma_wait3A_109 = tpu.memref_squeeze %dma_wait3A_108 : memref<1x32768xf32, #tpu.memory_space<hbm>> -> memref<32768xf32, #tpu.memory_space<hbm>>
    tpu.wait_dma2 semaphore(%arg16 : memref<!tpu.dma_semaphore, #tpu.memory_space<semaphore_mem>>) src(%dma_wait3A_109 : memref<32768xf32, #tpu.memory_space<hbm>>) dst(%arg12 : memref<32768xf32, #tpu.memory_space<vmem>>)
    %parallel_loop3A_110 = arith.constant 0 : i32
    %parallel_loop3A_111 = arith.constant 4096 : i32
    %parallel_loop3A_112 = arith.constant 16 : i32
    scf.for %parallel_loop3A_179 = %parallel_loop3A_110 to %parallel_loop3A_111 step %parallel_loop3A_112  : i32 {
      %parallel_loop3A_180 = arith.index_cast %parallel_loop3A_179 : i32 to index
      %parallel_loop3A_181 = tpu.vector_load %arg15[%parallel_loop3A_180] {strides = array<i32>} : memref<4096xi32, #tpu.memory_space<vmem>>, vector<16xi32>,
      %parallel_loop3A_182 = arith.constant 0 : i32
      %parallel_loop3A_183 = vector.broadcast %parallel_loop3A_182 : i32 to vector<16xi32>
      %parallel_loop3A_184 = arith.subi %parallel_loop3A_181, %parallel_loop3A_183 : vector<16xi32>
      %parallel_loop3A_185 = arith.constant 0 : i32
      %parallel_loop3A_186 = vector.broadcast %parallel_loop3A_185 : i32 to vector<16xi32>
      %parallel_loop3A_187 = arith.cmpi sge, %parallel_loop3A_184, %parallel_loop3A_186 : vector<16xi32>
      %parallel_loop3A_188 = arith.constant 32768 : i32
      %parallel_loop3A_189 = vector.broadcast %parallel_loop3A_188 : i32 to vector<16xi32>
      %parallel_loop3A_190 = arith.cmpi slt, %parallel_loop3A_184, %parallel_loop3A_189 : vector<16xi32>
      %parallel_loop3A_191 = arith.andi %parallel_loop3A_187, %parallel_loop3A_190 : vector<16xi1>
      %parallel_loop3A_192 = arith.constant 0 : i32
      %parallel_loop3A_193 = arith.constant 32767 : i32
      %parallel_loop3A_194 = vector.broadcast %parallel_loop3A_192 : i32 to vector<16xi32>
      %parallel_loop3A_195 = arith.maxsi %parallel_loop3A_194, %parallel_loop3A_184 : vector<16xi32>
      %parallel_loop3A_196 = vector.broadcast %parallel_loop3A_193 : i32 to vector<16xi32>
      %parallel_loop3A_197 = arith.minsi %parallel_loop3A_196, %parallel_loop3A_195 : vector<16xi32>
      %parallel_loop3A_198 = tpu.vector_load_idx %arg12[%parallel_loop3A_197] masked %parallel_loop3A_191 : memref<32768xf32, #tpu.memory_space<vmem>>[vector<16xi32>], vector<16xf32>, vector<16xi1>
      %parallel_loop3A_199 = arith.constant 8192 : i32
      %parallel_loop3A_200 = arith.addi %parallel_loop3A_199, %parallel_loop3A_179 : i32
      %parallel_loop3A_201 = tpu.iota {dimensions = array<i32: 0>} : vector<16xi32>
      %parallel_loop3A_202 = vector.broadcast %parallel_loop3A_200 : i32 to vector<16xi32>
      %parallel_loop3A_203 = arith.addi %parallel_loop3A_202, %parallel_loop3A_201 : vector<16xi32>
      tpu.vector_store_idx %arg14[%parallel_loop3A_203], %parallel_loop3A_198 masked %parallel_loop3A_191 : memref<16384xf32, #tpu.memory_space<vmem>>[vector<16xi32>], vector<16xf32>, vector<16xi1>
    } {sc.loop_unroll_factor = 4 : i64, sc.parallel_access}
    %dma_wait3A_113 = arith.constant 32768 : i32
    %dma_wait3A_114 = tpu.memref_slice %arg4[%select_n3A, %dma_wait3A_113] : memref<8x65536xf32, #tpu.memory_space<hbm>> -> memref<1x32768xf32, #tpu.memory_space<hbm>>
    %dma_wait3A_115 = tpu.memref_squeeze %dma_wait3A_114 : memref<1x32768xf32, #tpu.memory_space<hbm>> -> memref<32768xf32, #tpu.memory_space<hbm>>
    %dma_wait3A_116 = arith.constant 32768 : i32
    %dma_wait3A_117 = tpu.memref_slice %arg4[%select_n3A, %dma_wait3A_116] : memref<8x65536xf32, #tpu.memory_space<hbm>> -> memref<1x32768xf32, #tpu.memory_space<hbm>>
    %dma_wait3A_118 = tpu.memref_squeeze %dma_wait3A_117 : memref<1x32768xf32, #tpu.memory_space<hbm>> -> memref<32768xf32, #tpu.memory_space<hbm>>
    tpu.wait_dma2 semaphore(%arg17 : memref<!tpu.dma_semaphore, #tpu.memory_space<semaphore_mem>>) src(%dma_wait3A_118 : memref<32768xf32, #tpu.memory_space<hbm>>) dst(%arg13 : memref<32768xf32, #tpu.memory_space<vmem>>)
    %parallel_loop3A_119 = arith.constant 0 : i32
    %parallel_loop3A_120 = arith.constant 4096 : i32
    %parallel_loop3A_121 = arith.constant 16 : i32
    scf.for %parallel_loop3A_179 = %parallel_loop3A_119 to %parallel_loop3A_120 step %parallel_loop3A_121  : i32 {
      %parallel_loop3A_180 = arith.index_cast %parallel_loop3A_179 : i32 to index
      %parallel_loop3A_181 = tpu.vector_load %arg15[%parallel_loop3A_180] {strides = array<i32>} : memref<4096xi32, #tpu.memory_space<vmem>>, vector<16xi32>,
      %parallel_loop3A_182 = arith.constant 32768 : i32
      %parallel_loop3A_183 = vector.broadcast %parallel_loop3A_182 : i32 to vector<16xi32>
      %parallel_loop3A_184 = arith.subi %parallel_loop3A_181, %parallel_loop3A_183 : vector<16xi32>
      %parallel_loop3A_185 = arith.constant 0 : i32
      %parallel_loop3A_186 = vector.broadcast %parallel_loop3A_185 : i32 to vector<16xi32>
      %parallel_loop3A_187 = arith.cmpi sge, %parallel_loop3A_184, %parallel_loop3A_186 : vector<16xi32>
      %parallel_loop3A_188 = arith.constant 32768 : i32
      %parallel_loop3A_189 = vector.broadcast %parallel_loop3A_188 : i32 to vector<16xi32>
      %parallel_loop3A_190 = arith.cmpi slt, %parallel_loop3A_184, %parallel_loop3A_189 : vector<16xi32>
      %parallel_loop3A_191 = arith.andi %parallel_loop3A_187, %parallel_loop3A_190 : vector<16xi1>
      %parallel_loop3A_192 = arith.constant 0 : i32
      %parallel_loop3A_193 = arith.constant 32767 : i32
      %parallel_loop3A_194 = vector.broadcast %parallel_loop3A_192 : i32 to vector<16xi32>
      %parallel_loop3A_195 = arith.maxsi %parallel_loop3A_194, %parallel_loop3A_184 : vector<16xi32>
      %parallel_loop3A_196 = vector.broadcast %parallel_loop3A_193 : i32 to vector<16xi32>
      %parallel_loop3A_197 = arith.minsi %parallel_loop3A_196, %parallel_loop3A_195 : vector<16xi32>
      %parallel_loop3A_198 = tpu.vector_load_idx %arg13[%parallel_loop3A_197] masked %parallel_loop3A_191 : memref<32768xf32, #tpu.memory_space<vmem>>[vector<16xi32>], vector<16xf32>, vector<16xi1>
      %parallel_loop3A_199 = arith.constant 8192 : i32
      %parallel_loop3A_200 = arith.addi %parallel_loop3A_199, %parallel_loop3A_179 : i32
      %parallel_loop3A_201 = tpu.iota {dimensions = array<i32: 0>} : vector<16xi32>
      %parallel_loop3A_202 = vector.broadcast %parallel_loop3A_200 : i32 to vector<16xi32>
      %parallel_loop3A_203 = arith.addi %parallel_loop3A_202, %parallel_loop3A_201 : vector<16xi32>
      tpu.vector_store_idx %arg14[%parallel_loop3A_203], %parallel_loop3A_198 masked %parallel_loop3A_191 : memref<16384xf32, #tpu.memory_space<vmem>>[vector<16xi32>], vector<16xf32>, vector<16xi1>
    } {sc.loop_unroll_factor = 4 : i64, sc.parallel_access}
    %mul3A_122 = arith.constant 4096 : i32
    %mul3A_123 = arith.muli %select_n3A_30, %mul3A_122 : i32
    "tpu.region"() ({
      %run_scoped3A = tpu.sem_alloc : memref<!tpu.dma_semaphore, #tpu.memory_space<semaphore_mem>>
      %dma_start3A_179 = arith.constant 0 : i32
      %dma_start3A_180 = tpu.memref_slice %arg14[%dma_start3A_179] : memref<16384xf32, #tpu.memory_space<vmem>> -> memref<4096xf32, #tpu.memory_space<vmem>>
      %dma_start3A_181 = tpu.memref_slice %arg7[%select_n3A, %mul3A_123] : memref<8x16384xf32, #tpu.memory_space<hbm>> -> memref<1x4096xf32, #tpu.memory_space<hbm>>
      %dma_start3A_182 = tpu.memref_squeeze %dma_start3A_181 : memref<1x4096xf32, #tpu.memory_space<hbm>> -> memref<4096xf32, #tpu.memory_space<hbm>>
      %dma_start3A_183 = tpu.memref_slice %arg7[%select_n3A, %mul3A_123] : memref<8x16384xf32, #tpu.memory_space<hbm>> -> memref<1x4096xf32, #tpu.memory_space<hbm>>
      %dma_start3A_184 = tpu.memref_squeeze %dma_start3A_183 : memref<1x4096xf32, #tpu.memory_space<hbm>> -> memref<4096xf32, #tpu.memory_space<hbm>>
      %dma_start3A_185 = arith.constant 0 : i32
      %dma_start3A_186 = tpu.memref_slice %arg14[%dma_start3A_185] : memref<16384xf32, #tpu.memory_space<vmem>> -> memref<4096xf32, #tpu.memory_space<vmem>>
      tpu.enqueue_dma source(%dma_start3A_186 : memref<4096xf32, #tpu.memory_space<vmem>>) target(%dma_start3A_184 : memref<4096xf32, #tpu.memory_space<hbm>>) target_semaphore(%run_scoped3A : memref<!tpu.dma_semaphore, #tpu.memory_space<semaphore_mem>>)
      %dma_wait3A_187 = arith.constant 0 : i32
      %dma_wait3A_188 = tpu.memref_slice %arg14[%dma_wait3A_187] : memref<16384xf32, #tpu.memory_space<vmem>> -> memref<4096xf32, #tpu.memory_space<vmem>>
      %dma_wait3A_189 = tpu.memref_slice %arg7[%select_n3A, %mul3A_123] : memref<8x16384xf32, #tpu.memory_space<hbm>> -> memref<1x4096xf32, #tpu.memory_space<hbm>>
      %dma_wait3A_190 = tpu.memref_squeeze %dma_wait3A_189 : memref<1x4096xf32, #tpu.memory_space<hbm>> -> memref<4096xf32, #tpu.memory_space<hbm>>
      %dma_wait3A_191 = tpu.memref_slice %arg7[%select_n3A, %mul3A_123] : memref<8x16384xf32, #tpu.memory_space<hbm>> -> memref<1x4096xf32, #tpu.memory_space<hbm>>
      %dma_wait3A_192 = tpu.memref_squeeze %dma_wait3A_191 : memref<1x4096xf32, #tpu.memory_space<hbm>> -> memref<4096xf32, #tpu.memory_space<hbm>>
      %dma_wait3A_193 = arith.constant 0 : i32
      %dma_wait3A_194 = tpu.memref_slice %arg14[%dma_wait3A_193] : memref<16384xf32, #tpu.memory_space<vmem>> -> memref<4096xf32, #tpu.memory_space<vmem>>
      tpu.wait_dma2 semaphore(%run_scoped3A : memref<!tpu.dma_semaphore, #tpu.memory_space<semaphore_mem>>) src(%dma_wait3A_194 : memref<4096xf32, #tpu.memory_space<vmem>>) dst(%dma_wait3A_192 : memref<4096xf32, #tpu.memory_space<hbm>>)
      tpu.yield
    }) : () -> ()
    %mul3A_124 = arith.constant 4096 : i32
    %mul3A_125 = arith.muli %select_n3A_30, %mul3A_124 : i32
    "tpu.region"() ({
      %run_scoped3A = tpu.sem_alloc : memref<!tpu.dma_semaphore, #tpu.memory_space<semaphore_mem>>
      %dma_start3A_179 = arith.constant 4096 : i32
      %dma_start3A_180 = tpu.memref_slice %arg14[%dma_start3A_179] : memref<16384xf32, #tpu.memory_space<vmem>> -> memref<4096xf32, #tpu.memory_space<vmem>>
      %dma_start3A_181 = tpu.memref_slice %arg8[%select_n3A, %mul3A_125] : memref<8x16384xf32, #tpu.memory_space<hbm>> -> memref<1x4096xf32, #tpu.memory_space<hbm>>
      %dma_start3A_182 = tpu.memref_squeeze %dma_start3A_181 : memref<1x4096xf32, #tpu.memory_space<hbm>> -> memref<4096xf32, #tpu.memory_space<hbm>>
      %dma_start3A_183 = tpu.memref_slice %arg8[%select_n3A, %mul3A_125] : memref<8x16384xf32, #tpu.memory_space<hbm>> -> memref<1x4096xf32, #tpu.memory_space<hbm>>
      %dma_start3A_184 = tpu.memref_squeeze %dma_start3A_183 : memref<1x4096xf32, #tpu.memory_space<hbm>> -> memref<4096xf32, #tpu.memory_space<hbm>>
      %dma_start3A_185 = arith.constant 4096 : i32
      %dma_start3A_186 = tpu.memref_slice %arg14[%dma_start3A_185] : memref<16384xf32, #tpu.memory_space<vmem>> -> memref<4096xf32, #tpu.memory_space<vmem>>
      tpu.enqueue_dma source(%dma_start3A_186 : memref<4096xf32, #tpu.memory_space<vmem>>) target(%dma_start3A_184 : memref<4096xf32, #tpu.memory_space<hbm>>) target_semaphore(%run_scoped3A : memref<!tpu.dma_semaphore, #tpu.memory_space<semaphore_mem>>)
      %dma_wait3A_187 = arith.constant 4096 : i32
      %dma_wait3A_188 = tpu.memref_slice %arg14[%dma_wait3A_187] : memref<16384xf32, #tpu.memory_space<vmem>> -> memref<4096xf32, #tpu.memory_space<vmem>>
      %dma_wait3A_189 = tpu.memref_slice %arg8[%select_n3A, %mul3A_125] : memref<8x16384xf32, #tpu.memory_space<hbm>> -> memref<1x4096xf32, #tpu.memory_space<hbm>>
      %dma_wait3A_190 = tpu.memref_squeeze %dma_wait3A_189 : memref<1x4096xf32, #tpu.memory_space<hbm>> -> memref<4096xf32, #tpu.memory_space<hbm>>
      %dma_wait3A_191 = tpu.memref_slice %arg8[%select_n3A, %mul3A_125] : memref<8x16384xf32, #tpu.memory_space<hbm>> -> memref<1x4096xf32, #tpu.memory_space<hbm>>
      %dma_wait3A_192 = tpu.memref_squeeze %dma_wait3A_191 : memref<1x4096xf32, #tpu.memory_space<hbm>> -> memref<4096xf32, #tpu.memory_space<hbm>>
      %dma_wait3A_193 = arith.constant 4096 : i32
      %dma_wait3A_194 = tpu.memref_slice %arg14[%dma_wait3A_193] : memref<16384xf32, #tpu.memory_space<vmem>> -> memref<4096xf32, #tpu.memory_space<vmem>>
      tpu.wait_dma2 semaphore(%run_scoped3A : memref<!tpu.dma_semaphore, #tpu.memory_space<semaphore_mem>>) src(%dma_wait3A_194 : memref<4096xf32, #tpu.memory_space<vmem>>) dst(%dma_wait3A_192 : memref<4096xf32, #tpu.memory_space<hbm>>)
      tpu.yield
    }) : () -> ()
    %mul3A_126 = arith.constant 4096 : i32
    %mul3A_127 = arith.muli %select_n3A_30, %mul3A_126 : i32
    "tpu.region"() ({
      %run_scoped3A = tpu.sem_alloc : memref<!tpu.dma_semaphore, #tpu.memory_space<semaphore_mem>>
      %dma_start3A_179 = arith.constant 8192 : i32
      %dma_start3A_180 = tpu.memref_slice %arg14[%dma_start3A_179] : memref<16384xf32, #tpu.memory_space<vmem>> -> memref<4096xf32, #tpu.memory_space<vmem>>
      %dma_start3A_181 = tpu.memref_slice %arg9[%select_n3A, %mul3A_127] : memref<8x16384xf32, #tpu.memory_space<hbm>> -> memref<1x4096xf32, #tpu.memory_space<hbm>>
      %dma_start3A_182 = tpu.memref_squeeze %dma_start3A_181 : memref<1x4096xf32, #tpu.memory_space<hbm>> -> memref<4096xf32, #tpu.memory_space<hbm>>
      %dma_start3A_183 = tpu.memref_slice %arg9[%select_n3A, %mul3A_127] : memref<8x16384xf32, #tpu.memory_space<hbm>> -> memref<1x4096xf32, #tpu.memory_space<hbm>>
      %dma_start3A_184 = tpu.memref_squeeze %dma_start3A_183 : memref<1x4096xf32, #tpu.memory_space<hbm>> -> memref<4096xf32, #tpu.memory_space<hbm>>
      %dma_start3A_185 = arith.constant 8192 : i32
      %dma_start3A_186 = tpu.memref_slice %arg14[%dma_start3A_185] : memref<16384xf32, #tpu.memory_space<vmem>> -> memref<4096xf32, #tpu.memory_space<vmem>>
      tpu.enqueue_dma source(%dma_start3A_186 : memref<4096xf32, #tpu.memory_space<vmem>>) target(%dma_start3A_184 : memref<4096xf32, #tpu.memory_space<hbm>>) target_semaphore(%run_scoped3A : memref<!tpu.dma_semaphore, #tpu.memory_space<semaphore_mem>>)
      %dma_wait3A_187 = arith.constant 8192 : i32
      %dma_wait3A_188 = tpu.memref_slice %arg14[%dma_wait3A_187] : memref<16384xf32, #tpu.memory_space<vmem>> -> memref<4096xf32, #tpu.memory_space<vmem>>
      %dma_wait3A_189 = tpu.memref_slice %arg9[%select_n3A, %mul3A_127] : memref<8x16384xf32, #tpu.memory_space<hbm>> -> memref<1x4096xf32, #tpu.memory_space<hbm>>
      %dma_wait3A_190 = tpu.memref_squeeze %dma_wait3A_189 : memref<1x4096xf32, #tpu.memory_space<hbm>> -> memref<4096xf32, #tpu.memory_space<hbm>>
      %dma_wait3A_191 = tpu.memref_slice %arg9[%select_n3A, %mul3A_127] : memref<8x16384xf32, #tpu.memory_space<hbm>> -> memref<1x4096xf32, #tpu.memory_space<hbm>>
      %dma_wait3A_192 = tpu.memref_squeeze %dma_wait3A_191 : memref<1x4096xf32, #tpu.memory_space<hbm>> -> memref<4096xf32, #tpu.memory_space<hbm>>
      %dma_wait3A_193 = arith.constant 8192 : i32
      %dma_wait3A_194 = tpu.memref_slice %arg14[%dma_wait3A_193] : memref<16384xf32, #tpu.memory_space<vmem>> -> memref<4096xf32, #tpu.memory_space<vmem>>
      tpu.wait_dma2 semaphore(%run_scoped3A : memref<!tpu.dma_semaphore, #tpu.memory_space<semaphore_mem>>) src(%dma_wait3A_194 : memref<4096xf32, #tpu.memory_space<vmem>>) dst(%dma_wait3A_192 : memref<4096xf32, #tpu.memory_space<hbm>>)
      tpu.yield
    }) : () -> ()
    %dma_start3A_128 = arith.constant 0 : i32
    %dma_start3A_129 = tpu.memref_slice %arg5[%select_n3A, %mul3A_32, %dma_start3A_128] : memref<8x128x65536xf32, #tpu.memory_space<hbm>> -> memref<1x1x32768xf32, #tpu.memory_space<hbm>>
    %dma_start3A_130 = tpu.memref_squeeze %dma_start3A_129 : memref<1x1x32768xf32, #tpu.memory_space<hbm>> -> memref<32768xf32, #tpu.memory_space<hbm>>
    %dma_start3A_131 = arith.constant 0 : i32
    %dma_start3A_132 = tpu.memref_slice %arg5[%select_n3A, %mul3A_32, %dma_start3A_131] : memref<8x128x65536xf32, #tpu.memory_space<hbm>> -> memref<1x1x32768xf32, #tpu.memory_space<hbm>>
    %dma_start3A_133 = tpu.memref_squeeze %dma_start3A_132 : memref<1x1x32768xf32, #tpu.memory_space<hbm>> -> memref<32768xf32, #tpu.memory_space<hbm>>
    tpu.enqueue_dma source(%dma_start3A_133 : memref<32768xf32, #tpu.memory_space<hbm>>) target(%arg12 : memref<32768xf32, #tpu.memory_space<vmem>>) target_semaphore(%arg16 : memref<!tpu.dma_semaphore, #tpu.memory_space<semaphore_mem>>)
    %dma_start3A_134 = arith.constant 32768 : i32
    %dma_start3A_135 = tpu.memref_slice %arg5[%select_n3A, %mul3A_32, %dma_start3A_134] : memref<8x128x65536xf32, #tpu.memory_space<hbm>> -> memref<1x1x32768xf32, #tpu.memory_space<hbm>>
    %dma_start3A_136 = tpu.memref_squeeze %dma_start3A_135 : memref<1x1x32768xf32, #tpu.memory_space<hbm>> -> memref<32768xf32, #tpu.memory_space<hbm>>
    %dma_start3A_137 = arith.constant 32768 : i32
    %dma_start3A_138 = tpu.memref_slice %arg5[%select_n3A, %mul3A_32, %dma_start3A_137] : memref<8x128x65536xf32, #tpu.memory_space<hbm>> -> memref<1x1x32768xf32, #tpu.memory_space<hbm>>
    %dma_start3A_139 = tpu.memref_squeeze %dma_start3A_138 : memref<1x1x32768xf32, #tpu.memory_space<hbm>> -> memref<32768xf32, #tpu.memory_space<hbm>>
    tpu.enqueue_dma source(%dma_start3A_139 : memref<32768xf32, #tpu.memory_space<hbm>>) target(%arg13 : memref<32768xf32, #tpu.memory_space<vmem>>) target_semaphore(%arg17 : memref<!tpu.dma_semaphore, #tpu.memory_space<semaphore_mem>>)
    "tpu.region"() ({
      %run_scoped3A = tpu.sem_alloc : memref<!tpu.dma_semaphore, #tpu.memory_space<semaphore_mem>>
      %dma_start3A_179 = arith.constant 0 : i32
      %dma_start3A_180 = tpu.memref_slice %arg6[%select_n3A, %dma_start3A_179] : memref<8x16384xi32, #tpu.memory_space<hbm>> -> memref<1x4096xi32, #tpu.memory_space<hbm>>
      %dma_start3A_181 = tpu.memref_squeeze %dma_start3A_180 : memref<1x4096xi32, #tpu.memory_space<hbm>> -> memref<4096xi32, #tpu.memory_space<hbm>>
      %dma_start3A_182 = arith.constant 0 : i32
      %dma_start3A_183 = tpu.memref_slice %arg6[%select_n3A, %dma_start3A_182] : memref<8x16384xi32, #tpu.memory_space<hbm>> -> memref<1x4096xi32, #tpu.memory_space<hbm>>
      %dma_start3A_184 = tpu.memref_squeeze %dma_start3A_183 : memref<1x4096xi32, #tpu.memory_space<hbm>> -> memref<4096xi32, #tpu.memory_space<hbm>>
      tpu.enqueue_dma source(%dma_start3A_184 : memref<4096xi32, #tpu.memory_space<hbm>>) target(%arg15 : memref<4096xi32, #tpu.memory_space<vmem>>) target_semaphore(%run_scoped3A : memref<!tpu.dma_semaphore, #tpu.memory_space<semaphore_mem>>)
      %dma_wait3A_185 = arith.constant 0 : i32
      %dma_wait3A_186 = tpu.memref_slice %arg6[%select_n3A, %dma_wait3A_185] : memref<8x16384xi32, #tpu.memory_space<hbm>> -> memref<1x4096xi32, #tpu.memory_space<hbm>>
      %dma_wait3A_187 = tpu.memref_squeeze %dma_wait3A_186 : memref<1x4096xi32, #tpu.memory_space<hbm>> -> memref<4096xi32, #tpu.memory_space<hbm>>
      %dma_wait3A_188 = arith.constant 0 : i32
      %dma_wait3A_189 = tpu.memref_slice %arg6[%select_n3A, %dma_wait3A_188] : memref<8x16384xi32, #tpu.memory_space<hbm>> -> memref<1x4096xi32, #tpu.memory_space<hbm>>
      %dma_wait3A_190 = tpu.memref_squeeze %dma_wait3A_189 : memref<1x4096xi32, #tpu.memory_space<hbm>> -> memref<4096xi32, #tpu.memory_space<hbm>>
      tpu.wait_dma2 semaphore(%run_scoped3A : memref<!tpu.dma_semaphore, #tpu.memory_space<semaphore_mem>>) src(%dma_wait3A_190 : memref<4096xi32, #tpu.memory_space<hbm>>) dst(%arg15 : memref<4096xi32, #tpu.memory_space<vmem>>)
      tpu.yield
    }) : () -> ()
    %parallel_loop3A_140 = arith.constant 0 : i32
    %parallel_loop3A_141 = arith.constant 4096 : i32
    %parallel_loop3A_142 = arith.constant 16 : i32
    %parallel_loop3A_143 = arith.constant 0 : i32
    %parallel_loop3A_144 = arith.constant 16384 : i32
    %parallel_loop3A_145:2 = scf.for %parallel_loop3A_179 = %parallel_loop3A_140 to %parallel_loop3A_141 step %parallel_loop3A_142 iter_args(%parallel_loop3A_180 = %parallel_loop3A_143, %parallel_loop3A_181 = %parallel_loop3A_144) -> (i32, i32)  : i32 {
      %parallel_loop3A_182 = arith.index_cast %parallel_loop3A_179 : i32 to index
      %parallel_loop3A_183 = tpu.vector_load %arg15[%parallel_loop3A_182] {strides = array<i32>} : memref<4096xi32, #tpu.memory_space<vmem>>, vector<16xi32>,
      %parallel_loop3A_184 = arith.constant 0 : i32
      %parallel_loop3A_185 = arith.addi %parallel_loop3A_184, %parallel_loop3A_179 : i32
      %parallel_loop3A_186 = tpu.iota {dimensions = array<i32: 0>} : vector<16xi32>
      %parallel_loop3A_187 = vector.broadcast %parallel_loop3A_185 : i32 to vector<16xi32>
      %parallel_loop3A_188 = arith.addi %parallel_loop3A_187, %parallel_loop3A_186 : vector<16xi32>
      %parallel_loop3A_189 = arith.constant 32768 : i32
      %parallel_loop3A_190 = vector.broadcast %parallel_loop3A_189 : i32 to vector<16xi32>
      %parallel_loop3A_191 = arith.cmpi slt, %parallel_loop3A_183, %parallel_loop3A_190 : vector<16xi32>
      %parallel_loop3A_192 = arith.constant 16 : i32
      %parallel_loop3A_193 = vector.broadcast %parallel_loop3A_192 : i32 to vector<16xi32>
      %parallel_loop3A_194 = arith.shli %parallel_loop3A_188, %parallel_loop3A_193 : vector<16xi32>
      %parallel_loop3A_195 = arith.ori %parallel_loop3A_194, %parallel_loop3A_183 : vector<16xi32>
      %parallel_loop3A_196 = arith.constant 16 : i32
      %parallel_loop3A_197 = vector.broadcast %parallel_loop3A_196 : i32 to vector<16xi32>
      %parallel_loop3A_198 = arith.shli %parallel_loop3A_188, %parallel_loop3A_197 : vector<16xi32>
      %parallel_loop3A_199 = arith.constant 32768 : i32
      %parallel_loop3A_200 = vector.broadcast %parallel_loop3A_199 : i32 to vector<16xi32>
      %parallel_loop3A_201 = arith.subi %parallel_loop3A_183, %parallel_loop3A_200 : vector<16xi32>
      %parallel_loop3A_202 = arith.ori %parallel_loop3A_198, %parallel_loop3A_201 : vector<16xi32>
      %parallel_loop3A_203 = arith.extui %parallel_loop3A_191 : vector<16xi1> to vector<16xi32>
      %parallel_loop3A_204 = arith.constant true
      %parallel_loop3A_205 = vector.broadcast %parallel_loop3A_204 : i1 to vector<16xi1>
      %parallel_loop3A_206 = tpu.scan <sum>, %parallel_loop3A_203 masked %parallel_loop3A_205 : vector<16xi32>, vector<16xi1> -> vector<16xi32>
      %parallel_loop3A_207 = vector.extract %parallel_loop3A_206[15] : i32 from vector<16xi32>
      %parallel_loop3A_208 = arith.index_cast %parallel_loop3A_180 : i32 to index
      %parallel_loop3A_209 = tpu.vector_load %arg11[%parallel_loop3A_208] masked %parallel_loop3A_191 {strides = array<i32>} : memref<16400xi32, #tpu.memory_space<vmem>>, vector<16xi32>, vector<16xi1>
      tpu.vector_store %arg11[%parallel_loop3A_208], %parallel_loop3A_195 masked %parallel_loop3A_191 {strides = array<i32>} : memref<16400xi32, #tpu.memory_space<vmem>>, vector<16xi32>, vector<16xi1>
      %parallel_loop3A_210 = arith.constant 16 : i32
      %parallel_loop3A_211 = arith.subi %parallel_loop3A_210, %parallel_loop3A_207 : i32
      %parallel_loop3A_212 = arith.subi %parallel_loop3A_181, %parallel_loop3A_211 : i32
      %parallel_loop3A_213 = arith.constant dense<true> : vector<16xi1>
      %parallel_loop3A_214 = arith.xori %parallel_loop3A_191, %parallel_loop3A_213 : vector<16xi1>
      %parallel_loop3A_215 = arith.index_cast %parallel_loop3A_212 : i32 to index
      %parallel_loop3A_216 = tpu.vector_load %arg11[%parallel_loop3A_215] masked %parallel_loop3A_214 {strides = array<i32>} : memref<16400xi32, #tpu.memory_space<vmem>>, vector<16xi32>, vector<16xi1>
      tpu.vector_store %arg11[%parallel_loop3A_215], %parallel_loop3A_202 masked %parallel_loop3A_214 {strides = array<i32>} : memref<16400xi32, #tpu.memory_space<vmem>>, vector<16xi32>, vector<16xi1>
      %parallel_loop3A_217 = arith.addi %parallel_loop3A_180, %parallel_loop3A_207 : i32
      scf.yield %parallel_loop3A_217, %parallel_loop3A_212 : i32, i32
    } {sc.loop_unroll_factor = 4 : i64, sc.parallel_access}
    "tpu.region"() ({
      %run_scoped3A = tpu.sem_alloc : memref<!tpu.dma_semaphore, #tpu.memory_space<semaphore_mem>>
      %dma_start3A_179 = arith.constant 4096 : i32
      %dma_start3A_180 = tpu.memref_slice %arg6[%select_n3A, %dma_start3A_179] : memref<8x16384xi32, #tpu.memory_space<hbm>> -> memref<1x4096xi32, #tpu.memory_space<hbm>>
      %dma_start3A_181 = tpu.memref_squeeze %dma_start3A_180 : memref<1x4096xi32, #tpu.memory_space<hbm>> -> memref<4096xi32, #tpu.memory_space<hbm>>
      %dma_start3A_182 = arith.constant 4096 : i32
      %dma_start3A_183 = tpu.memref_slice %arg6[%select_n3A, %dma_start3A_182] : memref<8x16384xi32, #tpu.memory_space<hbm>> -> memref<1x4096xi32, #tpu.memory_space<hbm>>
      %dma_start3A_184 = tpu.memref_squeeze %dma_start3A_183 : memref<1x4096xi32, #tpu.memory_space<hbm>> -> memref<4096xi32, #tpu.memory_space<hbm>>
      tpu.enqueue_dma source(%dma_start3A_184 : memref<4096xi32, #tpu.memory_space<hbm>>) target(%arg15 : memref<4096xi32, #tpu.memory_space<vmem>>) target_semaphore(%run_scoped3A : memref<!tpu.dma_semaphore, #tpu.memory_space<semaphore_mem>>)
      %dma_wait3A_185 = arith.constant 4096 : i32
      %dma_wait3A_186 = tpu.memref_slice %arg6[%select_n3A, %dma_wait3A_185] : memref<8x16384xi32, #tpu.memory_space<hbm>> -> memref<1x4096xi32, #tpu.memory_space<hbm>>
      %dma_wait3A_187 = tpu.memref_squeeze %dma_wait3A_186 : memref<1x4096xi32, #tpu.memory_space<hbm>> -> memref<4096xi32, #tpu.memory_space<hbm>>
      %dma_wait3A_188 = arith.constant 4096 : i32
      %dma_wait3A_189 = tpu.memref_slice %arg6[%select_n3A, %dma_wait3A_188] : memref<8x16384xi32, #tpu.memory_space<hbm>> -> memref<1x4096xi32, #tpu.memory_space<hbm>>
      %dma_wait3A_190 = tpu.memref_squeeze %dma_wait3A_189 : memref<1x4096xi32, #tpu.memory_space<hbm>> -> memref<4096xi32, #tpu.memory_space<hbm>>
      tpu.wait_dma2 semaphore(%run_scoped3A : memref<!tpu.dma_semaphore, #tpu.memory_space<semaphore_mem>>) src(%dma_wait3A_190 : memref<4096xi32, #tpu.memory_space<hbm>>) dst(%arg15 : memref<4096xi32, #tpu.memory_space<vmem>>)
      tpu.yield
    }) : () -> ()
    %parallel_loop3A_146 = arith.constant 0 : i32
    %parallel_loop3A_147 = arith.constant 4096 : i32
    %parallel_loop3A_148 = arith.constant 16 : i32
    %parallel_loop3A_149:2 = scf.for %parallel_loop3A_179 = %parallel_loop3A_146 to %parallel_loop3A_147 step %parallel_loop3A_148 iter_args(%parallel_loop3A_180 = %parallel_loop3A_145#0, %parallel_loop3A_181 = %parallel_loop3A_145#1) -> (i32, i32)  : i32 {
      %parallel_loop3A_182 = arith.index_cast %parallel_loop3A_179 : i32 to index
      %parallel_loop3A_183 = tpu.vector_load %arg15[%parallel_loop3A_182] {strides = array<i32>} : memref<4096xi32, #tpu.memory_space<vmem>>, vector<16xi32>,
      %parallel_loop3A_184 = arith.constant 4096 : i32
      %parallel_loop3A_185 = arith.addi %parallel_loop3A_184, %parallel_loop3A_179 : i32
      %parallel_loop3A_186 = tpu.iota {dimensions = array<i32: 0>} : vector<16xi32>
      %parallel_loop3A_187 = vector.broadcast %parallel_loop3A_185 : i32 to vector<16xi32>
      %parallel_loop3A_188 = arith.addi %parallel_loop3A_187, %parallel_loop3A_186 : vector<16xi32>
      %parallel_loop3A_189 = arith.constant 32768 : i32
      %parallel_loop3A_190 = vector.broadcast %parallel_loop3A_189 : i32 to vector<16xi32>
      %parallel_loop3A_191 = arith.cmpi slt, %parallel_loop3A_183, %parallel_loop3A_190 : vector<16xi32>
      %parallel_loop3A_192 = arith.constant 16 : i32
      %parallel_loop3A_193 = vector.broadcast %parallel_loop3A_192 : i32 to vector<16xi32>
      %parallel_loop3A_194 = arith.shli %parallel_loop3A_188, %parallel_loop3A_193 : vector<16xi32>
      %parallel_loop3A_195 = arith.ori %parallel_loop3A_194, %parallel_loop3A_183 : vector<16xi32>
      %parallel_loop3A_196 = arith.constant 16 : i32
      %parallel_loop3A_197 = vector.broadcast %parallel_loop3A_196 : i32 to vector<16xi32>
      %parallel_loop3A_198 = arith.shli %parallel_loop3A_188, %parallel_loop3A_197 : vector<16xi32>
      %parallel_loop3A_199 = arith.constant 32768 : i32
      %parallel_loop3A_200 = vector.broadcast %parallel_loop3A_199 : i32 to vector<16xi32>
      %parallel_loop3A_201 = arith.subi %parallel_loop3A_183, %parallel_loop3A_200 : vector<16xi32>
      %parallel_loop3A_202 = arith.ori %parallel_loop3A_198, %parallel_loop3A_201 : vector<16xi32>
      %parallel_loop3A_203 = arith.extui %parallel_loop3A_191 : vector<16xi1> to vector<16xi32>
      %parallel_loop3A_204 = arith.constant true
      %parallel_loop3A_205 = vector.broadcast %parallel_loop3A_204 : i1 to vector<16xi1>
      %parallel_loop3A_206 = tpu.scan <sum>, %parallel_loop3A_203 masked %parallel_loop3A_205 : vector<16xi32>, vector<16xi1> -> vector<16xi32>
      %parallel_loop3A_207 = vector.extract %parallel_loop3A_206[15] : i32 from vector<16xi32>
      %parallel_loop3A_208 = arith.index_cast %parallel_loop3A_180 : i32 to index
      %parallel_loop3A_209 = tpu.vector_load %arg11[%parallel_loop3A_208] masked %parallel_loop3A_191 {strides = array<i32>} : memref<16400xi32, #tpu.memory_space<vmem>>, vector<16xi32>, vector<16xi1>
      tpu.vector_store %arg11[%parallel_loop3A_208], %parallel_loop3A_195 masked %parallel_loop3A_191 {strides = array<i32>} : memref<16400xi32, #tpu.memory_space<vmem>>, vector<16xi32>, vector<16xi1>
      %parallel_loop3A_210 = arith.constant 16 : i32
      %parallel_loop3A_211 = arith.subi %parallel_loop3A_210, %parallel_loop3A_207 : i32
      %parallel_loop3A_212 = arith.subi %parallel_loop3A_181, %parallel_loop3A_211 : i32
      %parallel_loop3A_213 = arith.constant dense<true> : vector<16xi1>
      %parallel_loop3A_214 = arith.xori %parallel_loop3A_191, %parallel_loop3A_213 : vector<16xi1>
      %parallel_loop3A_215 = arith.index_cast %parallel_loop3A_212 : i32 to index
      %parallel_loop3A_216 = tpu.vector_load %arg11[%parallel_loop3A_215] masked %parallel_loop3A_214 {strides = array<i32>} : memref<16400xi32, #tpu.memory_space<vmem>>, vector<16xi32>, vector<16xi1>
      tpu.vector_store %arg11[%parallel_loop3A_215], %parallel_loop3A_202 masked %parallel_loop3A_214 {strides = array<i32>} : memref<16400xi32, #tpu.memory_space<vmem>>, vector<16xi32>, vector<16xi1>
      %parallel_loop3A_217 = arith.addi %parallel_loop3A_180, %parallel_loop3A_207 : i32
      scf.yield %parallel_loop3A_217, %parallel_loop3A_212 : i32, i32
    } {sc.loop_unroll_factor = 4 : i64, sc.parallel_access}
    "tpu.region"() ({
      %run_scoped3A = tpu.sem_alloc : memref<!tpu.dma_semaphore, #tpu.memory_space<semaphore_mem>>
      %dma_start3A_179 = arith.constant 8192 : i32
      %dma_start3A_180 = tpu.memref_slice %arg6[%select_n3A, %dma_start3A_179] : memref<8x16384xi32, #tpu.memory_space<hbm>> -> memref<1x4096xi32, #tpu.memory_space<hbm>>
      %dma_start3A_181 = tpu.memref_squeeze %dma_start3A_180 : memref<1x4096xi32, #tpu.memory_space<hbm>> -> memref<4096xi32, #tpu.memory_space<hbm>>
      %dma_start3A_182 = arith.constant 8192 : i32
      %dma_start3A_183 = tpu.memref_slice %arg6[%select_n3A, %dma_start3A_182] : memref<8x16384xi32, #tpu.memory_space<hbm>> -> memref<1x4096xi32, #tpu.memory_space<hbm>>
      %dma_start3A_184 = tpu.memref_squeeze %dma_start3A_183 : memref<1x4096xi32, #tpu.memory_space<hbm>> -> memref<4096xi32, #tpu.memory_space<hbm>>
      tpu.enqueue_dma source(%dma_start3A_184 : memref<4096xi32, #tpu.memory_space<hbm>>) target(%arg15 : memref<4096xi32, #tpu.memory_space<vmem>>) target_semaphore(%run_scoped3A : memref<!tpu.dma_semaphore, #tpu.memory_space<semaphore_mem>>)
      %dma_wait3A_185 = arith.constant 8192 : i32
      %dma_wait3A_186 = tpu.memref_slice %arg6[%select_n3A, %dma_wait3A_185] : memref<8x16384xi32, #tpu.memory_space<hbm>> -> memref<1x4096xi32, #tpu.memory_space<hbm>>
      %dma_wait3A_187 = tpu.memref_squeeze %dma_wait3A_186 : memref<1x4096xi32, #tpu.memory_space<hbm>> -> memref<4096xi32, #tpu.memory_space<hbm>>
      %dma_wait3A_188 = arith.constant 8192 : i32
      %dma_wait3A_189 = tpu.memref_slice %arg6[%select_n3A, %dma_wait3A_188] : memref<8x16384xi32, #tpu.memory_space<hbm>> -> memref<1x4096xi32, #tpu.memory_space<hbm>>
      %dma_wait3A_190 = tpu.memref_squeeze %dma_wait3A_189 : memref<1x4096xi32, #tpu.memory_space<hbm>> -> memref<4096xi32, #tpu.memory_space<hbm>>
      tpu.wait_dma2 semaphore(%run_scoped3A : memref<!tpu.dma_semaphore, #tpu.memory_space<semaphore_mem>>) src(%dma_wait3A_190 : memref<4096xi32, #tpu.memory_space<hbm>>) dst(%arg15 : memref<4096xi32, #tpu.memory_space<vmem>>)
      tpu.yield
    }) : () -> ()
    %parallel_loop3A_150 = arith.constant 0 : i32
    %parallel_loop3A_151 = arith.constant 4096 : i32
    %parallel_loop3A_152 = arith.constant 16 : i32
    %parallel_loop3A_153:2 = scf.for %parallel_loop3A_179 = %parallel_loop3A_150 to %parallel_loop3A_151 step %parallel_loop3A_152 iter_args(%parallel_loop3A_180 = %parallel_loop3A_149#0, %parallel_loop3A_181 = %parallel_loop3A_149#1) -> (i32, i32)  : i32 {
      %parallel_loop3A_182 = arith.index_cast %parallel_loop3A_179 : i32 to index
      %parallel_loop3A_183 = tpu.vector_load %arg15[%parallel_loop3A_182] {strides = array<i32>} : memref<4096xi32, #tpu.memory_space<vmem>>, vector<16xi32>,
      %parallel_loop3A_184 = arith.constant 8192 : i32
      %parallel_loop3A_185 = arith.addi %parallel_loop3A_184, %parallel_loop3A_179 : i32
      %parallel_loop3A_186 = tpu.iota {dimensions = array<i32: 0>} : vector<16xi32>
      %parallel_loop3A_187 = vector.broadcast %parallel_loop3A_185 : i32 to vector<16xi32>
      %parallel_loop3A_188 = arith.addi %parallel_loop3A_187, %parallel_loop3A_186 : vector<16xi32>
      %parallel_loop3A_189 = arith.constant 32768 : i32
      %parallel_loop3A_190 = vector.broadcast %parallel_loop3A_189 : i32 to vector<16xi32>
      %parallel_loop3A_191 = arith.cmpi slt, %parallel_loop3A_183, %parallel_loop3A_190 : vector<16xi32>
      %parallel_loop3A_192 = arith.constant 16 : i32
      %parallel_loop3A_193 = vector.broadcast %parallel_loop3A_192 : i32 to vector<16xi32>
      %parallel_loop3A_194 = arith.shli %parallel_loop3A_188, %parallel_loop3A_193 : vector<16xi32>
      %parallel_loop3A_195 = arith.ori %parallel_loop3A_194, %parallel_loop3A_183 : vector<16xi32>
      %parallel_loop3A_196 = arith.constant 16 : i32
      %parallel_loop3A_197 = vector.broadcast %parallel_loop3A_196 : i32 to vector<16xi32>
      %parallel_loop3A_198 = arith.shli %parallel_loop3A_188, %parallel_loop3A_197 : vector<16xi32>
      %parallel_loop3A_199 = arith.constant 32768 : i32
      %parallel_loop3A_200 = vector.broadcast %parallel_loop3A_199 : i32 to vector<16xi32>
      %parallel_loop3A_201 = arith.subi %parallel_loop3A_183, %parallel_loop3A_200 : vector<16xi32>
      %parallel_loop3A_202 = arith.ori %parallel_loop3A_198, %parallel_loop3A_201 : vector<16xi32>
      %parallel_loop3A_203 = arith.extui %parallel_loop3A_191 : vector<16xi1> to vector<16xi32>
      %parallel_loop3A_204 = arith.constant true
      %parallel_loop3A_205 = vector.broadcast %parallel_loop3A_204 : i1 to vector<16xi1>
      %parallel_loop3A_206 = tpu.scan <sum>, %parallel_loop3A_203 masked %parallel_loop3A_205 : vector<16xi32>, vector<16xi1> -> vector<16xi32>
      %parallel_loop3A_207 = vector.extract %parallel_loop3A_206[15] : i32 from vector<16xi32>
      %parallel_loop3A_208 = arith.index_cast %parallel_loop3A_180 : i32 to index
      %parallel_loop3A_209 = tpu.vector_load %arg11[%parallel_loop3A_208] masked %parallel_loop3A_191 {strides = array<i32>} : memref<16400xi32, #tpu.memory_space<vmem>>, vector<16xi32>, vector<16xi1>
      tpu.vector_store %arg11[%parallel_loop3A_208], %parallel_loop3A_195 masked %parallel_loop3A_191 {strides = array<i32>} : memref<16400xi32, #tpu.memory_space<vmem>>, vector<16xi32>, vector<16xi1>
      %parallel_loop3A_210 = arith.constant 16 : i32
      %parallel_loop3A_211 = arith.subi %parallel_loop3A_210, %parallel_loop3A_207 : i32
      %parallel_loop3A_212 = arith.subi %parallel_loop3A_181, %parallel_loop3A_211 : i32
      %parallel_loop3A_213 = arith.constant dense<true> : vector<16xi1>
      %parallel_loop3A_214 = arith.xori %parallel_loop3A_191, %parallel_loop3A_213 : vector<16xi1>
      %parallel_loop3A_215 = arith.index_cast %parallel_loop3A_212 : i32 to index
      %parallel_loop3A_216 = tpu.vector_load %arg11[%parallel_loop3A_215] masked %parallel_loop3A_214 {strides = array<i32>} : memref<16400xi32, #tpu.memory_space<vmem>>, vector<16xi32>, vector<16xi1>
      tpu.vector_store %arg11[%parallel_loop3A_215], %parallel_loop3A_202 masked %parallel_loop3A_214 {strides = array<i32>} : memref<16400xi32, #tpu.memory_space<vmem>>, vector<16xi32>, vector<16xi1>
      %parallel_loop3A_217 = arith.addi %parallel_loop3A_180, %parallel_loop3A_207 : i32
      scf.yield %parallel_loop3A_217, %parallel_loop3A_212 : i32, i32
    } {sc.loop_unroll_factor = 4 : i64, sc.parallel_access}
    "tpu.region"() ({
      %run_scoped3A = tpu.sem_alloc : memref<!tpu.dma_semaphore, #tpu.memory_space<semaphore_mem>>
      %dma_start3A_179 = arith.constant 12288 : i32
      %dma_start3A_180 = tpu.memref_slice %arg6[%select_n3A, %dma_start3A_179] : memref<8x16384xi32, #tpu.memory_space<hbm>> -> memref<1x4096xi32, #tpu.memory_space<hbm>>
      %dma_start3A_181 = tpu.memref_squeeze %dma_start3A_180 : memref<1x4096xi32, #tpu.memory_space<hbm>> -> memref<4096xi32, #tpu.memory_space<hbm>>
      %dma_start3A_182 = arith.constant 12288 : i32
      %dma_start3A_183 = tpu.memref_slice %arg6[%select_n3A, %dma_start3A_182] : memref<8x16384xi32, #tpu.memory_space<hbm>> -> memref<1x4096xi32, #tpu.memory_space<hbm>>
      %dma_start3A_184 = tpu.memref_squeeze %dma_start3A_183 : memref<1x4096xi32, #tpu.memory_space<hbm>> -> memref<4096xi32, #tpu.memory_space<hbm>>
      tpu.enqueue_dma source(%dma_start3A_184 : memref<4096xi32, #tpu.memory_space<hbm>>) target(%arg15 : memref<4096xi32, #tpu.memory_space<vmem>>) target_semaphore(%run_scoped3A : memref<!tpu.dma_semaphore, #tpu.memory_space<semaphore_mem>>)
      %dma_wait3A_185 = arith.constant 12288 : i32
      %dma_wait3A_186 = tpu.memref_slice %arg6[%select_n3A, %dma_wait3A_185] : memref<8x16384xi32, #tpu.memory_space<hbm>> -> memref<1x4096xi32, #tpu.memory_space<hbm>>
      %dma_wait3A_187 = tpu.memref_squeeze %dma_wait3A_186 : memref<1x4096xi32, #tpu.memory_space<hbm>> -> memref<4096xi32, #tpu.memory_space<hbm>>
      %dma_wait3A_188 = arith.constant 12288 : i32
      %dma_wait3A_189 = tpu.memref_slice %arg6[%select_n3A, %dma_wait3A_188] : memref<8x16384xi32, #tpu.memory_space<hbm>> -> memref<1x4096xi32, #tpu.memory_space<hbm>>
      %dma_wait3A_190 = tpu.memref_squeeze %dma_wait3A_189 : memref<1x4096xi32, #tpu.memory_space<hbm>> -> memref<4096xi32, #tpu.memory_space<hbm>>
      tpu.wait_dma2 semaphore(%run_scoped3A : memref<!tpu.dma_semaphore, #tpu.memory_space<semaphore_mem>>) src(%dma_wait3A_190 : memref<4096xi32, #tpu.memory_space<hbm>>) dst(%arg15 : memref<4096xi32, #tpu.memory_space<vmem>>)
      tpu.yield
    }) : () -> ()
    %parallel_loop3A_154 = arith.constant 0 : i32
    %parallel_loop3A_155 = arith.constant 4096 : i32
    %parallel_loop3A_156 = arith.constant 16 : i32
    %parallel_loop3A_157:2 = scf.for %parallel_loop3A_179 = %parallel_loop3A_154 to %parallel_loop3A_155 step %parallel_loop3A_156 iter_args(%parallel_loop3A_180 = %parallel_loop3A_153#0, %parallel_loop3A_181 = %parallel_loop3A_153#1) -> (i32, i32)  : i32 {
      %parallel_loop3A_182 = arith.index_cast %parallel_loop3A_179 : i32 to index
      %parallel_loop3A_183 = tpu.vector_load %arg15[%parallel_loop3A_182] {strides = array<i32>} : memref<4096xi32, #tpu.memory_space<vmem>>, vector<16xi32>,
      %parallel_loop3A_184 = arith.constant 12288 : i32
      %parallel_loop3A_185 = arith.addi %parallel_loop3A_184, %parallel_loop3A_179 : i32
      %parallel_loop3A_186 = tpu.iota {dimensions = array<i32: 0>} : vector<16xi32>
      %parallel_loop3A_187 = vector.broadcast %parallel_loop3A_185 : i32 to vector<16xi32>
      %parallel_loop3A_188 = arith.addi %parallel_loop3A_187, %parallel_loop3A_186 : vector<16xi32>
      %parallel_loop3A_189 = arith.constant 32768 : i32
      %parallel_loop3A_190 = vector.broadcast %parallel_loop3A_189 : i32 to vector<16xi32>
      %parallel_loop3A_191 = arith.cmpi slt, %parallel_loop3A_183, %parallel_loop3A_190 : vector<16xi32>
      %parallel_loop3A_192 = arith.constant 16 : i32
      %parallel_loop3A_193 = vector.broadcast %parallel_loop3A_192 : i32 to vector<16xi32>
      %parallel_loop3A_194 = arith.shli %parallel_loop3A_188, %parallel_loop3A_193 : vector<16xi32>
      %parallel_loop3A_195 = arith.ori %parallel_loop3A_194, %parallel_loop3A_183 : vector<16xi32>
      %parallel_loop3A_196 = arith.constant 16 : i32
      %parallel_loop3A_197 = vector.broadcast %parallel_loop3A_196 : i32 to vector<16xi32>
      %parallel_loop3A_198 = arith.shli %parallel_loop3A_188, %parallel_loop3A_197 : vector<16xi32>
      %parallel_loop3A_199 = arith.constant 32768 : i32
      %parallel_loop3A_200 = vector.broadcast %parallel_loop3A_199 : i32 to vector<16xi32>
      %parallel_loop3A_201 = arith.subi %parallel_loop3A_183, %parallel_loop3A_200 : vector<16xi32>
      %parallel_loop3A_202 = arith.ori %parallel_loop3A_198, %parallel_loop3A_201 : vector<16xi32>
      %parallel_loop3A_203 = arith.extui %parallel_loop3A_191 : vector<16xi1> to vector<16xi32>
      %parallel_loop3A_204 = arith.constant true
      %parallel_loop3A_205 = vector.broadcast %parallel_loop3A_204 : i1 to vector<16xi1>
      %parallel_loop3A_206 = tpu.scan <sum>, %parallel_loop3A_203 masked %parallel_loop3A_205 : vector<16xi32>, vector<16xi1> -> vector<16xi32>
      %parallel_loop3A_207 = vector.extract %parallel_loop3A_206[15] : i32 from vector<16xi32>
      %parallel_loop3A_208 = arith.index_cast %parallel_loop3A_180 : i32 to index
      %parallel_loop3A_209 = tpu.vector_load %arg11[%parallel_loop3A_208] masked %parallel_loop3A_191 {strides = array<i32>} : memref<16400xi32, #tpu.memory_space<vmem>>, vector<16xi32>, vector<16xi1>
      tpu.vector_store %arg11[%parallel_loop3A_208], %parallel_loop3A_195 masked %parallel_loop3A_191 {strides = array<i32>} : memref<16400xi32, #tpu.memory_space<vmem>>, vector<16xi32>, vector<16xi1>
      %parallel_loop3A_210 = arith.constant 16 : i32
      %parallel_loop3A_211 = arith.subi %parallel_loop3A_210, %parallel_loop3A_207 : i32
      %parallel_loop3A_212 = arith.subi %parallel_loop3A_181, %parallel_loop3A_211 : i32
      %parallel_loop3A_213 = arith.constant dense<true> : vector<16xi1>
      %parallel_loop3A_214 = arith.xori %parallel_loop3A_191, %parallel_loop3A_213 : vector<16xi1>
      %parallel_loop3A_215 = arith.index_cast %parallel_loop3A_212 : i32 to index
      %parallel_loop3A_216 = tpu.vector_load %arg11[%parallel_loop3A_215] masked %parallel_loop3A_214 {strides = array<i32>} : memref<16400xi32, #tpu.memory_space<vmem>>, vector<16xi32>, vector<16xi1>
      tpu.vector_store %arg11[%parallel_loop3A_215], %parallel_loop3A_202 masked %parallel_loop3A_214 {strides = array<i32>} : memref<16400xi32, #tpu.memory_space<vmem>>, vector<16xi32>, vector<16xi1>
      %parallel_loop3A_217 = arith.addi %parallel_loop3A_180, %parallel_loop3A_207 : i32
      scf.yield %parallel_loop3A_217, %parallel_loop3A_212 : i32, i32
    } {sc.loop_unroll_factor = 4 : i64, sc.parallel_access}
    %scan3A = arith.constant 0 : i32
    %scan3A_158 = arith.constant 0 : i32
    %scan3A_159 = arith.constant 32 : i32
    %scan3A_160 = arith.addi %scan3A_158, %scan3A_159 : i32
    %scan3A_161 = arith.constant 1 : i32
    scf.for %scan3A_179 = %scan3A_158 to %scan3A_160 step %scan3A_161  : i32 {
      %add3A_180 = arith.constant 1 : i32
      %add3A_181 = arith.addi %scan3A_179, %add3A_180 : i32
      %min3A = arith.constant 31 : i32
      %min3A_182 = arith.minsi %add3A_181, %min3A : i32
      %add3A_183 = arith.addi %mul3A_32, %scan3A_179 : i32
      %dma_wait3A_184 = arith.constant 0 : i32
      %dma_wait3A_185 = tpu.memref_slice %arg5[%select_n3A, %add3A_183, %dma_wait3A_184] : memref<8x128x65536xf32, #tpu.memory_space<hbm>> -> memref<1x1x32768xf32, #tpu.memory_space<hbm>>
      %dma_wait3A_186 = tpu.memref_squeeze %dma_wait3A_185 : memref<1x1x32768xf32, #tpu.memory_space<hbm>> -> memref<32768xf32, #tpu.memory_space<hbm>>
      %dma_wait3A_187 = arith.constant 0 : i32
      %dma_wait3A_188 = tpu.memref_slice %arg5[%select_n3A, %add3A_183, %dma_wait3A_187] : memref<8x128x65536xf32, #tpu.memory_space<hbm>> -> memref<1x1x32768xf32, #tpu.memory_space<hbm>>
      %dma_wait3A_189 = tpu.memref_squeeze %dma_wait3A_188 : memref<1x1x32768xf32, #tpu.memory_space<hbm>> -> memref<32768xf32, #tpu.memory_space<hbm>>
      tpu.wait_dma2 semaphore(%arg16 : memref<!tpu.dma_semaphore, #tpu.memory_space<semaphore_mem>>) src(%dma_wait3A_189 : memref<32768xf32, #tpu.memory_space<hbm>>) dst(%arg12 : memref<32768xf32, #tpu.memory_space<vmem>>)
      %shift_right_logical3A = arith.constant 4 : i32
      %shift_right_logical3A_190 = arith.shrui %parallel_loop3A_157#0, %shift_right_logical3A : i32
      %shift_left3A = arith.constant 4 : i32
      %shift_left3A_191 = arith.shli %shift_right_logical3A_190, %shift_left3A : i32
      %parallel_loop3A_192 = arith.constant 0 : i32
      %parallel_loop3A_193 = arith.constant 16 : i32
      scf.for %parallel_loop3A_253 = %parallel_loop3A_192 to %shift_left3A_191 step %parallel_loop3A_193  : i32 {
        %parallel_loop3A_254 = arith.constant 0 : i32
        %parallel_loop3A_255 = arith.addi %parallel_loop3A_254, %parallel_loop3A_253 : i32
        %parallel_loop3A_256 = arith.index_cast %parallel_loop3A_255 : i32 to index
        %parallel_loop3A_257 = tpu.vector_load %arg11[%parallel_loop3A_256] {strides = array<i32>} : memref<16400xi32, #tpu.memory_space<vmem>>, vector<16xi32>,
        %parallel_loop3A_258 = arith.constant 16 : i32
        %parallel_loop3A_259 = vector.broadcast %parallel_loop3A_258 : i32 to vector<16xi32>
        %parallel_loop3A_260 = arith.shrui %parallel_loop3A_257, %parallel_loop3A_259 : vector<16xi32>
        %parallel_loop3A_261 = arith.constant 32767 : i32
        %parallel_loop3A_262 = vector.broadcast %parallel_loop3A_261 : i32 to vector<16xi32>
        %parallel_loop3A_263 = arith.andi %parallel_loop3A_257, %parallel_loop3A_262 : vector<16xi32>
        %parallel_loop3A_264 = tpu.vector_load_idx %arg12[%parallel_loop3A_263] : memref<32768xf32, #tpu.memory_space<vmem>>[vector<16xi32>], vector<16xf32>,
        tpu.vector_store_idx %arg14[%parallel_loop3A_260], %parallel_loop3A_264 : memref<16384xf32, #tpu.memory_space<vmem>>[vector<16xi32>], vector<16xf32>,
      } {sc.loop_unroll_factor = 8 : i64, sc.parallel_access}
      %sub3A_194 = arith.subi %parallel_loop3A_157#0, %shift_left3A_191 : i32
      %add3A_195 = arith.constant 15 : i32
      %add3A_196 = arith.addi %sub3A_194, %add3A_195 : i32
      %shift_right_logical3A_197 = arith.constant 4 : i32
      %shift_right_logical3A_198 = arith.shrui %add3A_196, %shift_right_logical3A_197 : i32
      %while3A = arith.constant 0 : i32
      %while3A_199 = arith.constant 0 : i32
      %while3A_200 = arith.subi %shift_right_logical3A_198, %while3A_199 : i32
      %while3A_201 = arith.addi %while3A_199, %while3A_200 : i32
      %while3A_202 = arith.constant 1 : i32
      %while3A_203 = arith.divsi %while3A_200, %while3A_202 : i32
      %while3A_204 = arith.muli %while3A_203, %while3A_202 : i32
      %while3A_205 = arith.addi %while3A_199, %while3A_204 : i32
      %while3A_206 = arith.constant 1 : i32
      scf.for %while3A_253 = %while3A_199 to %while3A_205 step %while3A_206  : i32 {
        %add3A_254 = arith.constant 0 : i32
        %add3A_255 = arith.addi %add3A_254, %shift_left3A_191 : i32
        %mul3A_256 = arith.constant 16 : i32
        %mul3A_257 = arith.muli %while3A_253, %mul3A_256 : i32
        %add3A_258 = arith.addi %add3A_255, %mul3A_257 : i32
        %mul3A_259 = arith.constant 16 : i32
        %mul3A_260 = arith.muli %while3A_253, %mul3A_259 : i32
        %add3A_261 = arith.addi %shift_left3A_191, %mul3A_260 : i32
        %iota3A = tpu.iota {dimensions = array<i32: 0>} : vector<16xi32>
        %add3A_262 = vector.broadcast %add3A_261 : i32 to vector<16xi32>
        %add3A_263 = arith.addi %add3A_262, %iota3A : vector<16xi32>
        %lt3A_264 = vector.broadcast %parallel_loop3A_157#0 : i32 to vector<16xi32>
        %lt3A_265 = arith.cmpi slt, %add3A_263, %lt3A_264 : vector<16xi32>
        %get3A = arith.index_cast %add3A_258 : i32 to index
        %get3A_266 = tpu.vector_load %arg11[%get3A] {strides = array<i32>} : memref<16400xi32, #tpu.memory_space<vmem>>, vector<16xi32>,
        %shift_right_logical3A_267 = arith.constant 16 : i32
        %shift_right_logical3A_268 = vector.broadcast %shift_right_logical3A_267 : i32 to vector<16xi32>
        %shift_right_logical3A_269 = arith.shrui %get3A_266, %shift_right_logical3A_268 : vector<16xi32>
        %and3A_270 = arith.constant 16383 : i32
        %and3A_271 = vector.broadcast %and3A_270 : i32 to vector<16xi32>
        %and3A_272 = arith.andi %shift_right_logical3A_269, %and3A_271 : vector<16xi32>
        %and3A_273 = arith.constant 32767 : i32
        %and3A_274 = vector.broadcast %and3A_273 : i32 to vector<16xi32>
        %and3A_275 = arith.andi %get3A_266, %and3A_274 : vector<16xi32>
        %gather3A = tpu.vector_load_idx %arg12[%and3A_275] masked %lt3A_265 : memref<32768xf32, #tpu.memory_space<vmem>>[vector<16xi32>], vector<16xf32>, vector<16xi1>
        tpu.vector_store_idx %arg14[%and3A_272], %gather3A masked %lt3A_265 : memref<16384xf32, #tpu.memory_space<vmem>>[vector<16xi32>], vector<16xf32>, vector<16xi1>
      }
      %while3A_207 = arith.constant 1 : i32
      scf.for %while3A_253 = %while3A_205 to %while3A_201 step %while3A_207  : i32 {
        %add3A_254 = arith.constant 0 : i32
        %add3A_255 = arith.addi %add3A_254, %shift_left3A_191 : i32
        %mul3A_256 = arith.constant 16 : i32
        %mul3A_257 = arith.muli %while3A_253, %mul3A_256 : i32
        %add3A_258 = arith.addi %add3A_255, %mul3A_257 : i32
        %mul3A_259 = arith.constant 16 : i32
        %mul3A_260 = arith.muli %while3A_253, %mul3A_259 : i32
        %add3A_261 = arith.addi %shift_left3A_191, %mul3A_260 : i32
        %iota3A = tpu.iota {dimensions = array<i32: 0>} : vector<16xi32>
        %add3A_262 = vector.broadcast %add3A_261 : i32 to vector<16xi32>
        %add3A_263 = arith.addi %add3A_262, %iota3A : vector<16xi32>
        %lt3A_264 = vector.broadcast %parallel_loop3A_157#0 : i32 to vector<16xi32>
        %lt3A_265 = arith.cmpi slt, %add3A_263, %lt3A_264 : vector<16xi32>
        %get3A = arith.index_cast %add3A_258 : i32 to index
        %get3A_266 = tpu.vector_load %arg11[%get3A] {strides = array<i32>} : memref<16400xi32, #tpu.memory_space<vmem>>, vector<16xi32>,
        %shift_right_logical3A_267 = arith.constant 16 : i32
        %shift_right_logical3A_268 = vector.broadcast %shift_right_logical3A_267 : i32 to vector<16xi32>
        %shift_right_logical3A_269 = arith.shrui %get3A_266, %shift_right_logical3A_268 : vector<16xi32>
        %and3A_270 = arith.constant 16383 : i32
        %and3A_271 = vector.broadcast %and3A_270 : i32 to vector<16xi32>
        %and3A_272 = arith.andi %shift_right_logical3A_269, %and3A_271 : vector<16xi32>
        %and3A_273 = arith.constant 32767 : i32
        %and3A_274 = vector.broadcast %and3A_273 : i32 to vector<16xi32>
        %and3A_275 = arith.andi %get3A_266, %and3A_274 : vector<16xi32>
        %gather3A = tpu.vector_load_idx %arg12[%and3A_275] masked %lt3A_265 : memref<32768xf32, #tpu.memory_space<vmem>>[vector<16xi32>], vector<16xf32>, vector<16xi1>
        tpu.vector_store_idx %arg14[%and3A_272], %gather3A masked %lt3A_265 : memref<16384xf32, #tpu.memory_space<vmem>>[vector<16xi32>], vector<16xf32>, vector<16xi1>
      }
      %add3A_208 = arith.addi %mul3A_32, %min3A_182 : i32
      %dma_start3A_209 = arith.constant 0 : i32
      %dma_start3A_210 = tpu.memref_slice %arg5[%select_n3A, %add3A_208, %dma_start3A_209] : memref<8x128x65536xf32, #tpu.memory_space<hbm>> -> memref<1x1x32768xf32, #tpu.memory_space<hbm>>
      %dma_start3A_211 = tpu.memref_squeeze %dma_start3A_210 : memref<1x1x32768xf32, #tpu.memory_space<hbm>> -> memref<32768xf32, #tpu.memory_space<hbm>>
      %dma_start3A_212 = arith.constant 0 : i32
      %dma_start3A_213 = tpu.memref_slice %arg5[%select_n3A, %add3A_208, %dma_start3A_212] : memref<8x128x65536xf32, #tpu.memory_space<hbm>> -> memref<1x1x32768xf32, #tpu.memory_space<hbm>>
      %dma_start3A_214 = tpu.memref_squeeze %dma_start3A_213 : memref<1x1x32768xf32, #tpu.memory_space<hbm>> -> memref<32768xf32, #tpu.memory_space<hbm>>
      tpu.enqueue_dma source(%dma_start3A_214 : memref<32768xf32, #tpu.memory_space<hbm>>) target(%arg12 : memref<32768xf32, #tpu.memory_space<vmem>>) target_semaphore(%arg16 : memref<!tpu.dma_semaphore, #tpu.memory_space<semaphore_mem>>)
      %add3A_215 = arith.addi %mul3A_32, %scan3A_179 : i32
      %dma_wait3A_216 = arith.constant 32768 : i32
      %dma_wait3A_217 = tpu.memref_slice %arg5[%select_n3A, %add3A_215, %dma_wait3A_216] : memref<8x128x65536xf32, #tpu.memory_space<hbm>> -> memref<1x1x32768xf32, #tpu.memory_space<hbm>>
      %dma_wait3A_218 = tpu.memref_squeeze %dma_wait3A_217 : memref<1x1x32768xf32, #tpu.memory_space<hbm>> -> memref<32768xf32, #tpu.memory_space<hbm>>
      %dma_wait3A_219 = arith.constant 32768 : i32
      %dma_wait3A_220 = tpu.memref_slice %arg5[%select_n3A, %add3A_215, %dma_wait3A_219] : memref<8x128x65536xf32, #tpu.memory_space<hbm>> -> memref<1x1x32768xf32, #tpu.memory_space<hbm>>
      %dma_wait3A_221 = tpu.memref_squeeze %dma_wait3A_220 : memref<1x1x32768xf32, #tpu.memory_space<hbm>> -> memref<32768xf32, #tpu.memory_space<hbm>>
      tpu.wait_dma2 semaphore(%arg17 : memref<!tpu.dma_semaphore, #tpu.memory_space<semaphore_mem>>) src(%dma_wait3A_221 : memref<32768xf32, #tpu.memory_space<hbm>>) dst(%arg13 : memref<32768xf32, #tpu.memory_space<vmem>>)
      %sub3A_222 = arith.constant 16384 : i32
      %sub3A_223 = arith.subi %sub3A_222, %parallel_loop3A_157#0 : i32
      %shift_right_logical3A_224 = arith.constant 4 : i32
      %shift_right_logical3A_225 = arith.shrui %sub3A_223, %shift_right_logical3A_224 : i32
      %shift_left3A_226 = arith.constant 4 : i32
      %shift_left3A_227 = arith.shli %shift_right_logical3A_225, %shift_left3A_226 : i32
      %parallel_loop3A_228 = arith.constant 0 : i32
      %parallel_loop3A_229 = arith.constant 16 : i32
      scf.for %parallel_loop3A_253 = %parallel_loop3A_228 to %shift_left3A_227 step %parallel_loop3A_229  : i32 {
        %parallel_loop3A_254 = arith.addi %parallel_loop3A_157#0, %parallel_loop3A_253 : i32
        %parallel_loop3A_255 = arith.index_cast %parallel_loop3A_254 : i32 to index
        %parallel_loop3A_256 = tpu.vector_load %arg11[%parallel_loop3A_255] {strides = array<i32>} : memref<16400xi32, #tpu.memory_space<vmem>>, vector<16xi32>,
        %parallel_loop3A_257 = arith.constant 16 : i32
        %parallel_loop3A_258 = vector.broadcast %parallel_loop3A_257 : i32 to vector<16xi32>
        %parallel_loop3A_259 = arith.shrui %parallel_loop3A_256, %parallel_loop3A_258 : vector<16xi32>
        %parallel_loop3A_260 = arith.constant 32767 : i32
        %parallel_loop3A_261 = vector.broadcast %parallel_loop3A_260 : i32 to vector<16xi32>
        %parallel_loop3A_262 = arith.andi %parallel_loop3A_256, %parallel_loop3A_261 : vector<16xi32>
        %parallel_loop3A_263 = tpu.vector_load_idx %arg13[%parallel_loop3A_262] : memref<32768xf32, #tpu.memory_space<vmem>>[vector<16xi32>], vector<16xf32>,
        tpu.vector_store_idx %arg14[%parallel_loop3A_259], %parallel_loop3A_263 : memref<16384xf32, #tpu.memory_space<vmem>>[vector<16xi32>], vector<16xf32>,
      } {sc.loop_unroll_factor = 8 : i64, sc.parallel_access}
      %sub3A_230 = arith.subi %sub3A_223, %shift_left3A_227 : i32
      %add3A_231 = arith.constant 15 : i32
      %add3A_232 = arith.addi %sub3A_230, %add3A_231 : i32
      %shift_right_logical3A_233 = arith.constant 4 : i32
      %shift_right_logical3A_234 = arith.shrui %add3A_232, %shift_right_logical3A_233 : i32
      %while3A_235 = arith.constant 0 : i32
      %while3A_236 = arith.constant 0 : i32
      %while3A_237 = arith.subi %shift_right_logical3A_234, %while3A_236 : i32
      %while3A_238 = arith.addi %while3A_236, %while3A_237 : i32
      %while3A_239 = arith.constant 1 : i32
      %while3A_240 = arith.divsi %while3A_237, %while3A_239 : i32
      %while3A_241 = arith.muli %while3A_240, %while3A_239 : i32
      %while3A_242 = arith.addi %while3A_236, %while3A_241 : i32
      %while3A_243 = arith.constant 1 : i32
      scf.for %while3A_253 = %while3A_236 to %while3A_242 step %while3A_243  : i32 {
        %add3A_254 = arith.addi %parallel_loop3A_157#0, %shift_left3A_227 : i32
        %mul3A_255 = arith.constant 16 : i32
        %mul3A_256 = arith.muli %while3A_253, %mul3A_255 : i32
        %add3A_257 = arith.addi %add3A_254, %mul3A_256 : i32
        %mul3A_258 = arith.constant 16 : i32
        %mul3A_259 = arith.muli %while3A_253, %mul3A_258 : i32
        %add3A_260 = arith.addi %shift_left3A_227, %mul3A_259 : i32
        %iota3A = tpu.iota {dimensions = array<i32: 0>} : vector<16xi32>
        %add3A_261 = vector.broadcast %add3A_260 : i32 to vector<16xi32>
        %add3A_262 = arith.addi %add3A_261, %iota3A : vector<16xi32>
        %lt3A_263 = vector.broadcast %sub3A_223 : i32 to vector<16xi32>
        %lt3A_264 = arith.cmpi slt, %add3A_262, %lt3A_263 : vector<16xi32>
        %get3A = arith.index_cast %add3A_257 : i32 to index
        %get3A_265 = tpu.vector_load %arg11[%get3A] {strides = array<i32>} : memref<16400xi32, #tpu.memory_space<vmem>>, vector<16xi32>,
        %shift_right_logical3A_266 = arith.constant 16 : i32
        %shift_right_logical3A_267 = vector.broadcast %shift_right_logical3A_266 : i32 to vector<16xi32>
        %shift_right_logical3A_268 = arith.shrui %get3A_265, %shift_right_logical3A_267 : vector<16xi32>
        %and3A_269 = arith.constant 16383 : i32
        %and3A_270 = vector.broadcast %and3A_269 : i32 to vector<16xi32>
        %and3A_271 = arith.andi %shift_right_logical3A_268, %and3A_270 : vector<16xi32>
        %and3A_272 = arith.constant 32767 : i32
        %and3A_273 = vector.broadcast %and3A_272 : i32 to vector<16xi32>
        %and3A_274 = arith.andi %get3A_265, %and3A_273 : vector<16xi32>
        %gather3A = tpu.vector_load_idx %arg13[%and3A_274] masked %lt3A_264 : memref<32768xf32, #tpu.memory_space<vmem>>[vector<16xi32>], vector<16xf32>, vector<16xi1>
        tpu.vector_store_idx %arg14[%and3A_271], %gather3A masked %lt3A_264 : memref<16384xf32, #tpu.memory_space<vmem>>[vector<16xi32>], vector<16xf32>, vector<16xi1>
      }
      %while3A_244 = arith.constant 1 : i32
      scf.for %while3A_253 = %while3A_242 to %while3A_238 step %while3A_244  : i32 {
        %add3A_254 = arith.addi %parallel_loop3A_157#0, %shift_left3A_227 : i32
        %mul3A_255 = arith.constant 16 : i32
        %mul3A_256 = arith.muli %while3A_253, %mul3A_255 : i32
        %add3A_257 = arith.addi %add3A_254, %mul3A_256 : i32
        %mul3A_258 = arith.constant 16 : i32
        %mul3A_259 = arith.muli %while3A_253, %mul3A_258 : i32
        %add3A_260 = arith.addi %shift_left3A_227, %mul3A_259 : i32
        %iota3A = tpu.iota {dimensions = array<i32: 0>} : vector<16xi32>
        %add3A_261 = vector.broadcast %add3A_260 : i32 to vector<16xi32>
        %add3A_262 = arith.addi %add3A_261, %iota3A : vector<16xi32>
        %lt3A_263 = vector.broadcast %sub3A_223 : i32 to vector<16xi32>
        %lt3A_264 = arith.cmpi slt, %add3A_262, %lt3A_263 : vector<16xi32>
        %get3A = arith.index_cast %add3A_257 : i32 to index
        %get3A_265 = tpu.vector_load %arg11[%get3A] {strides = array<i32>} : memref<16400xi32, #tpu.memory_space<vmem>>, vector<16xi32>,
        %shift_right_logical3A_266 = arith.constant 16 : i32
        %shift_right_logical3A_267 = vector.broadcast %shift_right_logical3A_266 : i32 to vector<16xi32>
        %shift_right_logical3A_268 = arith.shrui %get3A_265, %shift_right_logical3A_267 : vector<16xi32>
        %and3A_269 = arith.constant 16383 : i32
        %and3A_270 = vector.broadcast %and3A_269 : i32 to vector<16xi32>
        %and3A_271 = arith.andi %shift_right_logical3A_268, %and3A_270 : vector<16xi32>
        %and3A_272 = arith.constant 32767 : i32
        %and3A_273 = vector.broadcast %and3A_272 : i32 to vector<16xi32>
        %and3A_274 = arith.andi %get3A_265, %and3A_273 : vector<16xi32>
        %gather3A = tpu.vector_load_idx %arg13[%and3A_274] masked %lt3A_264 : memref<32768xf32, #tpu.memory_space<vmem>>[vector<16xi32>], vector<16xf32>, vector<16xi1>
        tpu.vector_store_idx %arg14[%and3A_271], %gather3A masked %lt3A_264 : memref<16384xf32, #tpu.memory_space<vmem>>[vector<16xi32>], vector<16xf32>, vector<16xi1>
      }
      %add3A_245 = arith.addi %mul3A_32, %min3A_182 : i32
      %dma_start3A_246 = arith.constant 32768 : i32
      %dma_start3A_247 = tpu.memref_slice %arg5[%select_n3A, %add3A_245, %dma_start3A_246] : memref<8x128x65536xf32, #tpu.memory_space<hbm>> -> memref<1x1x32768xf32, #tpu.memory_space<hbm>>
      %dma_start3A_248 = tpu.memref_squeeze %dma_start3A_247 : memref<1x1x32768xf32, #tpu.memory_space<hbm>> -> memref<32768xf32, #tpu.memory_space<hbm>>
      %dma_start3A_249 = arith.constant 32768 : i32
      %dma_start3A_250 = tpu.memref_slice %arg5[%select_n3A, %add3A_245, %dma_start3A_249] : memref<8x128x65536xf32, #tpu.memory_space<hbm>> -> memref<1x1x32768xf32, #tpu.memory_space<hbm>>
      %dma_start3A_251 = tpu.memref_squeeze %dma_start3A_250 : memref<1x1x32768xf32, #tpu.memory_space<hbm>> -> memref<32768xf32, #tpu.memory_space<hbm>>
      tpu.enqueue_dma source(%dma_start3A_251 : memref<32768xf32, #tpu.memory_space<hbm>>) target(%arg13 : memref<32768xf32, #tpu.memory_space<vmem>>) target_semaphore(%arg17 : memref<!tpu.dma_semaphore, #tpu.memory_space<semaphore_mem>>)
      %add3A_252 = arith.addi %mul3A_32, %scan3A_179 : i32
      "tpu.region"() ({
        %run_scoped3A = tpu.sem_alloc : memref<!tpu.dma_semaphore, #tpu.memory_space<semaphore_mem>>
        %dma_start3A_253 = arith.constant 0 : i32
        %dma_start3A_254 = tpu.memref_slice %arg10[%select_n3A, %add3A_252, %dma_start3A_253] : memref<8x128x16384xf32, #tpu.memory_space<hbm>> -> memref<1x1x16384xf32, #tpu.memory_space<hbm>>
        %dma_start3A_255 = tpu.memref_squeeze %dma_start3A_254 : memref<1x1x16384xf32, #tpu.memory_space<hbm>> -> memref<16384xf32, #tpu.memory_space<hbm>>
        %dma_start3A_256 = arith.constant 0 : i32
        %dma_start3A_257 = tpu.memref_slice %arg10[%select_n3A, %add3A_252, %dma_start3A_256] : memref<8x128x16384xf32, #tpu.memory_space<hbm>> -> memref<1x1x16384xf32, #tpu.memory_space<hbm>>
        %dma_start3A_258 = tpu.memref_squeeze %dma_start3A_257 : memref<1x1x16384xf32, #tpu.memory_space<hbm>> -> memref<16384xf32, #tpu.memory_space<hbm>>
        tpu.enqueue_dma source(%arg14 : memref<16384xf32, #tpu.memory_space<vmem>>) target(%dma_start3A_258 : memref<16384xf32, #tpu.memory_space<hbm>>) target_semaphore(%run_scoped3A : memref<!tpu.dma_semaphore, #tpu.memory_space<semaphore_mem>>)
        %dma_wait3A_259 = arith.constant 0 : i32
        %dma_wait3A_260 = tpu.memref_slice %arg10[%select_n3A, %add3A_252, %dma_wait3A_259] : memref<8x128x16384xf32, #tpu.memory_space<hbm>> -> memref<1x1x16384xf32, #tpu.memory_space<hbm>>
        %dma_wait3A_261 = tpu.memref_squeeze %dma_wait3A_260 : memref<1x1x16384xf32, #tpu.memory_space<hbm>> -> memref<16384xf32, #tpu.memory_space<hbm>>
        %dma_wait3A_262 = arith.constant 0 : i32
        %dma_wait3A_263 = tpu.memref_slice %arg10[%select_n3A, %add3A_252, %dma_wait3A_262] : memref<8x128x16384xf32, #tpu.memory_space<hbm>> -> memref<1x1x16384xf32, #tpu.memory_space<hbm>>
        %dma_wait3A_264 = tpu.memref_squeeze %dma_wait3A_263 : memref<1x1x16384xf32, #tpu.memory_space<hbm>> -> memref<16384xf32, #tpu.memory_space<hbm>>
        tpu.wait_dma2 semaphore(%run_scoped3A : memref<!tpu.dma_semaphore, #tpu.memory_space<semaphore_mem>>) src(%arg14 : memref<16384xf32, #tpu.memory_space<vmem>>) dst(%dma_wait3A_264 : memref<16384xf32, #tpu.memory_space<hbm>>)
        tpu.yield
      }) : () -> ()
    }
    %scan3A_162 = arith.constant 32 : i32
    %add3A_163 = arith.constant 31 : i32
    %add3A_164 = arith.addi %mul3A_32, %add3A_163 : i32
    %dma_wait3A_165 = arith.constant 0 : i32
    %dma_wait3A_166 = tpu.memref_slice %arg5[%select_n3A, %add3A_164, %dma_wait3A_165] : memref<8x128x65536xf32, #tpu.memory_space<hbm>> -> memref<1x1x32768xf32, #tpu.memory_space<hbm>>
    %dma_wait3A_167 = tpu.memref_squeeze %dma_wait3A_166 : memref<1x1x32768xf32, #tpu.memory_space<hbm>> -> memref<32768xf32, #tpu.memory_space<hbm>>
    %dma_wait3A_168 = arith.constant 0 : i32
    %dma_wait3A_169 = tpu.memref_slice %arg5[%select_n3A, %add3A_164, %dma_wait3A_168] : memref<8x128x65536xf32, #tpu.memory_space<hbm>> -> memref<1x1x32768xf32, #tpu.memory_space<hbm>>
    %dma_wait3A_170 = tpu.memref_squeeze %dma_wait3A_169 : memref<1x1x32768xf32, #tpu.memory_space<hbm>> -> memref<32768xf32, #tpu.memory_space<hbm>>
    tpu.wait_dma2 semaphore(%arg16 : memref<!tpu.dma_semaphore, #tpu.memory_space<semaphore_mem>>) src(%dma_wait3A_170 : memref<32768xf32, #tpu.memory_space<hbm>>) dst(%arg12 : memref<32768xf32, #tpu.memory_space<vmem>>)
    %add3A_171 = arith.constant 31 : i32
    %add3A_172 = arith.addi %mul3A_32, %add3A_171 : i32
    %dma_wait3A_173 = arith.constant 32768 : i32
    %dma_wait3A_174 = tpu.memref_slice %arg5[%select_n3A, %add3A_172, %dma_wait3A_173] : memref<8x128x65536xf32, #tpu.memory_space<hbm>> -> memref<1x1x32768xf32, #tpu.memory_space<hbm>>
    %dma_wait3A_175 = tpu.memref_squeeze %dma_wait3A_174 : memref<1x1x32768xf32, #tpu.memory_space<hbm>> -> memref<32768xf32, #tpu.memory_space<hbm>>
    %dma_wait3A_176 = arith.constant 32768 : i32
    %dma_wait3A_177 = tpu.memref_slice %arg5[%select_n3A, %add3A_172, %dma_wait3A_176] : memref<8x128x65536xf32, #tpu.memory_space<hbm>> -> memref<1x1x32768xf32, #tpu.memory_space<hbm>>
    %dma_wait3A_178 = tpu.memref_squeeze %dma_wait3A_177 : memref<1x1x32768xf32, #tpu.memory_space<hbm>> -> memref<32768xf32, #tpu.memory_space<hbm>>
    tpu.wait_dma2 semaphore(%arg17 : memref<!tpu.dma_semaphore, #tpu.memory_space<semaphore_mem>>) src(%dma_wait3A_178 : memref<32768xf32, #tpu.memory_space<hbm>>) dst(%arg13 : memref<32768xf32, #tpu.memory_space<vmem>>)
    return
  }
}

</mosaic_0001>

<sc_bundles>
// kernel: _sc_gather.3.cloned.1.call-start
scs
__scs_entry_jumppad:
0x0: {  	(pc) =	sbr.rel $0x88, $3  }
0x1: {  	(tag) =	ssettag $0x0;
	lr =	simm.s32 $0x1  }
0x2: {  	[smem:$0x3F9C] =	sst lr;
	_ =	strace $0xD0000000  }
0x3: {  	_ = 	snop  }
0x4: {  	_ = 	snop  }
0x5: {  	_ = 	snop  }
0x6: {  	_ = 	snop  }
0x7: {  	_ = 	snop  }
__scs_overlays_trampoline_lowered:
0x8: {  	[smem:$0x3FAB] =	sst s0  }
0x9: {  	[smem:$0x3FAC] =	sst s1  }
0xa: {  	[smem:$0x3FAD] =	sst s2  }
0xb: {  	[smem:$0x3FAE] =	sst s3  }
0xc: {  	[smem:$0x3FAF] =	sst s4  }
0xd: {  	[smem:$0x3FB0] =	sst s5  }
0xe: {  	[smem:$0x3FB1] =	sst s6  }
0xf: {  	[smem:$0x3FB2] =	sst s7  }
0x10: {  	[smem:$0x3FB3] =	sst s8  }
0x11: {  	[smem:$0x3FB4] =	sst s9;
	s0 =	simm.s32 @!p0 $0x0  }
0x12: {  	s1 =	sld [smem:$0x3F9A];
	s0 =	simm.s32 @p0 $0x1  }
0x13: {  	[smem:$0x3FB5] =	sst s0;
	s0 =	simm.s32 @!p1 $0x0  }
0x14: {  	s2 =	sld [smem:$0x3F99];
	s0 =	simm.s32 @p1 $0x1  }
0x15: {  	[smem:$0x3FB6] =	sst s0;
	s0 =	simm.s32 @!p2 $0x0  }
0x16: {  	s3 =	sld [smem:$0x3FDB];
	s0 =	simm.s32 @p2 $0x1  }
0x17: {  	s4 =	simm.s32 $0x1BF5;
	[smem:$0x3FB8] =	sst s0  }
0x18: {  	s0 =	sld [smem:$0x3F9B];
	_ =	swait.ge [sflag:s4], $0x0  }
0x19: {  	s7 =	sld [smem:$0x3F9C]  }
0x1a: {  	s8 =	sadd.s32 $0xFFFFE003, lr  }
0x1b: {  	s9 =	sadd.s32 $0xFFFFFEF7, lr;
	s5 =	simm.s32 $0xFFFFFFFF;
	p2 =	slt.u32 s8, $0xFFFFF086  }
0x1c: {  	p1 =	slt.u32 s9, $0xF7A;
	s5 =	simm.s32 @!p2 $0x0  }
0x1d: {  	s5 =	simm.s32 @p1 $0x1;
	p0 =	seq.s32 s7, s2  }
0x1e: {  	s7 =	smul.u32 @!p0 $0xF7A, s2;
	p2 =	seq.s32 @!p0 s5, $0x0  }
0x1f: {  	s9 =	smul.u32 $0xF7A, s1;
	s8 =	simm.s32 @!p0 $0x1BF5;
	p2 =	por !p2, p0  }
0x20: {  	[sflag:s8] =	ssyncset.s32 @!p0 $0xFFFFF086;
	s6 =	sadd.s32 @!p0 s3, s7;
	s7 =	simm.s32 @!p0 $0x108  }
0x21: {  	s3 =	sadd.s32 s3, s9;
	s6 =	sadd.s32 @!p0 $0x88, s6;
	s7 =	simm.s32 @p2 $0x1082  }
0x22: {  	[simem:s7], [sflag:s8] =	dma.local @!p0 [hbm:s6], $0xF7A  }
0x23: {  	s9 =	sor.u32 $0xD0000000, s2;
	s6 =	simm.s32 $0x108;
	_ =	swait.ge @!p0 [sflag:s8], $0x0  }
0x24: {  	s3 =	sadd.s32 $0x88, s3;
	s6 =	simm.s32 @!p1 $0x1082;
	[sflag:s4] =	ssyncset.s32 $0xFFFFF086  }
0x25: {  	[simem:s6], [sflag:s4] =	dma.local [hbm:s3], $0xF7A  }
0x26: {  	[smem:$0x3F9C] =	sst s1;
	(tag) =	ssettag s2;
	_ =	strace s9  }
0x27: {  	s1 =	sld [smem:$0x3FAC]  }
0x28: {  	s2 =	sld [smem:$0x3FAD]  }
0x29: {  	s4 =	sld [smem:$0x3FAF]  }
0x2a: {  	p0 =	seq.s32 s5, $0x0;
	s5 =	sld [smem:$0x3FB0]  }
0x2b: {  	s6 =	sld [smem:$0x3FB1]  }
0x2c: {  	s7 =	sld [smem:$0x3FB2]  }
0x2d: {  	s3 =	simm.s32 $0x108;
	s8 =	sld [smem:$0x3FB3]  }
0x2e: {  	s3 =	simm.s32 @!p0 $0x1082;
	s9 =	sld [smem:$0x3FB4]  }
0x2f: {  	lr =	sadd.s32 s0, s3;
	s0 =	sld [smem:$0x3FAB]  }
0x30: {  	s3 =	sld [smem:$0x3FAE]  }
0x31: {  	[smem:$0x3FB7] =	sst s10  }
0x32: {  	s10 =	sld [smem:$0x3FB5];
	_ =	sdelay $0x3  }
0x33: {  	p0 =	seq.s32 s10, $0x1;
	s10 =	sld [smem:$0x3FB7];
	_ =	sdelay $0x3  }
0x34: {  	[smem:$0x3FB7] =	sst s10  }
0x35: {  	s10 =	sld [smem:$0x3FB6];
	_ =	sdelay $0x3  }
0x36: {  	p1 =	seq.s32 s10, $0x1;
	s10 =	sld [smem:$0x3FB7];
	_ =	sdelay $0x3  }
0x37: {  	[smem:$0x3FB7] =	sst s10  }
0x38: {  	s10 =	sld [smem:$0x3FB8]  }
0x39: {  	_ = 	snop;
	(pc) =	sbr.ind lr, $3  }
0x3a: {  	_ = 	snop  }
0x3b: {  	_ = 	snop  }
0x3c: {  	p2 =	seq.s32 s10, $0x1;
	s10 =	sld [smem:$0x3FB7]  }
0x3d: {  	_ =	shalt  }
0x3e: {  	_ =	shalt  }
0x3f: {  	_ =	shalt  }
0x40: {  	_ =	shalt  }
0x41: {  	_ =	shalt  }
0x42: {  	_ =	shalt  }
0x43: {  	_ =	shalt  }
0x44: {  	_ =	shalt  }
0x45: {  	_ =	shalt  }
0x46: {  	_ =	shalt  }
0x47: {  	_ =	shalt  }
0x48: {  	_ =	shalt  }
0x49: {  	_ =	shalt  }
0x4a: {  	_ =	shalt  }
0x4b: {  	_ =	shalt  }
0x4c: {  	_ =	shalt  }
0x4d: {  	_ =	shalt  }
0x4e: {  	_ =	shalt  }
0x4f: {  	_ =	shalt  }
0x50: {  	_ =	shalt  }
0x51: {  	_ =	shalt  }
0x52: {  	_ =	shalt  }
0x53: {  	_ =	shalt  }
0x54: {  	_ =	shalt  }
0x55: {  	_ =	shalt  }
0x56: {  	_ =	shalt  }
0x57: {  	_ =	shalt  }
0x58: {  	_ =	shalt  }
0x59: {  	_ =	shalt  }
0x5a: {  	_ =	shalt  }
0x5b: {  	_ =	shalt  }
0x5c: {  	_ =	shalt  }
0x5d: {  	_ =	shalt  }
0x5e: {  	_ =	shalt  }
0x5f: {  	_ =	shalt  }
0x60: {  	_ =	shalt  }
0x61: {  	_ =	shalt  }
0x62: {  	_ =	shalt  }
0x63: {  	_ =	shalt  }
0x64: {  	_ =	shalt  }
0x65: {  	_ =	shalt  }
0x66: {  	_ =	shalt  }
0x67: {  	_ =	shalt  }
0x68: {  	_ =	shalt  }
0x69: {  	_ =	shalt  }
0x6a: {  	_ =	shalt  }
0x6b: {  	_ =	shalt  }
0x6c: {  	_ =	shalt  }
0x6d: {  	_ =	shalt  }
0x6e: {  	_ =	shalt  }
0x6f: {  	_ =	shalt  }
0x70: {  	_ =	shalt  }
0x71: {  	_ =	shalt  }
0x72: {  	_ =	shalt  }
0x73: {  	_ =	shalt  }
0x74: {  	_ =	shalt  }
0x75: {  	_ =	shalt  }
0x76: {  	_ =	shalt  }
0x77: {  	_ =	shalt  }
0x78: {  	_ =	shalt  }
0x79: {  	_ =	shalt  }
0x7a: {  	_ =	shalt  }
0x7b: {  	_ =	shalt  }
0x7c: {  	_ =	shalt  }
0x7d: {  	_ =	shalt  }
0x7e: {  	_ =	shalt  }
0x7f: {  	_ =	shalt  }
0x80: {  	_ =	shalt  }
0x81: {  	_ =	shalt  }
0x82: {  	_ =	shalt  }
0x83: {  	_ =	shalt  }
0x84: {  	_ =	shalt  }
0x85: {  	_ =	shalt  }
0x86: {  	_ =	shalt  }
0x87: {  	_ =	shalt  }
.Lfunc_end0:
.L_simem_size_0:
called_computation_lowered:
.L_overlay_start_0:
0x88: {  	s2 =	sld [smem:$0x3FD9]  }
0x89: {  	s3 =	sld [smem:$0x3FFE];
	_ =	sdelay $0x1  }
0x8a: {  	s1 =	srdreg.scid  }
0x8b: {  	s0 =	sand.u32 $0x1, s1  }
0x8c: {  	s15 =	sshll.u32 s0, $0xA;
	s2 =	sadd.s32 s3, s2  }
0x8d: {  	s2 =	sadd.s32 s2, s15  }
0x8e: {  	[smem:$0x3FC3] =	sst s2  }
0x8f: {  	_ = 	snop  }
0x90: {  	s2 =	sld [smem:$0x3FC9]  }
0x91: {  	s16 =	sld [smem:$0x3FC8]  }
0x92: {  	s4 =	sld [smem:$0x3FD0]  }
0x93: {  	s5 =	sld [smem:$0x3FC7]  }
0x94: {  	s6 =	sld [smem:$0x3FC6]  }
0x95: {  	s8 =	simm.s32 $0xA;
	s9 =	simm.s32 $0x10;
	s7 =	sld [smem:$0x3FC5]  }
0x96: {  	[smem:s9], [sflag:s8] =	dma.local [hbm:s4], $0x1  }
0x97: {  	_ =	swait.eq [sflag:s8], $0x1  }
0x98: {  	s17 =	sld [smem:$0x10]  }
0x99: {  	s18 =	sld [smem:$0x11];
	[sflag:s8] =	ssyncset.done $0x0  }
0x9a: {  	s10 =	sld [smem:$0x12];
	[sflag:s8] =	ssyncadd.s32 $0xFFFFFFFF  }
0x9b: {  	s19 =	sld [smem:$0x13];
	(tm) =	ssettm $0x1  }
0x9c: {  	s11 =	sld [smem:$0x3FFB];
	_ =	sdelay $0x3  }
0x9d: {  	_ =	strace s11  }
0x9e: {  	s11 =	sld [smem:$0x3FFC];
	_ =	sdelay $0x3  }
0x9f: {  	_ =	strace s11  }
0xa0: {  	s11 =	sld [smem:$0x3FFD];
	_ =	sdelay $0x3  }
0xa1: {  	_ =	strace s11  }
0xa2: {  	_ =	strace $0x8FFFFFFF  }
0xa3: {  	s20 =	sld [smem:$0x3FDB];
	_ =	sdelay $0x1  }
0xa4: {  	s12 =	simm.s32 $_scs_section_size  }
0xa5: {  	s13 =	simm.s32 $_size__tile_overlayer_lowered;
	s14 =	simm.s32 $_tile_overlayer_lowered  }
0xa6: {  	s23 =	simm.s32 $0x1BFF;
	s22 =	sshll.u32 s14, $0x1;
	s11 =	sadd.s32 s12, s20  }
0xa7: {  	s21 =	sshll.u32 s13, $0x1;
	s15 =	simm.s32 $0x0;
	s13 =	sadd.s32 s22, s11  }
0xa8: {  	[timem:s15], [sflag:s23] =	dma.local [hbm:s13], s21  }
0xa9: {  	_ =	swait.ge [sflag:s23], s21  }
0xaa: {  	s12 =	ssub.s32 $0x0, s21;
	[sflag:s23] =	ssyncset.done $0x0  }
0xab: {  	[sflag:s23] =	ssyncadd.s32 s12;
	_ =	sdelay $0x1  }
0xac: {  	s24 =	simm.s32 $0x1B8B  }
0xad: {  	_ =	swait.ge [sflag:s24], $0x1  }
0xae: {  	[sflag:s24] =	ssyncset.done $0x0  }
0xaf: {  	s25 =	simm.s32 $0x1B8E;
	[sflag:s24] =	ssyncadd.s32 $0xFFFFFFFF  }
0xb0: {  	s26 =	simm.s32 $execute0_lowered;
	[smem:$0x3FD2] =	sst s25  }
0xb1: {  	s12 =	sshll.u32 s26, $0x1;
	_ =	strace $0x80000046;
	[dreg:$0x1] =	wrdreg $0xFFFFFFFF  }
0xb2: {  	s28 =	simm.s32 $_size_execute0_lowered;
	s11 =	sadd.s32 s11, s12;
	[dreg:$0x0] =	wrdreg $0x0  }
0xb3: {  	s12 =	sshll.u32 s28, $0x1;
	[dreg:$0x2] =	wrdreg s11  }
0xb4: {  	[dreg:$0x3] =	wrdreg s12  }
0xb5: {  	[dreg:$0x4] =	wrdreg $0xC0  }
0xb6: {  	_ =	task [dreg:s15], $0x5FFFF  }
0xb7: {  	[dreg:$0x1] =	wrdreg $0xFFFFFFFF  }
0xb8: {  	[dreg:$0x0] =	wrdreg $0x60  }
0xb9: {  	[dreg:$0x2] =	wrdreg s2  }
0xba: {  	[dreg:$0x3] =	wrdreg s16  }
0xbb: {  	[dreg:$0x4] =	wrdreg s5  }
0xbc: {  	[dreg:$0x5] =	wrdreg s6  }
0xbd: {  	[dreg:$0x6] =	wrdreg s7  }
0xbe: {  	[dreg:$0x7] =	wrdreg s17  }
0xbf: {  	[dreg:$0x8] =	wrdreg s18  }
0xc0: {  	[dreg:$0x9] =	wrdreg s10  }
0xc1: {  	[dreg:$0xa] =	wrdreg s19  }
0xc2: {  	[dreg:$0xb] =	wrdreg $0x9  }
0xc3: {  	_ =	task.clear_ibuf [dreg:s15], $0xCFFFF;
	_ =	strace $0x90000046  }
0xc4: {  	s29 =	simm.s32 $0x9;
	_ =	strace $0x80000048  }
0xc5: {  	_ =	swait.ge [sflag:s29], $0x1  }
0xc6: {  	[sflag:s29] =	ssyncadd.s32 $0xFFFFFFFF  }
0xc7: {  	_ =	strace $0x90000048  }
0xc8: {  	_ =	sfence  }
0xc9: {  	s30 =	sld [smem:$0x0];
	_ =	sdelay $0x2  }
0xca: {  	s31 =	sshll.u32 s1, $0xD;
	s1 =	sshrl.u32 s1, $0x2  }
0xcb: {  	s3 =	sand.u32 $0x4000, s31;
	s1 =	sadd.s32 s1, s30  }
0xcc: {  	s0 =	sor.u32 s3, s0;
	s1 =	sshll.u32 s1, $0x11  }
0xcd: {  	s0 =	sor.u32 s1, s0  }
0xce: {  	s0 =	sadd.s32 $0x8F2B, s0  }
0xcf: {  	[sflag:s0] =	ssyncadd.remote.s32 $0x1  }
0xd0: {  	_ =	sfence.sel $0xFFFF  }
0xd1: {  	[dreg:$0x0] =	wrdreg $0xFFFFFFFF;
	(pc) =	sbr.abs _section_cstart, $3  }
0xd2: {  	[dreg:$0x1] =	wrdreg $0xFFFFFFFF  }
0xd3: {  	_ =	task.clear_ibuf [dreg:s15], $0x2FFFF;
	_ =	strace $0x9FFFFFFF  }
0xd4: {  	(tm) =	ssettm $0x7FFFFFFF  }
0xd5: {  	_ =	shalt  }
tec
execute0_lowered:
.L_overlay_start_1:
0x0: {  	(tag) =	ssettag $0x1  }
0x1: {  	s0 =	rddreg [dreg:$0x0]  }
0x2: {  	s2 =	rddreg [dreg:$0x1]  }
0x3: {  	s3 =	rddreg [dreg:$0x2]  }
0x4: {  	s1 =	rddreg [dreg:$0x3]  }
0x5: {  	s5 =	rddreg [dreg:$0x4]  }
0x6: {  	s6 =	rddreg [dreg:$0x5]  }
0x7: {  	s7 =	rddreg [dreg:$0x6]  }
0x8: {  	s8 =	rddreg [dreg:$0x7]  }
0x9: {  	s9 =	rddreg [dreg:$0x8];
	s10 =	simm.s32 $0x0  }
0xa: {  	s4 =	srdreg.scid;
	s13 =	stileid.u32;
	s28 =	simm.s32 $0x18080  }
0xb: {  	s29 =	simm.s32 $0x3;
	s30 =	simm.s32 $0x4080;
	s31 =	simm.s32 $0xC080  }
0xc: {  	[smem:$0x7FF] =	sst s10;
	s4 =	sand.u32 $0x1, s4;
	s22 =	sshll.u32 s13, $0x1  }
0xd: {  	s13 =	sshrl.u32 s13, $0x1;
	_ =	strace $0x80000047;
	s11 =	ssub.s32 $0x2, s4  }
0xe: {  	s10 =	sand.u32 $0x2, s22;
	s14 =	sshll.u32 s13, $0x4;
	s12 =	sshrl.u32 s11, $0x1  }
0xf: {  	s10 =	sor.u32 s4, s10;
	s24 =	sor.u32 $0x8000, s14;
	s25 =	sadd.s32 s0, s14  }
0x10: {  	s26 =	sadd.s32 s2, s14;
	s17 =	sadd.s32 s3, s14;
	[dreg:$0xb] =	wrdreg s25  }
0x11: {  	s11 =	ssub.s32 s11, s12;
	s23 =	sshll.u32 s10, $0xC;
	[dreg:$0xd] =	wrdreg s26  }
0x12: {  	s4 =	sshll.u32 s10, $0x5;
	s0 =	sadd.s32 s0, s24;
	[dreg:$0xf] =	wrdreg s17  }
0x13: {  	s18 =	sadd.s32 s3, s24;
	s12 =	sshll.u32 s13, $0x17;
	s19 =	sshll.u32 s10, $0x15  }
0x14: {  	s26 =	sshll.u32 s13, $0x12;
	s15 =	sor.u32 s14, s23;
	[dreg:$0xc] =	wrdreg s0  }
0x15: {  	s3 =	simm.s32 $0x2;
	[dreg:$0x10] =	wrdreg s18;
	s16 =	sadd.s32 s5, s15  }
0x16: {  	s0 =	sor.u32 s12, s19;
	s20 =	sadd.s32 s6, s15;
	[dreg:$0xa] =	wrdreg s16  }
0x17: {  	s19 =	sadd.s32 s5, s14;
	s21 =	sadd.s32 s7, s15;
	[dreg:$0x11] =	wrdreg s20  }
0x18: {  	s22 =	sadd.s32 s8, s15;
	s0 =	sshrl.u32 s0, $0x3;
	[dreg:$0x12] =	wrdreg s21  }
0x19: {  	s25 =	sadd.s32 $0x2000, s19;
	s5 =	simm.s32 $0x0;
	[dreg:$0x13] =	wrdreg s22  }
0x1a: {  	s16 =	sadd.s32 s2, s24;
	s23 =	sadd.s32 s1, s0;
	[dreg:$0x17] =	wrdreg s25  }
.Ltmp0:
0x1b: {  	s24 =	sadd.s32 $0x1000, s19;
	[dreg:$0xe] =	wrdreg s16;
	(pc) =	sbr.rel .LBB2_1-.Ltmp0, $4  }
0x1c: {  	s22 =	sadd.s32 $0x3000, s19;
	s25 =	simm.s32 $0x80;
	[dreg:$0x14] =	wrdreg s23  }
0x1d: {  	s2 =	simm.s32 $0x14080;
	s16 =	sadd.s32 $0x8000, s1;
	[dreg:$0x16] =	wrdreg s24  }
0x1e: {  	v0 =	vlaneseq.u32;
	s23 =	sadd.s32 s9, s26;
	s24 =	smax.u32 s11, $0x1;
	s0 =	sadd.s32 s0, s16  }
0x1f: {  	v2 =	vimm.s32 $0x0;
	v1 =	vmul.u32 $0x10000, v0;
	s26 =	simm.s32 $0x400;
	[dreg:$0x15] =	wrdreg s0;
	s0 =	simm.s32 $0x1  }
.LBB2_32:
0x20: {  	s5 =	sadd.s32 $0x1, s5  }
0x21: {  	_ =	swait.ge [sflag:s0], $0x8000;
	p0 =	sne.s32 s5, s24  }
.Ltmp1:
0x22: {  	[sflag:s0] =	ssyncset.done $0x0;
	(pc) =	sbr.rel @!p0 .LBB2_33-.Ltmp1, $4  }
0x23: {  	[sflag:s0] =	ssyncadd.s32 $0xFFFF8000  }
0x24: {  	_ =	swait.ge [sflag:s3], $0x8000  }
0x25: {  	[sflag:s3] =	ssyncset.done $0x0  }
0x26: {  	[sflag:s3] =	ssyncadd.s32 $0xFFFF8000  }
.LBB2_1:
0x27: {  	s6 =	rddreg [dreg:$0xa]  }
0x28: {  	[tilespmem:s28], [sflag:$0x3] =	stream.strided.gather [hbm4b:s6+s25], $0x1000, s26, s25, $0x38;
	[tilespmem:$0x19080] =	vst v63  }
0x29: {  	_ =	swait.ge [sflag:s29], $0x1000  }
0x2a: {  	[sflag:s29] =	ssyncset.done $0x0  }
0x2b: {  	s13 =	rddreg [dreg:$0xb];
	[sflag:s29] =	ssyncadd.s32 $0xFFFFF000  }
0x2c: {  	[tilespmem:s30], [sflag:$0x1] =	stream.strided.gather [hbm4b:s13+s25], $0x8000, s26, s25, $0x38;
	[tilespmem:$0x19080] =	vst v63  }
0x2d: {  	s14 =	rddreg [dreg:$0xc]  }
0x2e: {  	[tilespmem:s31], [sflag:$0x2] =	stream.strided.gather [hbm4b:s14+s25], $0x8000, s26, s25, $0x38;
	[tilespmem:$0x19080] =	vst v63  }
0x2f: {  	_ =	swait.ge [sflag:s0], $0x8000  }
0x30: {  	[sflag:s0] =	ssyncset.done $0x0  }
0x31: {  	s15 =	simm.s32 $0x180A0;
	[sflag:s0] =	ssyncadd.s32 $0xFFFF8000  }
0x32: {  	v3 =	vld [tilespmem:s15+$0x10]  }
0x33: {  	v4 =	vld [tilespmem:s15+$0xFFFFFFF0]  }
0x34: {  	v6 =	vld [tilespmem:s15+$0xFFFFFFE0];
	_ =	sdelay $0x1  }
0x35: {  	s17 =	simm.s32 $0x180E0;
	s7 =	simm.s32 $0x30;
	v5 =	vld [tilespmem:s15+$0x0]  }
0x36: {  	v15 =	vor.u32 s7, v0;
	v9 =	vld [tilespmem:s17+$0x10]  }
0x37: {  	v10 =	vld [tilespmem:s17+$0xFFFFFFF0];
	vm0 =	vgt.s32 v3, $0x0;
	vm1 =	vgt.s32 v4, $0x0;
	vm5 =	vlt.u32 v3, $0x8000  }
0x38: {  	v14 =	vld [tilespmem:s17+$0x0];
	vm3 =	vlt.u32 v4, $0x8000;
	vm6 =	vlt.u32 v6, $0x8000;
	v3 =	vnsel vm0, $0x0, v3  }
0x39: {  	v4 =	vnsel vm1, $0x0, v4;
	vm1 =	vgt.s32 v6, $0x0;
	v7 =	vmin.u32 v3, $0x7FFF  }
0x3a: {  	vm0 =	vgt.s32 v5, $0x0;
	v8 =	vmin.u32 v4, $0x7FFF;
	v4 =	vnsel vm1, $0x0, v6  }
0x3b: {  	vm4 =	vlt.u32 v5, $0x8000;
	v3 =	vnsel vm0, $0x0, v5;
	v13 =	vmin.u32 v4, $0x7FFF  }
0x3c: {  	v16 =	vld [tilespmem:s17+$0xFFFFFFE0];
	vm7 =	vlt.u32 v9, $0x8000;
	vm9 =	vgt.s32 v10, $0x0;
	v12 =	vmin.u32 v3, $0x7FFF  }
0x3d: {  	vm15 =	vgt.s32 v14, $0x0;
	vm8 =	vmmov vm5;
	vm2 =	vmmov vm3  }
0x3e: {  	s18 =	simm.s32 $0x0;
	s20 =	simm.s32 $0x10;
	vm1 =	vmmov vm6;
	vm0 =	vmmov vm4;
	v17 =	vld.idx.msk [tilespmem:v7+s30+$0x0], vm5;
	vm5 =	vgt.s32 v9, $0x0  }
0x3f: {  	s21 =	simm.s32 $0x20;
	v5 =	vor.u32 s20, v0;
	v3 =	vor.u32 s18, v0;
	v6 =	vld.idx.msk [tilespmem:v8+s30+$0x0], vm3;
	v7 =	vnsel vm5, $0x0, v9  }
0x40: {  	v4 =	vor.u32 s21, v0;
	vm3 =	vlt.u32 v14, $0x8000;
	v8 =	vld.idx.msk [tilespmem:v13+s30+$0x0], vm6;
	v11 =	vmin.u32 v7, $0x7FFF  }
0x41: {  	vm5 =	vlt.u32 v10, $0x8000;
	v9 =	vnsel vm9, $0x0, v10;
	vm6 =	vlt.u32 v16, $0x8000;
	v7 =	vld.idx.msk [tilespmem:v12+s30+$0x0], vm4  }
0x42: {  	s8 =	simm.s32 $0x18120;
	v10 =	vnsel vm15, $0x0, v14;
	v9 =	vmin.u32 v9, $0x7FFF;
	vm4 =	vgt.s32 v16, $0x0  }
0x43: {  	s9 =	simm.s32 $0xC0;
	s7 =	simm.s32 $0x40;
	s6 =	simm.s32 $0x80;
	v12 =	vld [tilespmem:s8+$0x10];
	v10 =	vmin.u32 v10, $0x7FFF;
	v13 =	vnsel vm4, $0x0, v16;
	vm4 =	vmmov vm7;
	[tilespmem:v15+s2+$0x0] =	vst.idx.msk vm8, v17  }
.LBB2_2:
0x44: {  	p0 =	slt.u32 s9, $0xFC0;
	v14 =	vld [tilespmem:s8+$0xFFFFFFF0];
	v13 =	vmin.u32 v13, $0x7FFF;
	[tilespmem:v5+s2+$0x0] =	vst.idx.msk vm2, v6;
	vm2 =	vmmov vm5  }
0x45: {  	s10 =	sadd.s32 $0x30, s7;
	v15 =	vld.idx.msk [tilespmem:v11+s30+$0x0], vm7;
	[tilespmem:v3+s2+$0x0] =	vst.idx.msk vm1, v8;
	vm1 =	vmmov vm6  }
0x46: {  	v17 =	vor.u32 s10, v0;
	v16 =	vld [tilespmem:s8+$0x0];
	[tilespmem:v4+s2+$0x0] =	vst.idx.msk vm0, v7;
	vm0 =	vmmov vm3  }
0x47: {  	s11 =	sadd.s32 $0x20, s7;
	v3 =	vor.u32 s7, v0;
	s10 =	sadd.s32 $0x10, s7;
	s7 =	smov.u32 s6;
	v18 =	vld [tilespmem:s8+$0xFFFFFFE0]  }
0x48: {  	s6 =	smov.u32 s9;
	v5 =	vor.u32 s10, v0;
	v4 =	vor.u32 s11, v0;
	vm8 =	vgt.s32 v12, $0x0;
	v6 =	vld.idx.msk [tilespmem:v9+s30+$0x0], vm5  }
.Ltmp2:
0x49: {  	vm7 =	vlt.u32 v12, $0x8000;
	vm9 =	vgt.s32 v14, $0x0;
	v7 =	vnsel vm8, $0x0, v12;
	v8 =	vld.idx.msk [tilespmem:v13+s30+$0x0], vm6;
	(pc) =	sbr.rel @p0 .LBB2_2-.Ltmp2, $4  }
0x4a: {  	vm5 =	vlt.u32 v14, $0x8000;
	v9 =	vnsel vm9, $0x0, v14;
	v11 =	vmin.u32 v7, $0x7FFF;
	v7 =	vld.idx.msk [tilespmem:v10+s30+$0x0], vm3  }
0x4b: {  	v9 =	vmin.u32 v9, $0x7FFF;
	vm3 =	vlt.u32 v16, $0x8000;
	vm8 =	vgt.s32 v16, $0x0;
	[tilespmem:v17+s2+$0x0] =	vst.idx.msk vm4, v15  }
0x4c: {  	s8 =	sadd.s32 $0x40, s8;
	vm6 =	vlt.u32 v18, $0x8000;
	vm4 =	vgt.s32 v18, $0x0;
	v10 =	vnsel vm8, $0x0, v16  }
0x4d: {  	s9 =	sadd.s32 $0x40, s9;
	v12 =	vld [tilespmem:s8+$0x10];
	v13 =	vnsel vm4, $0x0, v18;
	v10 =	vmin.u32 v10, $0x7FFF;
	vm4 =	vmmov vm7  }
0x4e: {  	v14 =	vld [tilespmem:s8+$0xFFFFFFF0]  }
0x4f: {  	v15 =	vld [tilespmem:s8+$0x0]  }
0x50: {  	v16 =	vld [tilespmem:s8+$0xFFFFFFE0];
	_ =	sdelay $0x1  }
0x51: {  	v13 =	vmin.u32 v13, $0x7FFF  }
0x52: {  	vm8 =	vmmov vm5;
	vm9 =	vgt.s32 v12, $0x0;
	vm11 =	vlt.u32 v12, $0x8000  }
0x53: {  	vm10 =	vgt.s32 v14, $0x0;
	v12 =	vnsel vm9, $0x0, v12;
	vm12 =	vgt.s32 v15, $0x0  }
0x54: {  	vm13 =	vlt.u32 v14, $0x8000;
	vm14 =	vgt.s32 v16, $0x0;
	vm9 =	vlt.u32 v16, $0x8000  }
0x55: {  	s20 =	sadd.s32 $0x30, s7;
	v9 =	vld.idx.msk [tilespmem:v9+s30+$0x0], vm5;
	vm5 =	vlt.u32 v15, $0x8000;
	v17 =	vnsel vm10, $0x0, v14;
	v12 =	vmin.u32 v12, $0x7FFF  }
0x56: {  	v11 =	vld.idx.msk [tilespmem:v11+s30+$0x0], vm7;
	s21 =	sadd.s32 $0x10, s7;
	v18 =	vnsel vm14, $0x0, v16;
	v16 =	vor.u32 s20, v0;
	v17 =	vmin.u32 v17, $0x7FFF  }
0x57: {  	v14 =	vnsel vm12, $0x0, v15;
	v15 =	vor.u32 s21, v0;
	v18 =	vmin.u32 v18, $0x7FFF  }
0x58: {  	[tilespmem:v5+s2+$0x0] =	vst.idx.msk vm2, v6;
	vm2 =	vmmov vm3;
	v6 =	vor.u32 s7, v0;
	s8 =	sadd.s32 $0x20, s7;
	v5 =	vld.idx.msk [tilespmem:v13+s30+$0x0], vm6;
	v13 =	vmin.u32 v14, $0x7FFF  }
0x59: {  	[tilespmem:v3+s2+$0x0] =	vst.idx.msk vm1, v8;
	v8 =	vld.idx.msk [tilespmem:v10+s30+$0x0], vm3;
	s9 =	sadd.s32 $0x30, s6;
	v3 =	vor.u32 s8, v0  }
0x5a: {  	s10 =	sadd.s32 $0x10, s6;
	[tilespmem:v4+s2+$0x0] =	vst.idx.msk vm0, v7;
	v7 =	vor.u32 s9, v0;
	v4 =	vld.idx.msk [tilespmem:v12+s30+$0x0], vm11  }
0x5b: {  	[tilespmem:v16+s2+$0x0] =	vst.idx.msk vm4, v11;
	v11 =	vor.u32 s10, v0;
	v10 =	vld.idx.msk [tilespmem:v17+s30+$0x0], vm13  }
0x5c: {  	s11 =	sadd.s32 $0x20, s6;
	[tilespmem:v15+s2+$0x0] =	vst.idx.msk vm8, v9;
	v9 =	vor.u32 s6, v0;
	v12 =	vld.idx.msk [tilespmem:v18+s30+$0x0], vm9  }
0x5d: {  	[tilespmem:v6+s2+$0x0] =	vst.idx.msk vm6, v5;
	v5 =	vor.u32 s11, v0;
	v6 =	vld.idx.msk [tilespmem:v13+s30+$0x0], vm5  }
0x5e: {  	[tilespmem:v3+s2+$0x0] =	vst.idx.msk vm2, v8  }
0x5f: {  	[tilespmem:v7+s2+$0x0] =	vst.idx.msk vm11, v4  }
0x60: {  	[tilespmem:v11+s2+$0x0] =	vst.idx.msk vm13, v10  }
0x61: {  	[tilespmem:v9+s2+$0x0] =	vst.idx.msk vm9, v12  }
0x62: {  	[tilespmem:v5+s2+$0x0] =	vst.idx.msk vm5, v6  }
0x63: {  	s13 =	rddreg [dreg:$0xd]  }
0x64: {  	[tilespmem:s30], [sflag:$0x1] =	stream.strided.gather [hbm4b:s13+s25], $0x8000, s26, s25, $0x38;
	[tilespmem:$0x19080] =	vst v63  }
0x65: {  	_ =	swait.ge [sflag:s3], $0x8000  }
0x66: {  	[sflag:s3] =	ssyncset.done $0x0  }
0x67: {  	s14 =	simm.s32 $0x180A0;
	[sflag:s3] =	ssyncadd.s32 $0xFFFF8000  }
0x68: {  	v3 =	vld [tilespmem:s14+$0x10]  }
0x69: {  	s15 =	simm.s32 $0x180E0;
	v4 =	vld [tilespmem:s14+$0xFFFFFFF0]  }
0x6a: {  	v11 =	vld [tilespmem:s15+$0xFFFFFFF0]  }
0x6b: {  	v12 =	vld [tilespmem:s15+$0xFFFFFFE0]  }
0x6c: {  	vm15 =	vmmov vm6;
	vm1 =	vmmov vm11  }
0x6d: {  	s17 =	simm.s32 $0x30;
	vm0 =	vmmov vm13;
	vm3 =	vmmov vm9;
	vm4 =	vmmov vm5  }
0x6e: {  	v16 =	vor.u32 s17, v0;
	v5 =	vld [tilespmem:s14+$0x0];
	v7 =	vadd.s32 $0xFFFF8000, v3;
	v8 =	vadd.s32 $0xFFFF8000, v4  }
0x6f: {  	v6 =	vld [tilespmem:s14+$0xFFFFFFE0];
	v3 =	vand.u32 $0xFFFF8000, v3;
	v4 =	vand.u32 $0xFFFF8000, v4;
	v14 =	vadd.s32 $0xFFFF8000, v11  }
0x70: {  	v18 =	vadd.s32 $0xFFFF8000, v12;
	v12 =	vand.u32 $0xFFFF8000, v12;
	vm0 =	vgt.s32 v7, $0x0  }
0x71: {  	s18 =	simm.s32 $0x0;
	vm1 =	vgt.s32 v8, $0x0;
	vm3 =	veq.s32 v3, $0x8000;
	vm12 =	veq.s32 v4, $0x8000  }
0x72: {  	v4 =	vor.u32 s18, v0;
	vm9 =	vgt.s32 v14, $0x0;
	vm15 =	vgt.s32 v18, $0x0  }
0x73: {  	v10 =	vld [tilespmem:s15+$0x10];
	v3 =	vnsel vm0, $0x0, v7;
	v7 =	vnsel vm1, $0x0, v8;
	v8 =	vadd.s32 $0xFFFF8000, v5  }
0x74: {  	v15 =	vld [tilespmem:s15+$0x0];
	v5 =	vand.u32 $0xFFFF8000, v5;
	v9 =	vmin.u32 v3, $0x7FFF;
	v3 =	vadd.s32 $0xFFFF8000, v6  }
0x75: {  	v6 =	vand.u32 $0xFFFF8000, v6;
	vm0 =	vgt.s32 v8, $0x0;
	vm1 =	vgt.s32 v3, $0x0  }
0x76: {  	v7 =	vmin.u32 v7, $0x7FFF;
	vm5 =	veq.s32 v6, $0x8000;
	v3 =	vnsel vm1, $0x0, v3  }
0x77: {  	vm13 =	veq.s32 v5, $0x8000;
	v8 =	vnsel vm0, $0x0, v8;
	v6 =	vmin.u32 v3, $0x7FFF  }
0x78: {  	vm4 =	vmmov vm3;
	v17 =	vnsel vm9, $0x0, v14;
	v13 =	vmin.u32 v8, $0x7FFF  }
0x79: {  	s20 =	simm.s32 $0x10;
	v14 =	vadd.s32 $0xFFFF8000, v15;
	v15 =	vand.u32 $0xFFFF8000, v15;
	v8 =	vadd.s32 $0xFFFF8000, v10;
	v9 =	vld.idx.msk [tilespmem:v9+s31+$0x0], vm3  }
0x7a: {  	v5 =	vor.u32 s20, v0;
	v10 =	vand.u32 $0xFFFF8000, v10;
	vm14 =	vgt.s32 v8, $0x0  }
0x7b: {  	vm2 =	vmmov vm5;
	vm3 =	veq.s32 v10, $0x8000;
	v10 =	vnsel vm14, $0x0, v8;
	v7 =	vld.idx.msk [tilespmem:v7+s31+$0x0], vm12  }
0x7c: {  	s21 =	simm.s32 $0x20;
	vm0 =	vmmov vm12;
	vm1 =	vmmov vm13;
	v10 =	vmin.u32 v10, $0x7FFF;
	v8 =	vld.idx.msk [tilespmem:v6+s31+$0x0], vm5  }
0x7d: {  	s8 =	simm.s32 $0x18120;
	v3 =	vor.u32 s21, v0;
	vm5 =	vgt.s32 v14, $0x0;
	v6 =	vld.idx.msk [tilespmem:v13+s31+$0x0], vm13;
	v13 =	vand.u32 $0xFFFF8000, v11  }
0x7e: {  	s7 =	simm.s32 $0x40;
	s9 =	simm.s32 $0xC0;
	s6 =	simm.s32 $0x80;
	v11 =	vld [tilespmem:s8+$0x10];
	v14 =	vnsel vm5, $0x0, v14;
	[tilespmem:v16+s2+$0x0] =	vst.idx.msk vm4, v9;
	v16 =	vnsel vm15, $0x0, v18;
	v9 =	vmin.u32 v17, $0x7FFF  }
.LBB2_4:
0x7f: {  	vm6 =	veq.s32 v12, $0x8000  }
0x80: {  	p0 =	slt.u32 s9, $0xFC0;
	v17 =	vld [tilespmem:s8+$0xFFFFFFF0];
	v12 =	vmin.u32 v16, $0x7FFF;
	v14 =	vmin.u32 v14, $0x7FFF;
	vm5 =	vmmov vm3  }
0x81: {  	vm7 =	veq.s32 v13, $0x8000;
	vm4 =	veq.s32 v15, $0x8000;
	s10 =	sadd.s32 $0x30, s7;
	v13 =	vld.idx.msk [tilespmem:v10+s31+$0x0], vm3;
	[tilespmem:v4+s2+$0x0] =	vst.idx.msk vm2, v8;
	vm2 =	vmmov vm6  }
0x82: {  	v16 =	vor.u32 s10, v0;
	v15 =	vld [tilespmem:s8+$0x0];
	[tilespmem:v5+s2+$0x0] =	vst.idx.msk vm0, v7;
	vm0 =	vmmov vm7  }
0x83: {  	s11 =	sadd.s32 $0x20, s7;
	v4 =	vor.u32 s7, v0;
	s10 =	sadd.s32 $0x10, s7;
	s7 =	smov.u32 s6;
	v18 =	vld [tilespmem:s8+$0xFFFFFFE0];
	[tilespmem:v3+s2+$0x0] =	vst.idx.msk vm1, v6;
	vm1 =	vmmov vm4  }
0x84: {  	s6 =	smov.u32 s9;
	v5 =	vor.u32 s10, v0;
	v3 =	vor.u32 s11, v0;
	v6 =	vadd.s32 $0xFFFF8000, v11  }
0x85: {  	v8 =	vand.u32 $0xFFFF8000, v11;
	v7 =	vadd.s32 $0xFFFF8000, v17;
	vm8 =	vgt.s32 v6, $0x0  }
.Ltmp3:
0x86: {  	vm3 =	veq.s32 v8, $0x8000;
	vm9 =	vgt.s32 v7, $0x0;
	v6 =	vnsel vm8, $0x0, v6;
	v8 =	vld.idx.msk [tilespmem:v12+s31+$0x0], vm6;
	(pc) =	sbr.rel @p0 .LBB2_4-.Ltmp3, $4  }
0x87: {  	v19 =	vnsel vm9, $0x0, v7;
	v11 =	vadd.s32 $0xFFFF8000, v15;
	v10 =	vmin.u32 v6, $0x7FFF;
	v7 =	vld.idx.msk [tilespmem:v9+s31+$0x0], vm7;
	[tilespmem:v16+s2+$0x0] =	vst.idx.msk vm5, v13  }
0x88: {  	v9 =	vadd.s32 $0xFFFF8000, v18;
	v12 =	vand.u32 $0xFFFF8000, v18;
	vm5 =	vgt.s32 v11, $0x0;
	v6 =	vld.idx.msk [tilespmem:v14+s31+$0x0], vm4  }
0x89: {  	s8 =	sadd.s32 $0x40, s8;
	v13 =	vand.u32 $0xFFFF8000, v17;
	vm4 =	vgt.s32 v9, $0x0;
	v14 =	vnsel vm5, $0x0, v11  }
0x8a: {  	s9 =	sadd.s32 $0x40, s9;
	v15 =	vand.u32 $0xFFFF8000, v15;
	v11 =	vld [tilespmem:s8+$0x10];
	v16 =	vnsel vm4, $0x0, v9;
	v9 =	vmin.u32 v19, $0x7FFF  }
0x8b: {  	v17 =	vld [tilespmem:s8+$0xFFFFFFF0]  }
0x8c: {  	v18 =	vld [tilespmem:s8+$0xFFFFFFE0]  }
0x8d: {  	v19 =	vld [tilespmem:s8+$0x0];
	vm11 =	veq.s32 v12, $0x8000;
	v12 =	vmin.u32 v16, $0x7FFF  }
0x8e: {  	v14 =	vmin.u32 v14, $0x7FFF;
	vm4 =	vmmov vm3;
	vm9 =	veq.s32 v13, $0x8000  }
0x8f: {  	vm6 =	veq.s32 v15, $0x8000;
	v13 =	vadd.s32 $0xFFFF8000, v11;
	v11 =	vand.u32 $0xFFFF8000, v11  }
0x90: {  	v15 =	vadd.s32 $0xFFFF8000, v17;
	vm8 =	vgt.s32 v13, $0x0;
	vm7 =	veq.s32 v11, $0x8000  }
0x91: {  	v11 =	vand.u32 $0xFFFF8000, v18;
	v16 =	vadd.s32 $0xFFFF8000, v18;
	v17 =	vand.u32 $0xFFFF8000, v17  }
0x92: {  	v62 =	vand.u32 $0xFFFF8000, v19;
	vm10 =	vgt.s32 v15, $0x0;
	vm5 =	veq.s32 v11, $0x8000  }
0x93: {  	v11 =	vadd.s32 $0xFFFF8000, v19;
	v13 =	vnsel vm8, $0x0, v13;
	vm12 =	vgt.s32 v16, $0x0  }
0x94: {  	vm8 =	vgt.s32 v11, $0x0;
	v15 =	vnsel vm10, $0x0, v15;
	vm10 =	vmmov vm11  }
0x95: {  	s20 =	sadd.s32 $0x30, s7;
	v16 =	vnsel vm12, $0x0, v16;
	v13 =	vmin.u32 v13, $0x7FFF;
	v11 =	vnsel vm8, $0x0, v11  }
0x96: {  	v10 =	vld.idx.msk [tilespmem:v10+s31+$0x0], vm3;
	vm8 =	veq.s32 v17, $0x8000;
	v17 =	vor.u32 s20, v0;
	v16 =	vmin.u32 v16, $0x7FFF  }
0x97: {  	v63 =	vor.u32 s7, v0;
	s21 =	sadd.s32 $0x10, s7;
	v12 =	vld.idx.msk [tilespmem:v12+s31+$0x0], vm11;
	vm11 =	veq.s32 v62, $0x8000;
	v15 =	vmin.u32 v15, $0x7FFF  }
0x98: {  	[tilespmem:v4+s2+$0x0] =	vst.idx.msk vm2, v8;
	s9 =	sadd.s32 $0x20, s7;
	v8 =	vor.u32 s21, v0;
	v4 =	vld.idx.msk [tilespmem:v9+s31+$0x0], vm9;
	v9 =	vmin.u32 v11, $0x7FFF  }
0x99: {  	s10 =	sadd.s32 $0x30, s6;
	[tilespmem:v5+s2+$0x0] =	vst.idx.msk vm0, v7;
	v5 =	vor.u32 s9, v0;
	v7 =	vld.idx.msk [tilespmem:v14+s31+$0x0], vm6  }
0x9a: {  	[tilespmem:v3+s2+$0x0] =	vst.idx.msk vm1, v6;
	v6 =	vor.u32 s10, v0;
	vm1 =	vmmov vm5;
	v3 =	vld.idx.msk [tilespmem:v13+s31+$0x0], vm7  }
0x9b: {  	s11 =	sadd.s32 $0x10, s6;
	[tilespmem:v17+s2+$0x0] =	vst.idx.msk vm4, v10;
	v10 =	vor.u32 s6, v0;
	v11 =	vld.idx.msk [tilespmem:v16+s31+$0x0], vm5  }
0x9c: {  	s13 =	sadd.s32 $0x20, s6;
	[tilespmem:v63+s2+$0x0] =	vst.idx.msk vm10, v12;
	v12 =	vor.u32 s11, v0;
	v13 =	vld.idx.msk [tilespmem:v15+s31+$0x0], vm8  }
0x9d: {  	[tilespmem:v8+s2+$0x0] =	vst.idx.msk vm9, v4;
	v4 =	vor.u32 s13, v0;
	v8 =	vld.idx.msk [tilespmem:v9+s31+$0x0], vm11  }
0x9e: {  	[tilespmem:v5+s2+$0x0] =	vst.idx.msk vm6, v7  }
0x9f: {  	[tilespmem:v6+s2+$0x0] =	vst.idx.msk vm7, v3  }
0xa0: {  	[tilespmem:v10+s2+$0x0] =	vst.idx.msk vm1, v11  }
0xa1: {  	[tilespmem:v12+s2+$0x0] =	vst.idx.msk vm8, v13  }
0xa2: {  	[tilespmem:v4+s2+$0x0] =	vst.idx.msk vm11, v8  }
0xa3: {  	s14 =	rddreg [dreg:$0xe]  }
0xa4: {  	[tilespmem:s31], [sflag:$0x2] =	stream.strided.gather [hbm4b:s14+s25], $0x8000, s26, s25, $0x38;
	[tilespmem:$0x19080] =	vst v63  }
0xa5: {  	_ =	swait.ge [sflag:s0], $0x8000  }
0xa6: {  	[sflag:s0] =	ssyncset.done $0x0  }
0xa7: {  	s15 =	simm.s32 $0x180A0;
	[sflag:s0] =	ssyncadd.s32 $0xFFFF8000  }
0xa8: {  	v3 =	vld [tilespmem:s15+$0x0]  }
0xa9: {  	v4 =	vld [tilespmem:s15+$0xFFFFFFF0];
	_ =	sdelay $0x1  }
0xaa: {  	v5 =	vld [tilespmem:s15+$0xFFFFFFE0]  }
0xab: {  	s17 =	simm.s32 $0x180E0;
	v6 =	vld [tilespmem:s15+$0x10]  }
0xac: {  	vm2 =	vmmov vm6;
	vm0 =	vmmov vm7;
	vm4 =	vmmov vm8;
	v8 =	vld [tilespmem:s17+$0x0]  }
0xad: {  	vm5 =	vmmov vm11;
	v12 =	vld [tilespmem:s17+$0xFFFFFFF0];
	vm0 =	vgt.s32 v3, $0x0;
	vm1 =	vgt.s32 v4, $0x0  }
0xae: {  	v13 =	vld [tilespmem:s17+$0x10];
	vm2 =	vlt.u32 v3, $0x8000;
	vm5 =	vlt.u32 v4, $0x8000;
	v3 =	vnsel vm0, $0x0, v3  }
0xaf: {  	v7 =	vnsel vm1, $0x0, v4;
	vm0 =	vgt.s32 v5, $0x0;
	v3 =	vmin.u32 v3, $0x7FFF  }
0xb0: {  	vm6 =	vlt.u32 v5, $0x8000;
	v7 =	vmin.u32 v7, $0x7FFF;
	v4 =	vnsel vm0, $0x0, v5  }
0xb1: {  	vm3 =	vmmov vm9;
	vm4 =	vlt.u32 v6, $0x8000;
	v9 =	vmin.u32 v4, $0x7FFF  }
0xb2: {  	v15 =	vld [tilespmem:s17+$0xFFFFFFE0];
	vm3 =	vlt.u32 v8, $0x8000;
	vm7 =	vgt.s32 v8, $0x0;
	vm1 =	vgt.s32 v6, $0x0  }
0xb3: {  	vm8 =	vgt.s32 v12, $0x0;
	vm10 =	vgt.s32 v13, $0x0;
	v6 =	vnsel vm1, $0x0, v6  }
0xb4: {  	s18 =	simm.s32 $0x1020;
	vm0 =	vmmov vm2;
	vm1 =	vmmov vm5;
	v10 =	vmin.u32 v6, $0x7FFF;
	v4 =	vld.idx.msk [tilespmem:v3+s30+$0x0], vm2  }
0xb5: {  	s21 =	simm.s32 $0x1010;
	v5 =	vor.u32 s18, v0;
	v6 =	vnsel vm7, $0x0, v8;
	v8 =	vnsel vm8, $0x0, v12;
	v7 =	vld.idx.msk [tilespmem:v7+s30+$0x0], vm5  }
0xb6: {  	s8 =	simm.s32 $0x18120;
	s20 =	simm.s32 $0x1000;
	v11 =	vmin.u32 v6, $0x7FFF;
	vm2 =	vmmov vm6;
	v6 =	vld.idx.msk [tilespmem:v9+s30+$0x0], vm6;
	v9 =	vor.u32 s21, v0  }
0xb7: {  	s7 =	simm.s32 $0x0;
	v14 =	vld [tilespmem:s8+$0x0];
	vm7 =	vgt.s32 v15, $0x0;
	v8 =	vmin.u32 v8, $0x7FFF;
	v3 =	vor.u32 s20, v0  }
0xb8: {  	s9 =	simm.s32 $0x80;
	s10 =	simm.s32 $0x1030;
	s6 =	simm.s32 $0x40;
	vm5 =	vlt.u32 v15, $0x8000;
	v15 =	vnsel vm7, $0x0, v15;
	vm6 =	vlt.u32 v12, $0x8000;
	v12 =	vld [tilespmem:s8+$0xFFFFFFF0]  }
.LBB2_6:
0xb9: {  	v15 =	vmin.u32 v15, $0x7FFF;
	v16 =	vld.idx.msk [tilespmem:v10+s30+$0x0], vm4;
	v17 =	vor.u32 s10, v0;
	vm7 =	vmmov vm4;
	s11 =	smov.u32 s9;
	s9 =	sadd.s32 $0x40, s9  }
0xba: {  	p0 =	slt.u32 s9, $0xFC0;
	v18 =	vld [tilespmem:s8+$0x10];
	[tilespmem:v5+s2+$0x0] =	vst.idx.msk vm0, v4;
	vm0 =	vmmov vm3  }
0xbb: {  	s10 =	sadd.s32 $0x1060, s7;
	vm4 =	vlt.u32 v13, $0x8000;
	v10 =	vnsel vm10, $0x0, v13;
	v19 =	vld [tilespmem:s8+$0xFFFFFFE0];
	[tilespmem:v9+s2+$0x0] =	vst.idx.msk vm1, v7;
	vm1 =	vmmov vm6  }
0xbc: {  	s13 =	sadd.s32 $0x1040, s7;
	v5 =	vor.u32 s10, v0;
	v10 =	vmin.u32 v10, $0x7FFF;
	v4 =	vld.idx.msk [tilespmem:v11+s30+$0x0], vm3;
	vm3 =	vlt.u32 v14, $0x8000;
	[tilespmem:v3+s2+$0x0] =	vst.idx.msk vm2, v6  }
.Ltmp4:
0xbd: {  	vm8 =	vgt.s32 v14, $0x0;
	vm2 =	vmmov vm5;
	(pc) =	sbr.rel @p0 .LBB2_6-.Ltmp4, $4  }
0xbe: {  	s10 =	sadd.s32 $0x1050, s7;
	s8 =	sadd.s32 $0x40, s8;
	v3 =	vor.u32 s13, v0;
	vm9 =	vgt.s32 v12, $0x0;
	v6 =	vnsel vm8, $0x0, v14;
	v7 =	vld.idx.msk [tilespmem:v8+s30+$0x0], vm6  }
0xbf: {  	v9 =	vor.u32 s10, v0;
	v8 =	vnsel vm9, $0x0, v12;
	v11 =	vmin.u32 v6, $0x7FFF;
	v6 =	vld.idx.msk [tilespmem:v15+s30+$0x0], vm5;
	[tilespmem:v17+s2+$0x0] =	vst.idx.msk vm7, v16;
	v13 =	vmovc v18  }
0xc0: {  	vm6 =	vlt.u32 v12, $0x8000;
	v8 =	vmin.u32 v8, $0x7FFF;
	v14 =	vld [tilespmem:s8+$0x0];
	vm7 =	vgt.s32 v19, $0x0  }
0xc1: {  	s10 =	sadd.s32 $0x1070, s7;
	s7 =	smov.u32 s6;
	s6 =	smov.u32 s11;
	vm5 =	vlt.u32 v19, $0x8000;
	vm10 =	vgt.s32 v13, $0x0;
	v12 =	vld [tilespmem:s8+$0xFFFFFFF0];
	v15 =	vnsel vm7, $0x0, v19  }
0xc2: {  	_ =	sdelay $0x2  }
0xc3: {  	v15 =	vmin.u32 v15, $0x7FFF;
	v16 =	vor.u32 s10, v0;
	v17 =	vld [tilespmem:s8+$0xFFFFFFE0]  }
0xc4: {  	vm9 =	vmmov vm4;
	v18 =	vld [tilespmem:s8+$0x10];
	vm8 =	vmmov vm3;
	vm11 =	vlt.u32 v13, $0x8000  }
0xc5: {  	s18 =	sadd.s32 $0x1060, s7;
	v13 =	vnsel vm10, $0x0, v13;
	vm7 =	vmmov vm6;
	v11 =	vld.idx.msk [tilespmem:v11+s30+$0x0], vm3;
	vm3 =	vmmov vm5;
	s20 =	sadd.s32 $0x1050, s7  }
0xc6: {  	[tilespmem:v5+s2+$0x0] =	vst.idx.msk vm0, v4;
	v19 =	vor.u32 s18, v0;
	v13 =	vmin.u32 v13, $0x7FFF;
	v5 =	vor.u32 s20, v0  }
0xc7: {  	vm10 =	vlt.u32 v14, $0x8000;
	vm12 =	vgt.s32 v14, $0x0;
	vm13 =	vgt.s32 v12, $0x0  }
0xc8: {  	v14 =	vnsel vm12, $0x0, v14;
	vm12 =	vlt.u32 v12, $0x8000;
	v20 =	vnsel vm13, $0x0, v12  }
0xc9: {  	v10 =	vld.idx.msk [tilespmem:v10+s30+$0x0], vm4;
	v14 =	vmin.u32 v14, $0x7FFF;
	vm13 =	vgt.s32 v17, $0x0;
	vm4 =	vlt.u32 v17, $0x8000  }
0xca: {  	v12 =	vnsel vm13, $0x0, v17;
	vm13 =	vgt.s32 v18, $0x0;
	v20 =	vmin.u32 v20, $0x7FFF  }
0xcb: {  	s9 =	sadd.s32 $0x1040, s7;
	v4 =	vld.idx.msk [tilespmem:v8+s30+$0x0], vm6;
	vm0 =	vlt.u32 v18, $0x8000;
	v17 =	vnsel vm13, $0x0, v18;
	v8 =	vmin.u32 v12, $0x7FFF  }
0xcc: {  	s21 =	sadd.s32 $0x1070, s7;
	[tilespmem:v9+s2+$0x0] =	vst.idx.msk vm1, v7;
	v7 =	vor.u32 s9, v0;
	v9 =	vld.idx.msk [tilespmem:v15+s30+$0x0], vm5;
	v12 =	vmin.u32 v17, $0x7FFF  }
0xcd: {  	s8 =	sadd.s32 $0x1060, s6;
	[tilespmem:v3+s2+$0x0] =	vst.idx.msk vm2, v6;
	v6 =	vor.u32 s21, v0;
	v3 =	vld.idx.msk [tilespmem:v13+s30+$0x0], vm11  }
0xce: {  	s9 =	sadd.s32 $0x1050, s6;
	[tilespmem:v16+s2+$0x0] =	vst.idx.msk vm9, v10;
	v13 =	vor.u32 s8, v0;
	v10 =	vld.idx.msk [tilespmem:v14+s30+$0x0], vm10  }
0xcf: {  	s10 =	sadd.s32 $0x1040, s6;
	[tilespmem:v19+s2+$0x0] =	vst.idx.msk vm8, v11;
	vm6 =	vmmov vm4;
	v14 =	vor.u32 s9, v0;
	v11 =	vld.idx.msk [tilespmem:v20+s30+$0x0], vm12  }
0xd0: {  	s11 =	sadd.s32 $0x1070, s6;
	[tilespmem:v5+s2+$0x0] =	vst.idx.msk vm7, v4;
	v4 =	vor.u32 s10, v0;
	v5 =	vld.idx.msk [tilespmem:v8+s30+$0x0], vm4  }
0xd1: {  	[tilespmem:v7+s2+$0x0] =	vst.idx.msk vm3, v9;
	v8 =	vor.u32 s11, v0;
	v7 =	vld.idx.msk [tilespmem:v12+s30+$0x0], vm0  }
0xd2: {  	[tilespmem:v6+s2+$0x0] =	vst.idx.msk vm11, v3  }
0xd3: {  	[tilespmem:v13+s2+$0x0] =	vst.idx.msk vm10, v10  }
0xd4: {  	[tilespmem:v14+s2+$0x0] =	vst.idx.msk vm12, v11  }
0xd5: {  	[tilespmem:v4+s2+$0x0] =	vst.idx.msk vm6, v5  }
0xd6: {  	[tilespmem:v8+s2+$0x0] =	vst.idx.msk vm0, v7  }
0xd7: {  	s13 =	rddreg [dreg:$0xf]  }
0xd8: {  	[tilespmem:s30], [sflag:$0x1] =	stream.strided.gather [hbm4b:s13+s25], $0x8000, s26, s25, $0x38;
	[tilespmem:$0x19080] =	vst v63  }
0xd9: {  	_ =	swait.ge [sflag:s3], $0x8000  }
0xda: {  	[sflag:s3] =	ssyncset.done $0x0  }
0xdb: {  	s14 =	simm.s32 $0x180A0;
	[sflag:s3] =	ssyncadd.s32 $0xFFFF8000  }
0xdc: {  	v3 =	vld [tilespmem:s14+$0x10]  }
0xdd: {  	v4 =	vld [tilespmem:s14+$0xFFFFFFF0]  }
0xde: {  	s15 =	simm.s32 $0x180E0;
	v6 =	vld [tilespmem:s14+$0xFFFFFFE0]  }
0xdf: {  	v13 =	vld [tilespmem:s15+$0xFFFFFFF0]  }
0xe0: {  	v12 =	vld [tilespmem:s15+$0xFFFFFFE0]  }
0xe1: {  	s17 =	simm.s32 $0x1030;
	vm1 =	vmmov vm11  }
0xe2: {  	vm2 =	vmmov vm10;
	vm5 =	vmmov vm12;
	v16 =	vor.u32 s17, v0  }
0xe3: {  	vm4 =	vmmov vm0;
	v7 =	vadd.s32 $0xFFFF8000, v3;
	v8 =	vadd.s32 $0xFFFF8000, v4  }
0xe4: {  	v5 =	vld [tilespmem:s14+$0x0];
	v3 =	vand.u32 $0xFFFF8000, v3;
	v9 =	vadd.s32 $0xFFFF8000, v6;
	v6 =	vand.u32 $0xFFFF8000, v6  }
0xe5: {  	v4 =	vand.u32 $0xFFFF8000, v4;
	v11 =	vadd.s32 $0xFFFF8000, v13;
	v15 =	vadd.s32 $0xFFFF8000, v12  }
0xe6: {  	v12 =	vand.u32 $0xFFFF8000, v12;
	v13 =	vand.u32 $0xFFFF8000, v13;
	vm0 =	vgt.s32 v7, $0x0  }
0xe7: {  	vm1 =	vgt.s32 v8, $0x0;
	vm3 =	veq.s32 v3, $0x8000;
	v3 =	vnsel vm0, $0x0, v7  }
0xe8: {  	vm5 =	veq.s32 v6, $0x8000;
	vm6 =	veq.s32 v4, $0x8000;
	v3 =	vmin.u32 v3, $0x7FFF  }
0xe9: {  	v10 =	vld [tilespmem:s15+$0x10];
	vm15 =	vgt.s32 v11, $0x0;
	v7 =	vnsel vm1, $0x0, v8;
	v8 =	vadd.s32 $0xFFFF8000, v5  }
0xea: {  	vm1 =	vgt.s32 v9, $0x0;
	v5 =	vand.u32 $0xFFFF8000, v5;
	vm4 =	vmmov vm3  }
0xeb: {  	v6 =	vld [tilespmem:s15+$0x0];
	vm0 =	vgt.s32 v8, $0x0;
	v9 =	vnsel vm1, $0x0, v9;
	v7 =	vmin.u32 v7, $0x7FFF  }
0xec: {  	s18 =	simm.s32 $0x1000;
	vm7 =	veq.s32 v5, $0x8000;
	v8 =	vnsel vm0, $0x0, v8;
	v9 =	vmin.u32 v9, $0x7FFF  }
0xed: {  	s20 =	simm.s32 $0x1010;
	v4 =	vor.u32 s18, v0;
	v11 =	vnsel vm15, $0x0, v11;
	v14 =	vmin.u32 v8, $0x7FFF;
	v17 =	vld.idx.msk [tilespmem:v3+s31+$0x0], vm3  }
0xee: {  	vm1 =	vmmov vm5;
	v5 =	vor.u32 s20, v0;
	v8 =	vadd.s32 $0xFFFF8000, v10  }
0xef: {  	vm0 =	vmmov vm6;
	v10 =	vand.u32 $0xFFFF8000, v10;
	vm14 =	vgt.s32 v8, $0x0  }
0xf0: {  	v63 =	vadd.s32 $0xFFFF8000, v6;
	vm3 =	veq.s32 v10, $0x8000;
	v10 =	vnsel vm14, $0x0, v8;
	v7 =	vld.idx.msk [tilespmem:v7+s31+$0x0], vm6  }
0xf1: {  	s21 =	simm.s32 $0x1020;
	vm2 =	vmmov vm7;
	v8 =	vld.idx.msk [tilespmem:v9+s31+$0x0], vm5;
	v10 =	vmin.u32 v10, $0x7FFF;
	vm5 =	vgt.s32 v63, $0x0  }
0xf2: {  	s7 =	simm.s32 $0x40;
	s6 =	simm.s32 $0x0;
	s8 =	simm.s32 $0x18120;
	v3 =	vor.u32 s21, v0;
	v9 =	vld.idx.msk [tilespmem:v14+s31+$0x0], vm7;
	v14 =	vnsel vm5, $0x0, v63;
	[tilespmem:v16+s2+$0x0] =	vst.idx.msk vm4, v17;
	vm4 =	vgt.s32 v15, $0x0  }
.LBB2_8:
0xf3: {  	v15 =	vnsel vm4, $0x0, v15  }
0xf4: {  	v16 =	vld [tilespmem:s8+$0x10];
	v17 =	vmin.u32 v11, $0x7FFF;
	v6 =	vand.u32 $0xFFFF8000, v6;
	vm4 =	vmmov vm3;
	s9 =	smov.u32 s7;
	s7 =	sadd.s32 $0x40, s7  }
0xf5: {  	vm7 =	veq.s32 v12, $0x8000;
	v14 =	vmin.u32 v14, $0x7FFF;
	v18 =	vld [tilespmem:s8+$0xFFFFFFF0];
	p0 =	slt.u32 s7, $0xFC0;
	v11 =	vmin.u32 v15, $0x7FFF  }
0xf6: {  	vm6 =	veq.s32 v13, $0x8000;
	s10 =	sadd.s32 $0x1070, s6;
	vm5 =	veq.s32 v6, $0x8000;
	v12 =	vld.idx.msk [tilespmem:v10+s31+$0x0], vm3;
	[tilespmem:v4+s2+$0x0] =	vst.idx.msk vm1, v8;
	vm1 =	vmmov vm7  }
0xf7: {  	s11 =	sadd.s32 $0x1040, s6;
	v13 =	vor.u32 s10, v0;
	v6 =	vld [tilespmem:s8+$0x0];
	[tilespmem:v5+s2+$0x0] =	vst.idx.msk vm0, v7;
	vm0 =	vmmov vm6  }
0xf8: {  	s10 =	sadd.s32 $0x1050, s6;
	v4 =	vor.u32 s11, v0;
	s11 =	sadd.s32 $0x1060, s6;
	s6 =	smov.u32 s9;
	v19 =	vld [tilespmem:s8+$0xFFFFFFE0];
	[tilespmem:v3+s2+$0x0] =	vst.idx.msk vm2, v9;
	vm2 =	vmmov vm5  }
0xf9: {  	v5 =	vor.u32 s10, v0;
	v3 =	vor.u32 s11, v0;
	v7 =	vadd.s32 $0xFFFF8000, v16  }
.Ltmp5:
0xfa: {  	v8 =	vand.u32 $0xFFFF8000, v16;
	v9 =	vadd.s32 $0xFFFF8000, v18;
	vm8 =	vgt.s32 v7, $0x0;
	(pc) =	sbr.rel @p0 .LBB2_8-.Ltmp5, $4  }
0xfb: {  	vm3 =	veq.s32 v8, $0x8000;
	vm9 =	vgt.s32 v9, $0x0;
	v7 =	vnsel vm8, $0x0, v7;
	v8 =	vld.idx.msk [tilespmem:v11+s31+$0x0], vm7  }
0xfc: {  	v11 =	vnsel vm9, $0x0, v9;
	v16 =	vadd.s32 $0xFFFF8000, v6;
	v10 =	vmin.u32 v7, $0x7FFF;
	v7 =	vld.idx.msk [tilespmem:v17+s31+$0x0], vm6;
	[tilespmem:v13+s2+$0x0] =	vst.idx.msk vm4, v12  }
0xfd: {  	v15 =	vadd.s32 $0xFFFF8000, v19;
	v12 =	vand.u32 $0xFFFF8000, v19;
	vm6 =	vgt.s32 v16, $0x0;
	v9 =	vld.idx.msk [tilespmem:v14+s31+$0x0], vm5  }
0xfe: {  	s8 =	sadd.s32 $0x40, s8;
	v13 =	vand.u32 $0xFFFF8000, v18;
	vm4 =	vgt.s32 v15, $0x0;
	v14 =	vnsel vm6, $0x0, v16  }
0xff: {  	v15 =	vnsel vm4, $0x0, v15;
	vm4 =	veq.s32 v12, $0x8000  }
0x100: {  	v6 =	vand.u32 $0xFFFF8000, v6;
	vm5 =	veq.s32 v13, $0x8000;
	v12 =	vmin.u32 v15, $0x7FFF  }
0x101: {  	v11 =	vmin.u32 v11, $0x7FFF;
	vm6 =	veq.s32 v6, $0x8000  }
0x102: {  	v6 =	vmin.u32 v14, $0x7FFF  }
0x103: {  	vm7 =	vmmov vm3;
	s7 =	sadd.s32 $0x1070, s6  }
0x104: {  	v10 =	vld.idx.msk [tilespmem:v10+s31+$0x0], vm3;
	s8 =	sadd.s32 $0x1040, s6;
	v13 =	vor.u32 s7, v0  }
0x105: {  	s11 =	sadd.s32 $0x1050, s6;
	v14 =	vor.u32 s8, v0;
	v12 =	vld.idx.msk [tilespmem:v12+s31+$0x0], vm4  }
0x106: {  	s13 =	sadd.s32 $0x1060, s6;
	[tilespmem:v4+s2+$0x0] =	vst.idx.msk vm1, v8;
	v4 =	vor.u32 s11, v0;
	v8 =	vld.idx.msk [tilespmem:v11+s31+$0x0], vm5  }
0x107: {  	[tilespmem:v5+s2+$0x0] =	vst.idx.msk vm0, v7;
	v5 =	vor.u32 s13, v0;
	v6 =	vld.idx.msk [tilespmem:v6+s31+$0x0], vm6  }
0x108: {  	[tilespmem:v3+s2+$0x0] =	vst.idx.msk vm2, v9  }
0x109: {  	[tilespmem:v13+s2+$0x0] =	vst.idx.msk vm7, v10  }
0x10a: {  	[tilespmem:v14+s2+$0x0] =	vst.idx.msk vm4, v12  }
0x10b: {  	[tilespmem:v4+s2+$0x0] =	vst.idx.msk vm5, v8  }
0x10c: {  	[tilespmem:v5+s2+$0x0] =	vst.idx.msk vm6, v6  }
0x10d: {  	s14 =	rddreg [dreg:$0x10]  }
0x10e: {  	[tilespmem:s31], [sflag:$0x2] =	stream.strided.gather [hbm4b:s14+s25], $0x8000, s26, s25, $0x38;
	[tilespmem:$0x19080] =	vst v63  }
0x10f: {  	_ =	swait.ge [sflag:s0], $0x8000  }
0x110: {  	[sflag:s0] =	ssyncset.done $0x0  }
0x111: {  	s15 =	simm.s32 $0x180A0;
	[sflag:s0] =	ssyncadd.s32 $0xFFFF8000  }
0x112: {  	v3 =	vld [tilespmem:s15+$0x0]  }
0x113: {  	v4 =	vld [tilespmem:s15+$0xFFFFFFF0];
	_ =	sdelay $0x1  }
0x114: {  	v5 =	vld [tilespmem:s15+$0xFFFFFFE0]  }
0x115: {  	s17 =	simm.s32 $0x180E0;
	v6 =	vld [tilespmem:s15+$0x10]  }
0x116: {  	vm1 =	vmmov vm6;
	v8 =	vld [tilespmem:s17+$0x0]  }
0x117: {  	vm8 =	vmmov vm5;
	v12 =	vld [tilespmem:s17+$0xFFFFFFF0];
	vm0 =	vgt.s32 v3, $0x0;
	vm1 =	vgt.s32 v4, $0x0  }
0x118: {  	v13 =	vld [tilespmem:s17+$0x10];
	vm2 =	vlt.u32 v3, $0x8000;
	vm5 =	vlt.u32 v4, $0x8000;
	v3 =	vnsel vm0, $0x0, v3  }
0x119: {  	v7 =	vnsel vm1, $0x0, v4;
	vm0 =	vgt.s32 v5, $0x0;
	v3 =	vmin.u32 v3, $0x7FFF  }
0x11a: {  	vm6 =	vlt.u32 v5, $0x8000;
	v7 =	vmin.u32 v7, $0x7FFF;
	v4 =	vnsel vm0, $0x0, v5  }
0x11b: {  	vm3 =	vmmov vm4;
	vm4 =	vlt.u32 v6, $0x8000;
	v9 =	vmin.u32 v4, $0x7FFF  }
0x11c: {  	v15 =	vld [tilespmem:s17+$0xFFFFFFE0];
	vm3 =	vlt.u32 v8, $0x8000;
	vm7 =	vgt.s32 v8, $0x0;
	vm1 =	vgt.s32 v6, $0x0  }
0x11d: {  	vm8 =	vgt.s32 v12, $0x0;
	vm10 =	vgt.s32 v13, $0x0;
	v6 =	vnsel vm1, $0x0, v6  }
0x11e: {  	s18 =	simm.s32 $0x2020;
	vm0 =	vmmov vm2;
	vm1 =	vmmov vm5;
	v10 =	vmin.u32 v6, $0x7FFF;
	v4 =	vld.idx.msk [tilespmem:v3+s30+$0x0], vm2  }
0x11f: {  	s21 =	simm.s32 $0x2010;
	v5 =	vor.u32 s18, v0;
	v6 =	vnsel vm7, $0x0, v8;
	v8 =	vnsel vm8, $0x0, v12;
	v7 =	vld.idx.msk [tilespmem:v7+s30+$0x0], vm5  }
0x120: {  	s20 =	simm.s32 $0x2000;
	s8 =	simm.s32 $0x18120;
	v11 =	vmin.u32 v6, $0x7FFF;
	vm2 =	vmmov vm6;
	v6 =	vld.idx.msk [tilespmem:v9+s30+$0x0], vm6;
	v9 =	vor.u32 s21, v0  }
0x121: {  	s6 =	simm.s32 $0x40;
	v14 =	vld [tilespmem:s8+$0x0];
	vm7 =	vgt.s32 v15, $0x0;
	v8 =	vmin.u32 v8, $0x7FFF;
	v3 =	vor.u32 s20, v0  }
0x122: {  	s9 =	simm.s32 $0x80;
	s10 =	simm.s32 $0x2030;
	s7 =	simm.s32 $0x0;
	vm5 =	vlt.u32 v15, $0x8000;
	v15 =	vnsel vm7, $0x0, v15;
	vm6 =	vlt.u32 v12, $0x8000;
	v12 =	vld [tilespmem:s8+$0xFFFFFFF0]  }
.LBB2_10:
0x123: {  	v15 =	vmin.u32 v15, $0x7FFF;
	v16 =	vld.idx.msk [tilespmem:v10+s30+$0x0], vm4;
	v17 =	vor.u32 s10, v0;
	vm7 =	vmmov vm4;
	s11 =	smov.u32 s9;
	s9 =	sadd.s32 $0x40, s9  }
0x124: {  	p0 =	slt.u32 s9, $0xFC0;
	v18 =	vld [tilespmem:s8+$0x10];
	[tilespmem:v5+s2+$0x0] =	vst.idx.msk vm0, v4;
	vm0 =	vmmov vm3  }
0x125: {  	s10 =	sadd.s32 $0x2060, s7;
	vm4 =	vlt.u32 v13, $0x8000;
	v10 =	vnsel vm10, $0x0, v13;
	v19 =	vld [tilespmem:s8+$0xFFFFFFE0];
	[tilespmem:v9+s2+$0x0] =	vst.idx.msk vm1, v7;
	vm1 =	vmmov vm6  }
0x126: {  	s13 =	sadd.s32 $0x2040, s7;
	v5 =	vor.u32 s10, v0;
	v10 =	vmin.u32 v10, $0x7FFF;
	v4 =	vld.idx.msk [tilespmem:v11+s30+$0x0], vm3;
	vm3 =	vlt.u32 v14, $0x8000;
	[tilespmem:v3+s2+$0x0] =	vst.idx.msk vm2, v6  }
.Ltmp6:
0x127: {  	vm8 =	vgt.s32 v14, $0x0;
	vm2 =	vmmov vm5;
	(pc) =	sbr.rel @p0 .LBB2_10-.Ltmp6, $4  }
0x128: {  	s10 =	sadd.s32 $0x2050, s7;
	s8 =	sadd.s32 $0x40, s8;
	v3 =	vor.u32 s13, v0;
	vm9 =	vgt.s32 v12, $0x0;
	v6 =	vnsel vm8, $0x0, v14;
	v7 =	vld.idx.msk [tilespmem:v8+s30+$0x0], vm6  }
0x129: {  	v9 =	vor.u32 s10, v0;
	v8 =	vnsel vm9, $0x0, v12;
	v11 =	vmin.u32 v6, $0x7FFF;
	v6 =	vld.idx.msk [tilespmem:v15+s30+$0x0], vm5;
	[tilespmem:v17+s2+$0x0] =	vst.idx.msk vm7, v16;
	v13 =	vmovc v18  }
0x12a: {  	vm6 =	vlt.u32 v12, $0x8000;
	v8 =	vmin.u32 v8, $0x7FFF;
	v14 =	vld [tilespmem:s8+$0x0];
	vm7 =	vgt.s32 v19, $0x0  }
0x12b: {  	s10 =	sadd.s32 $0x2070, s7;
	s7 =	smov.u32 s6;
	s6 =	smov.u32 s11;
	vm5 =	vlt.u32 v19, $0x8000;
	vm10 =	vgt.s32 v13, $0x0;
	v12 =	vld [tilespmem:s8+$0xFFFFFFF0];
	v15 =	vnsel vm7, $0x0, v19  }
0x12c: {  	_ =	sdelay $0x2  }
0x12d: {  	v15 =	vmin.u32 v15, $0x7FFF;
	v16 =	vor.u32 s10, v0;
	v17 =	vld [tilespmem:s8+$0xFFFFFFE0]  }
0x12e: {  	vm9 =	vmmov vm4;
	v18 =	vld [tilespmem:s8+$0x10];
	vm8 =	vmmov vm3;
	vm11 =	vlt.u32 v13, $0x8000  }
0x12f: {  	s20 =	sadd.s32 $0x2060, s7;
	v13 =	vnsel vm10, $0x0, v13;
	vm7 =	vmmov vm6;
	v11 =	vld.idx.msk [tilespmem:v11+s30+$0x0], vm3;
	vm3 =	vmmov vm5;
	s21 =	sadd.s32 $0x2050, s7  }
0x130: {  	[tilespmem:v5+s2+$0x0] =	vst.idx.msk vm0, v4;
	v19 =	vor.u32 s20, v0;
	v13 =	vmin.u32 v13, $0x7FFF;
	v5 =	vor.u32 s21, v0  }
0x131: {  	vm10 =	vlt.u32 v14, $0x8000;
	vm12 =	vgt.s32 v14, $0x0;
	vm13 =	vgt.s32 v12, $0x0  }
0x132: {  	v14 =	vnsel vm12, $0x0, v14;
	vm12 =	vlt.u32 v12, $0x8000;
	v20 =	vnsel vm13, $0x0, v12  }
0x133: {  	v10 =	vld.idx.msk [tilespmem:v10+s30+$0x0], vm4;
	v14 =	vmin.u32 v14, $0x7FFF;
	vm13 =	vgt.s32 v17, $0x0;
	vm4 =	vlt.u32 v17, $0x8000  }
0x134: {  	v12 =	vnsel vm13, $0x0, v17;
	vm13 =	vgt.s32 v18, $0x0;
	v20 =	vmin.u32 v20, $0x7FFF  }
0x135: {  	s9 =	sadd.s32 $0x2040, s7;
	v4 =	vld.idx.msk [tilespmem:v8+s30+$0x0], vm6;
	vm0 =	vlt.u32 v18, $0x8000;
	v17 =	vnsel vm13, $0x0, v18;
	v8 =	vmin.u32 v12, $0x7FFF  }
0x136: {  	s8 =	sadd.s32 $0x2070, s7;
	[tilespmem:v9+s2+$0x0] =	vst.idx.msk vm1, v7;
	v7 =	vor.u32 s9, v0;
	v9 =	vld.idx.msk [tilespmem:v15+s30+$0x0], vm5;
	v12 =	vmin.u32 v17, $0x7FFF  }
0x137: {  	s9 =	sadd.s32 $0x2060, s6;
	[tilespmem:v3+s2+$0x0] =	vst.idx.msk vm2, v6;
	v6 =	vor.u32 s8, v0;
	v3 =	vld.idx.msk [tilespmem:v13+s30+$0x0], vm11  }
0x138: {  	s10 =	sadd.s32 $0x2050, s6;
	[tilespmem:v16+s2+$0x0] =	vst.idx.msk vm9, v10;
	v13 =	vor.u32 s9, v0;
	v10 =	vld.idx.msk [tilespmem:v14+s30+$0x0], vm10  }
0x139: {  	s11 =	sadd.s32 $0x2040, s6;
	[tilespmem:v19+s2+$0x0] =	vst.idx.msk vm8, v11;
	vm6 =	vmmov vm4;
	v14 =	vor.u32 s10, v0;
	v11 =	vld.idx.msk [tilespmem:v20+s30+$0x0], vm12  }
0x13a: {  	s13 =	sadd.s32 $0x2070, s6;
	[tilespmem:v5+s2+$0x0] =	vst.idx.msk vm7, v4;
	v4 =	vor.u32 s11, v0;
	v5 =	vld.idx.msk [tilespmem:v8+s30+$0x0], vm4  }
0x13b: {  	[tilespmem:v7+s2+$0x0] =	vst.idx.msk vm3, v9;
	v8 =	vor.u32 s13, v0;
	v7 =	vld.idx.msk [tilespmem:v12+s30+$0x0], vm0  }
0x13c: {  	[tilespmem:v6+s2+$0x0] =	vst.idx.msk vm11, v3  }
0x13d: {  	[tilespmem:v13+s2+$0x0] =	vst.idx.msk vm10, v10  }
0x13e: {  	[tilespmem:v14+s2+$0x0] =	vst.idx.msk vm12, v11  }
0x13f: {  	[tilespmem:v4+s2+$0x0] =	vst.idx.msk vm6, v5  }
0x140: {  	[tilespmem:v8+s2+$0x0] =	vst.idx.msk vm0, v7  }
0x141: {  	_ =	swait.ge [sflag:s3], $0x8000  }
0x142: {  	[sflag:s3] =	ssyncset.done $0x0  }
0x143: {  	s14 =	simm.s32 $0x180A0;
	[sflag:s3] =	ssyncadd.s32 $0xFFFF8000  }
0x144: {  	v3 =	vld [tilespmem:s14+$0x10]  }
0x145: {  	v4 =	vld [tilespmem:s14+$0xFFFFFFF0]  }
0x146: {  	s15 =	simm.s32 $0x180E0;
	v6 =	vld [tilespmem:s14+$0xFFFFFFE0]  }
0x147: {  	v13 =	vld [tilespmem:s15+$0xFFFFFFF0]  }
0x148: {  	v12 =	vld [tilespmem:s15+$0xFFFFFFE0]  }
0x149: {  	s17 =	simm.s32 $0x2030;
	vm1 =	vmmov vm11  }
0x14a: {  	vm2 =	vmmov vm10;
	vm5 =	vmmov vm12;
	v16 =	vor.u32 s17, v0  }
0x14b: {  	vm4 =	vmmov vm0;
	v7 =	vadd.s32 $0xFFFF8000, v3;
	v8 =	vadd.s32 $0xFFFF8000, v4  }
0x14c: {  	v5 =	vld [tilespmem:s14+$0x0];
	v3 =	vand.u32 $0xFFFF8000, v3;
	v9 =	vadd.s32 $0xFFFF8000, v6;
	v6 =	vand.u32 $0xFFFF8000, v6  }
0x14d: {  	v4 =	vand.u32 $0xFFFF8000, v4;
	v11 =	vadd.s32 $0xFFFF8000, v13;
	v15 =	vadd.s32 $0xFFFF8000, v12  }
0x14e: {  	v12 =	vand.u32 $0xFFFF8000, v12;
	v13 =	vand.u32 $0xFFFF8000, v13;
	vm0 =	vgt.s32 v7, $0x0  }
0x14f: {  	vm1 =	vgt.s32 v8, $0x0;
	vm3 =	veq.s32 v3, $0x8000;
	v3 =	vnsel vm0, $0x0, v7  }
0x150: {  	vm5 =	veq.s32 v6, $0x8000;
	vm6 =	veq.s32 v4, $0x8000;
	v3 =	vmin.u32 v3, $0x7FFF  }
0x151: {  	v10 =	vld [tilespmem:s15+$0x10];
	vm15 =	vgt.s32 v11, $0x0;
	v7 =	vnsel vm1, $0x0, v8;
	v8 =	vadd.s32 $0xFFFF8000, v5  }
0x152: {  	vm1 =	vgt.s32 v9, $0x0;
	v5 =	vand.u32 $0xFFFF8000, v5;
	vm4 =	vmmov vm3  }
0x153: {  	v6 =	vld [tilespmem:s15+$0x0];
	vm0 =	vgt.s32 v8, $0x0;
	v9 =	vnsel vm1, $0x0, v9;
	v7 =	vmin.u32 v7, $0x7FFF  }
0x154: {  	s18 =	simm.s32 $0x2000;
	vm7 =	veq.s32 v5, $0x8000;
	v8 =	vnsel vm0, $0x0, v8;
	v9 =	vmin.u32 v9, $0x7FFF  }
0x155: {  	s20 =	simm.s32 $0x2010;
	v4 =	vor.u32 s18, v0;
	v11 =	vnsel vm15, $0x0, v11;
	v14 =	vmin.u32 v8, $0x7FFF;
	v17 =	vld.idx.msk [tilespmem:v3+s31+$0x0], vm3  }
0x156: {  	vm1 =	vmmov vm5;
	v5 =	vor.u32 s20, v0;
	v8 =	vadd.s32 $0xFFFF8000, v10  }
0x157: {  	vm0 =	vmmov vm6;
	v10 =	vand.u32 $0xFFFF8000, v10;
	vm14 =	vgt.s32 v8, $0x0  }
0x158: {  	v63 =	vadd.s32 $0xFFFF8000, v6;
	vm3 =	veq.s32 v10, $0x8000;
	v10 =	vnsel vm14, $0x0, v8;
	v7 =	vld.idx.msk [tilespmem:v7+s31+$0x0], vm6  }
0x159: {  	s21 =	simm.s32 $0x2020;
	vm2 =	vmmov vm7;
	v8 =	vld.idx.msk [tilespmem:v9+s31+$0x0], vm5;
	v10 =	vmin.u32 v10, $0x7FFF;
	vm5 =	vgt.s32 v63, $0x0  }
0x15a: {  	s7 =	simm.s32 $0x40;
	s6 =	simm.s32 $0x0;
	s8 =	simm.s32 $0x18120;
	v3 =	vor.u32 s21, v0;
	v9 =	vld.idx.msk [tilespmem:v14+s31+$0x0], vm7;
	v14 =	vnsel vm5, $0x0, v63;
	[tilespmem:v16+s2+$0x0] =	vst.idx.msk vm4, v17;
	vm4 =	vgt.s32 v15, $0x0  }
.LBB2_12:
0x15b: {  	v15 =	vnsel vm4, $0x0, v15  }
0x15c: {  	v16 =	vld [tilespmem:s8+$0x10];
	v17 =	vmin.u32 v11, $0x7FFF;
	v6 =	vand.u32 $0xFFFF8000, v6;
	vm4 =	vmmov vm3;
	s9 =	smov.u32 s7;
	s7 =	sadd.s32 $0x40, s7  }
0x15d: {  	vm7 =	veq.s32 v12, $0x8000;
	v14 =	vmin.u32 v14, $0x7FFF;
	v18 =	vld [tilespmem:s8+$0xFFFFFFF0];
	p0 =	slt.u32 s7, $0xFC0;
	v11 =	vmin.u32 v15, $0x7FFF  }
0x15e: {  	vm6 =	veq.s32 v13, $0x8000;
	s10 =	sadd.s32 $0x2070, s6;
	vm5 =	veq.s32 v6, $0x8000;
	v12 =	vld.idx.msk [tilespmem:v10+s31+$0x0], vm3;
	[tilespmem:v4+s2+$0x0] =	vst.idx.msk vm1, v8;
	vm1 =	vmmov vm7  }
0x15f: {  	s11 =	sadd.s32 $0x2040, s6;
	v13 =	vor.u32 s10, v0;
	v6 =	vld [tilespmem:s8+$0x0];
	[tilespmem:v5+s2+$0x0] =	vst.idx.msk vm0, v7;
	vm0 =	vmmov vm6  }
0x160: {  	s10 =	sadd.s32 $0x2050, s6;
	v4 =	vor.u32 s11, v0;
	s11 =	sadd.s32 $0x2060, s6;
	s6 =	smov.u32 s9;
	v19 =	vld [tilespmem:s8+$0xFFFFFFE0];
	[tilespmem:v3+s2+$0x0] =	vst.idx.msk vm2, v9;
	vm2 =	vmmov vm5  }
0x161: {  	v5 =	vor.u32 s10, v0;
	v3 =	vor.u32 s11, v0;
	v7 =	vadd.s32 $0xFFFF8000, v16  }
.Ltmp7:
0x162: {  	v8 =	vand.u32 $0xFFFF8000, v16;
	v9 =	vadd.s32 $0xFFFF8000, v18;
	vm8 =	vgt.s32 v7, $0x0;
	(pc) =	sbr.rel @p0 .LBB2_12-.Ltmp7, $4  }
0x163: {  	vm3 =	veq.s32 v8, $0x8000;
	vm9 =	vgt.s32 v9, $0x0;
	v7 =	vnsel vm8, $0x0, v7;
	v8 =	vld.idx.msk [tilespmem:v11+s31+$0x0], vm7  }
0x164: {  	v11 =	vnsel vm9, $0x0, v9;
	v16 =	vadd.s32 $0xFFFF8000, v6;
	v10 =	vmin.u32 v7, $0x7FFF;
	v7 =	vld.idx.msk [tilespmem:v17+s31+$0x0], vm6;
	[tilespmem:v13+s2+$0x0] =	vst.idx.msk vm4, v12  }
0x165: {  	v15 =	vadd.s32 $0xFFFF8000, v19;
	v12 =	vand.u32 $0xFFFF8000, v19;
	vm6 =	vgt.s32 v16, $0x0;
	v9 =	vld.idx.msk [tilespmem:v14+s31+$0x0], vm5  }
0x166: {  	s8 =	sadd.s32 $0x40, s8;
	v13 =	vand.u32 $0xFFFF8000, v18;
	vm4 =	vgt.s32 v15, $0x0;
	v14 =	vnsel vm6, $0x0, v16  }
0x167: {  	v15 =	vnsel vm4, $0x0, v15;
	vm4 =	veq.s32 v12, $0x8000  }
0x168: {  	v6 =	vand.u32 $0xFFFF8000, v6;
	vm5 =	veq.s32 v13, $0x8000;
	v12 =	vmin.u32 v15, $0x7FFF  }
0x169: {  	v11 =	vmin.u32 v11, $0x7FFF;
	vm6 =	veq.s32 v6, $0x8000  }
0x16a: {  	v6 =	vmin.u32 v14, $0x7FFF  }
0x16b: {  	vm7 =	vmmov vm3;
	s7 =	sadd.s32 $0x2070, s6  }
0x16c: {  	v10 =	vld.idx.msk [tilespmem:v10+s31+$0x0], vm3;
	s8 =	sadd.s32 $0x2040, s6;
	v13 =	vor.u32 s7, v0  }
0x16d: {  	s15 =	sadd.s32 $0x2050, s6;
	v14 =	vor.u32 s8, v0;
	v12 =	vld.idx.msk [tilespmem:v12+s31+$0x0], vm4  }
0x16e: {  	s17 =	sadd.s32 $0x2060, s6;
	[tilespmem:v4+s2+$0x0] =	vst.idx.msk vm1, v8;
	v4 =	vor.u32 s15, v0;
	v8 =	vld.idx.msk [tilespmem:v11+s31+$0x0], vm5  }
0x16f: {  	[tilespmem:v5+s2+$0x0] =	vst.idx.msk vm0, v7;
	v5 =	vor.u32 s17, v0;
	v6 =	vld.idx.msk [tilespmem:v6+s31+$0x0], vm6  }
0x170: {  	[tilespmem:v3+s2+$0x0] =	vst.idx.msk vm2, v9  }
0x171: {  	[tilespmem:v13+s2+$0x0] =	vst.idx.msk vm7, v10  }
0x172: {  	[tilespmem:v14+s2+$0x0] =	vst.idx.msk vm4, v12  }
0x173: {  	[tilespmem:v4+s2+$0x0] =	vst.idx.msk vm5, v8  }
0x174: {  	[tilespmem:v5+s2+$0x0] =	vst.idx.msk vm6, v6  }
0x175: {  	s18 =	rddreg [dreg:$0x11]  }
0x176: {  	[hbm4b:s18+s25] =	stream.strided.scatter [tilespmem:s2], [sflag:$0x3], $0x1000, s26, s25, $0x38;
	[tilespmem:$0x19080] =	vst v63  }
0x177: {  	_ =	swait.ge [sflag:s29], $0x1000  }
0x178: {  	[sflag:s29] =	ssyncset.done $0x0  }
0x179: {  	s21 =	simm.s32 $0x15080;
	s20 =	rddreg [dreg:$0x12];
	[sflag:s29] =	ssyncadd.s32 $0xFFFFF000  }
0x17a: {  	[hbm4b:s20+s25] =	stream.strided.scatter [tilespmem:s21], [sflag:$0x3], $0x1000, s26, s25, $0x38;
	[tilespmem:$0x19080] =	vst v63  }
0x17b: {  	_ =	swait.ge [sflag:s29], $0x1000  }
0x17c: {  	[sflag:s29] =	ssyncset.done $0x0  }
0x17d: {  	s8 =	simm.s32 $0x16080;
	s7 =	rddreg [dreg:$0x13];
	[sflag:s29] =	ssyncadd.s32 $0xFFFFF000  }
0x17e: {  	[hbm4b:s7+s25] =	stream.strided.scatter [tilespmem:s8], [sflag:$0x3], $0x1000, s26, s25, $0x38;
	[tilespmem:$0x19080] =	vst v63  }
0x17f: {  	_ =	swait.ge [sflag:s29], $0x1000  }
0x180: {  	[sflag:s29] =	ssyncset.done $0x0  }
0x181: {  	s9 =	rddreg [dreg:$0x14];
	[sflag:s29] =	ssyncadd.s32 $0xFFFFF000  }
0x182: {  	[tilespmem:s30], [sflag:$0x1] =	stream.strided.gather [hbm4b:s9+s25], $0x8000, s26, s25, $0x38;
	[tilespmem:$0x19080] =	vst v63  }
0x183: {  	s10 =	rddreg [dreg:$0x15]  }
0x184: {  	[tilespmem:s31], [sflag:$0x2] =	stream.strided.gather [hbm4b:s10+s25], $0x8000, s26, s25, $0x38;
	[tilespmem:$0x19080] =	vst v63  }
0x185: {  	_ = 	snop  }
0x186: {  	[tilespmem:s28], [sflag:$0x3] =	stream.strided.gather [hbm4b:s19+s25], $0x1000, s26, s25, $0x38;
	[tilespmem:$0x19080] =	vst v63  }
0x187: {  	_ =	swait.ge [sflag:s29], $0x1000  }
0x188: {  	[sflag:s29] =	ssyncset.done $0x0  }
0x189: {  	s11 =	simm.s32 $0x180A0;
	[sflag:s29] =	ssyncadd.s32 $0xFFFFF000  }
0x18a: {  	v3 =	vld [tilespmem:s11+$0xFFFFFFE0]  }
0x18b: {  	s6 =	simm.s32 $0x0;
	s13 =	simm.s32 $0x10;
	vm3 =	vmmov vm4  }
0x18c: {  	vm8 =	vmmov vm5;
	v4 =	vmov s6;
	v5 =	vmov s13;
	v6 =	vld [tilespmem:s11+$0xFFFFFFF0]  }
0x18d: {  	vm1 =	vmmov vm6;
	v4 =	vshll.u32 v4, $0x10;
	v5 =	vshll.u32 v5, $0x10;
	s9 =	simm.s32 $0x20;
	v9 =	vld [tilespmem:s11+$0x10]  }
0x18e: {  	v4 =	vor.u32 v1, v4;
	v5 =	vor.u32 v1, v5;
	v7 =	vmov s9;
	s10 =	simm.s32 $0x30;
	v10 =	vld [tilespmem:s11+$0x0]  }
0x18f: {  	v7 =	vshll.u32 v7, $0x10;
	v8 =	vmov s10;
	vm0 =	vlt.s32 v3, $0x8000  }
0x190: {  	s20 =	simm.s32 $0x70;
	v11 =	vor.u32 v1, v7;
	v8 =	vshll.u32 v8, $0x10;
	v7 =	vsel vm0, $0x1, v2  }
0x191: {  	v14 =	vmov s20;
	v12 =	vor.u32 v1, v8;
	vm2 =	vge.s32 v3, $0x8000;
	(xrf0) =	vadd.scan.msk.s32 $0xffff, v7  }
0x192: {  	v8 =	vadd.s32 $0xFFFF8000, v3;
	v17 =	vor.u32 v4, v3;
	vm1 =	vlt.s32 v6, $0x8000  }
0x193: {  	vm3 =	vlt.s32 v9, $0x8000;
	vm4 =	vge.s32 v6, $0x8000;
	vm5 =	vlt.s32 v10, $0x8000  }
0x194: {  	v13 =	vadd.s32 $0xFFFF8000, v9;
	vm7 =	vge.s32 v9, $0x8000;
	v18 =	vor.u32 v4, v8  }
0x195: {  	v3 =	vsel vm1, $0x1, v2;
	v4 =	vsel vm3, $0x1, v2;
	v8 =	vsel vm5, $0x1, v2  }
0x196: {  	vm14 =	vmmov vm0;
	v7 =	vadd.s32 $0xFFFF8000, v10;
	(xrf0) =	vadd.scan.msk.s32 $0xffff, v3;
	v3 =	vadd.s32 $0xFFFF8000, v6  }
0x197: {  	(xrf0) =	vadd.scan.msk.s32 $0xffff, v4;
	v4 =	vor.u32 v11, v7;
	v7 =	vor.u32 v5, v6;
	v6 =	vor.u32 v12, v9;
	v9, _, _ =	vpop (xrf0)  }
0x198: {  	vm0 =	vmmov vm2;
	(xrf0) =	vadd.scan.msk.s32 $0xffff, v8;
	(v2sf) =	vpush v9, $0xF;
	v9 =	vimm.s32 $0x0  }
0x199: {  	v14 =	vshll.u32 v14, $0x10;
	v9 =	vsel vm0, $0xFFFFFFFF, v9  }
0x19a: {  	v14 =	vor.u32 v1, v14  }
0x19b: {  	vm6 =	vge.s32 v10, $0x8000;
	vm8 =	vmmov vm4;
	vm3 =	vmmov vm3  }
0x19c: {  	vm5 =	vmmov vm5;
	vm12 =	vmmov vm6;
	vm1 =	vmmov vm1;
	[tilespmem:$0x1FFF0] =	vst v9;
	v9, _, _ =	vpop (xrf0)  }
0x19d: {  	s17 =	simm.s32 $0x180E0;
	vm13 =	vmmov vm7;
	v3 =	vor.u32 v5, v3;
	(v2sf) =	vpush v9, $0xF;
	v9, _, _ =	vpop (xrf0)  }
0x19e: {  	v5 =	vor.u32 v12, v13;
	v8 =	vor.u32 v11, v10;
	v11 =	vld [tilespmem:s17+$0xFFFFFFE0];
	v12, _, _ =	vpop (xrf0);
	(v2sf) =	vpush v9, $0xF  }
0x19f: {  	s14 =	simm.s32 $0x40;
	s18 =	simm.s32 $0x60;
	vm8 =	vmmov vm8;
	vm11 =	vmmov vm3;
	(v2sf) =	vpush v12, $0xF  }
0x1a0: {  	s15 =	simm.s32 $0x50;
	vm12 =	vmmov vm12;
	v13 =	vmov s18;
	v10 =	vmov s14;
	v12 =	vld [tilespmem:s17+$0xFFFFFFF0]  }
0x1a1: {  	v13 =	vshll.u32 v13, $0x10;
	v19 =	vld [tilespmem:s17+$0x10];
	v9 =	vshll.u32 v10, $0x10;
	v10 =	vmov s15  }
0x1a2: {  	vm13 =	vmmov vm13;
	v21 =	vor.u32 v1, v13;
	v20 =	vld [tilespmem:s17+$0x0];
	v10 =	vshll.u32 v10, $0x10  }
0x1a3: {  	v9 =	vor.u32 v1, v9;
	v15 =	vor.u32 v1, v10;
	vm4 =	vge.s32 v11, $0x8000  }
0x1a4: {  	vm7 =	vlt.s32 v11, $0x8000;
	v10 =	vadd.s32 $0xFFFF8000, v11;
	v11 =	vor.u32 v9, v11  }
0x1a5: {  	v10 =	vor.u32 v9, v10;
	v9 =	vsel vm7, $0x1, v2;
	vm6 =	vlt.s32 v12, $0x8000  }
0x1a6: {  	[tilespmem:s6+$0x0] =	vst.msk vm14, v17;
	vm15 =	vlt.s32 v19, $0x8000;
	(xrf0) =	vadd.scan.msk.s32 $0xffff, v9;
	v9 =	vsel vm6, $0x1, v2  }
0x1a7: {  	vm0 =	vlt.s32 v20, $0x8000;
	v13 =	vadd.s32 $0xFFFF8000, v12;
	(xrf0) =	vadd.scan.msk.s32 $0xffff, v9;
	v9 =	vsel vm15, $0x1, v2  }
0x1a8: {  	v22 =	vadd.s32 $0xFFFF8000, v19;
	(xrf0) =	vadd.scan.msk.s32 $0xffff, v9;
	v9 =	vor.u32 v15, v13;
	v13 =	vsel vm0, $0x1, v2  }
0x1a9: {  	v17 =	vld [tilespmem:$0x1FFF0];
	v23 =	vadd.s32 $0xFFFF8000, v20;
	vm2 =	vge.s32 v20, $0x8000;
	vm9 =	vge.s32 v19, $0x8000;
	(xrf0) =	vadd.scan.msk.s32 $0xffff, v13  }
0x1aa: {  	vm7 =	vmmov vm7;
	vm4 =	vmmov vm4;
	vm3 =	vmmov vm15;
	s15 =	spop (v2sf)  }
0x1ab: {  	s8 =	simm.s32 $0x80;
	s9 =	simm.s32 $0xA0;
	vm2 =	vmmov vm2;
	vm10 =	vge.s32 v12, $0x8000;
	v16 =	vor.u32 v15, v12;
	s17 =	sadd.s32 $0x4000, s15  }
0x1ac: {  	s10 =	simm.s32 $0x90;
	v12 =	vor.u32 v21, v23;
	v13 =	vor.u32 v14, v22;
	v14 =	vor.u32 v14, v19;
	v19, _, _ =	vpop (xrf0);
	s21 =	sadd.s32 $0xFFFFFFF0, s17;
	s14 =	spop (v2sf)  }
0x1ad: {  	s11 =	simm.s32 $0xB0;
	vm15 =	vmmov vm5;
	vm5 =	vmmov vm0;
	(v2sf) =	vpush v19, $0xF;
	v19, _, _ =	vpop (xrf0);
	s7 =	sadd.s32 s14, s21;
	s13 =	spop (v2sf)  }
0x1ae: {  	s6 =	simm.s32 $0x18120;
	v15 =	vor.u32 v21, v20;
	vm0 =	vnez.u8 v17;
	(v2sf) =	vpush v19, $0xF;
	v20, _, _ =	vpop (xrf0);
	s20 =	sadd.s32 $0xFFFFFFF0, s7;
	s18 =	spop (v2sf)  }
0x1af: {  	vm10 =	vmmov vm10;
	v17 =	vld [tilespmem:s6+$0xFFFFFFE0];
	s15 =	sadd.s32 $0x0, s15;
	[tilespmem:s17+$0xFFFFFFF0] =	vst.msk vm0, v18;
	v18 =	vmov s8;
	s8 =	simm.s32 $0xC0;
	v19, _, _ =	vpop (xrf0);
	(v2sf) =	vpush v20, $0xF;
	s17 =	sadd.s32 s18, s20  }
.LBB2_14:
0x1b0: {  	[tilespmem:s15+$0x0] =	vst.msk vm1, v7;
	v7 =	vmov v16;
	vm0 =	vmmov vm9;
	v16 =	vimm.s32 $0x0  }
0x1b1: {  	v18 =	vshll.u32 v18, $0x10;
	v16 =	vsel vm0, $0xFFFFFFFF, v16  }
0x1b2: {  	v20 =	vmov s10;
	(v2sf) =	vpush v19, $0xF;
	s20 =	sadd.s32 s15, s14;
	[tilespmem:$0x1FFE0] =	vst v16;
	v16 =	vor.u32 v1, v18;
	v18 =	vld [tilespmem:s6+$0xFFFFFFF0]  }
0x1b3: {  	[tilespmem:s20+$0x0] =	vst.msk vm15, v8;
	v8 =	vmov v15;
	v15 =	vshll.u32 v20, $0x10;
	v20 =	vld [tilespmem:s6+$0x10]  }
0x1b4: {  	s21 =	sadd.s32 $0xFFFFFFF0, s17;
	v21 =	vmov s11;
	s11 =	sadd.s32 s20, s18  }
0x1b5: {  	s14 =	sadd.s32 s13, s21;
	[tilespmem:s11+$0x0] =	vst.msk vm11, v6  }
0x1b6: {  	vm1 =	vmmov vm6;
	v6 =	vmovc v14;
	v14 =	vor.u32 v1, v15;
	[tilespmem:s14+$0xFFFFFFF0] =	vst.msk vm13, v5;
	vm13 =	vlt.s32 v17, $0x8000  }
0x1b7: {  	v15 =	vld [tilespmem:s6+$0x0];
	[tilespmem:s17+$0xFFFFFFF0] =	vst.msk vm12, v4;
	v5 =	vmovc v13;
	vm11 =	vge.s32 v17, $0x8000;
	v13 =	vsel vm13, $0x1, v2;
	vm6 =	vlt.s32 v18, $0x8000  }
0x1b8: {  	v22 =	vadd.s32 $0xFFFF8000, v17;
	(xrf0) =	vadd.scan.msk.s32 $0xffff, v13;
	vm12 =	vlt.s32 v20, $0x8000;
	v13 =	vsel vm6, $0x1, v2  }
0x1b9: {  	v4 =	vmovc v12;
	v12 =	vor.u32 v16, v17;
	v17 =	vor.u32 v16, v22;
	v16 =	vsel vm12, $0x1, v2;
	(xrf0) =	vadd.scan.msk.s32 $0xffff, v13  }
0x1ba: {  	(xrf0) =	vadd.scan.msk.s32 $0xffff, v16  }
0x1bb: {  	v19 =	vmov s9;
	v21 =	vshll.u32 v21, $0x10  }
0x1bc: {  	v19 =	vshll.u32 v19, $0x10;
	v21 =	vor.u32 v1, v21  }
0x1bd: {  	s18 =	sadd.s32 $0xFFFFFFF0, s14;
	s15 =	sadd.s32 s11, s13;
	[tilespmem:s7+$0xFFFFFFF0] =	vst.msk vm8, v3;
	v3 =	vmovc v9;
	v63 =	vadd.s32 $0xFFFF8000, v20;
	vm9 =	vge.s32 v20, $0x8000;
	s17 =	spop (v2sf);
	vm15 =	vge.s32 v18, $0x8000  }
0x1be: {  	[tilespmem:s15+$0x0] =	vst.msk vm7, v11;
	v9 =	vadd.s32 $0xFFFF8000, v18;
	vm14 =	vlt.s32 v15, $0x8000;
	s20 =	sadd.s32 s17, s18;
	v16 =	vor.u32 v14, v18;
	v18, _, _ =	vpop (xrf0)  }
0x1bf: {  	s14 =	spop (v2sf);
	v9 =	vor.u32 v14, v9;
	[tilespmem:s20+$0xFFFFFFF0] =	vst.msk vm4, v10;
	v10 =	vmov v17;
	(v2sf) =	vpush v18, $0xF;
	v17, _, _ =	vpop (xrf0)  }
0x1c0: {  	v23 =	vsel vm14, $0x1, v2;
	s13 =	spop (v2sf);
	v14 =	vor.u32 v21, v20;
	(v2sf) =	vpush v17, $0xF;
	v20, _, _ =	vpop (xrf0)  }
0x1c1: {  	v19 =	vor.u32 v1, v19;
	(xrf0) =	vadd.scan.msk.s32 $0xffff, v23;
	s18 =	spop (v2sf);
	(v2sf) =	vpush v20, $0xF;
	v20 =	vld [tilespmem:$0x1FFE0]  }
0x1c2: {  	p0 =	slt.u32 s8, $0xFC0;
	vm8 =	vmmov vm10;
	v11 =	vmovc v12;
	vm7 =	vmmov vm13;
	v12 =	vadd.s32 $0xFFFF8000, v15  }
.Ltmp8:
0x1c3: {  	vm0 =	vge.s32 v15, $0x8000;
	v15 =	vor.u32 v19, v15;
	v12 =	vor.u32 v19, v12;
	(pc) =	sbr.rel @p0 .LBB2_14-.Ltmp8, $4  }
0x1c4: {  	vm10 =	vmmov vm15;
	s21 =	sadd.s32 $0xFFFFFFF0, s20;
	vm4 =	vmmov vm11;
	vm11 =	vmmov vm3  }
0x1c5: {  	s10 =	sadd.s32 $0x10, s8;
	s9 =	sadd.s32 $0x20, s8;
	vm3 =	vmmov vm12;
	vm15 =	vmmov vm5;
	vm5 =	vmmov vm14;
	s7 =	sadd.s32 s14, s21  }
0x1c6: {  	s11 =	sadd.s32 $0x30, s8;
	s6 =	sadd.s32 $0x40, s6;
	vm12 =	vmmov vm2;
	vm2 =	vmmov vm0;
	s20 =	sadd.s32 $0xFFFFFFF0, s7;
	vm0 =	vnez.u8 v20  }
0x1c7: {  	s15 =	sadd.s32 s15, s17;
	v13 =	vor.u32 v21, v63;
	v18 =	vmov s8;
	s8 =	sadd.s32 $0x40, s8;
	v17 =	vld [tilespmem:s6+$0xFFFFFFE0];
	s17 =	sadd.s32 s18, s20;
	v19, _, _ =	vpop (xrf0);
	vm13 =	vmmov vm0  }
0x1c8: {  	_ = 	snop  }
0x1c9: {  	v20 =	vld [tilespmem:s6+$0xFFFFFFF0]  }
0x1ca: {  	v21 =	vld [tilespmem:s6+$0x10]  }
0x1cb: {  	v22 =	vld [tilespmem:s6+$0x0]  }
0x1cc: {  	vm0 =	vlt.s32 v17, $0x8000  }
0x1cd: {  	v24 =	vimm.s32 $0x0;
	v23 =	vsel vm0, $0x1, v2  }
0x1ce: {  	v59 =	vimm.s32 $0x0;
	(v2sf) =	vpush v19, $0xF;
	vm14 =	vlt.s32 v20, $0x8000;
	(xrf0) =	vadd.scan.msk.s32 $0xffff, v23  }
0x1cf: {  	v24 =	vsel vm14, $0xFFFFFFFF, v24;
	v58 =	vsel vm14, $0x1, v2;
	vm14 =	vlt.s32 v21, $0x8000  }
0x1d0: {  	[tilespmem:$0x1FFB0] =	vst v24;
	v24 =	vsel vm14, $0xFFFFFFFF, v59;
	v60 =	vsel vm14, $0x1, v2;
	vm14 =	vlt.s32 v22, $0x8000  }
0x1d1: {  	v19 =	vsel vm14, $0x1, v2  }
0x1d2: {  	(xrf0) =	vadd.scan.msk.s32 $0xffff, v58  }
0x1d3: {  	(xrf0) =	vadd.scan.msk.s32 $0xffff, v60  }
0x1d4: {  	(xrf0) =	vadd.scan.msk.s32 $0xffff, v19;
	v19, _, _ =	vpop (xrf0)  }
0x1d5: {  	(v2sf) =	vpush v19, $0xF  }
0x1d6: {  	[tilespmem:$0x1FFC0] =	vst v24  }
0x1d7: {  	[tilespmem:s15+$0x0] =	vst.msk vm1, v7;
	s15 =	sadd.s32 s15, s14  }
0x1d8: {  	[tilespmem:s15+$0x0] =	vst.msk vm15, v8  }
0x1d9: {  	s6 =	sadd.s32 s15, s18;
	[tilespmem:s7+$0xFFFFFFF0] =	vst.msk vm8, v3  }
0x1da: {  	s8 =	sadd.s32 $0xFFFFFFF0, s17;
	[tilespmem:s6+$0x0] =	vst.msk vm11, v6;
	v19, _, _ =	vpop (xrf0)  }
0x1db: {  	s8 =	sadd.s32 s13, s8;
	[tilespmem:s17+$0xFFFFFFF0] =	vst.msk vm12, v4;
	(v2sf) =	vpush v19, $0xF;
	v19, _, _ =	vpop (xrf0)  }
0x1dc: {  	s14 =	spop (v2sf);
	s18 =	sadd.s32 $0xFFFFFFF0, s8;
	s6 =	sadd.s32 s6, s13;
	[tilespmem:s8+$0xFFFFFFF0] =	vst.msk vm13, v5;
	(v2sf) =	vpush v19, $0xF;
	v19, _, _ =	vpop (xrf0)  }
0x1dd: {  	s21 =	spop (v2sf);
	s20 =	sadd.s32 s14, s18;
	[tilespmem:s6+$0x0] =	vst.msk vm7, v11;
	(v2sf) =	vpush v19, $0xF  }
0x1de: {  	vm1 =	vmmov vm6;
	v5 =	vmov s10;
	s17 =	sadd.s32 $0xFFFFFFF0, s20;
	s10 =	spop (v2sf);
	s6 =	sadd.s32 s6, s14;
	[tilespmem:s20+$0xFFFFFFF0] =	vst.msk vm4, v10  }
0x1df: {  	s7 =	sadd.s32 s21, s17;
	vm4 =	vmmov vm5;
	[tilespmem:s6+$0x0] =	vst.msk vm1, v16;
	s6 =	sadd.s32 s6, s21;
	s18 =	spop (v2sf)  }
0x1e0: {  	v4 =	vshll.u32 v18, $0x10;
	vm1 =	vmmov vm3;
	s20 =	sadd.s32 $0xFFFFFFF0, s7;
	[tilespmem:s6+$0x0] =	vst.msk vm4, v15;
	s6 =	sadd.s32 s6, s18  }
0x1e1: {  	vm2 =	vmmov vm2;
	v3 =	vor.u32 v1, v4;
	s8 =	sadd.s32 s18, s20;
	[tilespmem:s6+$0x0] =	vst.msk vm1, v14  }
0x1e2: {  	vm0 =	vmmov vm0;
	vm6 =	vmmov vm9;
	v8 =	vor.u32 v3, v17;
	s21 =	sadd.s32 $0xFFFFFFF0, s8;
	[tilespmem:s8+$0xFFFFFFF0] =	vst.msk vm2, v12;
	s6 =	sadd.s32 s6, s10  }
0x1e3: {  	v7 =	vadd.s32 $0xFFFF8000, v17;
	vm4 =	vmmov vm6;
	s13 =	sadd.s32 s10, s21;
	[tilespmem:s6+$0x0] =	vst.msk vm0, v8  }
0x1e4: {  	v6 =	vmov s11;
	vm3 =	vge.s32 v17, $0x8000;
	s11 =	sadd.s32 $0xFFFFFFF0, s13;
	[tilespmem:s13+$0xFFFFFFF0] =	vst.msk vm4, v13;
	vm4 =	vmmov vm10;
	s14 =	spop (v2sf)  }
0x1e5: {  	v3 =	vor.u32 v3, v7;
	vm3 =	vmmov vm3;
	[tilespmem:s7+$0xFFFFFFF0] =	vst.msk vm4, v9;
	s17 =	sadd.s32 s14, s11  }
0x1e6: {  	v12 =	vld [tilespmem:$0x1FFB0];
	[tilespmem:s17+$0xFFFFFFF0] =	vst.msk vm3, v3  }
0x1e7: {  	v4 =	vmov s9;
	v6 =	vshll.u32 v6, $0x10;
	v11 =	vadd.s32 $0xFFFF8000, v22;
	v3 =	vld [tilespmem:$0x1FFC0]  }
0x1e8: {  	v5 =	vshll.u32 v5, $0x10;
	v4 =	vshll.u32 v4, $0x10;
	v6 =	vor.u32 v1, v6  }
0x1e9: {  	v7 =	vadd.s32 $0xFFFF8000, v20;
	v10 =	vadd.s32 $0xFFFF8000, v21;
	v5 =	vor.u32 v1, v5  }
0x1ea: {  	v4 =	vor.u32 v1, v4;
	vm1 =	vge.s32 v20, $0x8000;
	vm2 =	vge.s32 v22, $0x8000;
	s20 =	spop (v2sf);
	s18 =	sadd.s32 $0xFFFFFFF0, s17  }
0x1eb: {  	v8 =	vor.u32 v4, v22;
	vm0 =	vmmov vm14;
	vm4 =	vnez.u8 v12;
	s7 =	spop (v2sf);
	s21 =	sadd.s32 s20, s18  }
0x1ec: {  	v9 =	vor.u32 v5, v20;
	vm4 =	vmmov vm4;
	s6 =	sadd.s32 s6, s14;
	s17 =	spop (v2sf);
	s15 =	sadd.s32 $0xFFFFFFF0, s21;
	vm5 =	vnez.u8 v3  }
0x1ed: {  	vm0 =	vmmov vm0;
	vm3 =	vge.s32 v21, $0x8000;
	[tilespmem:s6+$0x0] =	vst.msk vm4, v9;
	s6 =	sadd.s32 s6, s20;
	s18 =	sadd.s32 s17, s15;
	vm5 =	vmmov vm5  }
0x1ee: {  	vm3 =	vmmov vm3;
	[tilespmem:s6+$0x0] =	vst.msk vm0, v8;
	s9 =	sadd.s32 s6, s17;
	s8 =	sadd.s32 $0xFFFFFFF0, s18;
	v3 =	vor.u32 v6, v21;
	vm4 =	vmmov vm5  }
0x1ef: {  	vm0 =	vmmov vm2;
	vm2 =	vmmov vm3;
	s8 =	sadd.s32 s7, s8;
	v6 =	vor.u32 v6, v10;
	[tilespmem:s9+$0x0] =	vst.msk vm4, v3  }
0x1f0: {  	vm1 =	vmmov vm1;
	vm0 =	vmmov vm0;
	v3 =	vor.u32 v4, v11;
	[tilespmem:s8+$0xFFFFFFF0] =	vst.msk vm2, v6  }
0x1f1: {  	vm1 =	vmmov vm1;
	v4 =	vor.u32 v5, v7;
	[tilespmem:s18+$0xFFFFFFF0] =	vst.msk vm0, v3  }
0x1f2: {  	[tilespmem:s21+$0xFFFFFFF0] =	vst.msk vm1, v4  }
0x1f3: {  	s20 =	rddreg [dreg:$0x16]  }
0x1f4: {  	[tilespmem:s28], [sflag:$0x3] =	stream.strided.gather [hbm4b:s20+s25], $0x1000, s26, s25, $0x38;
	[tilespmem:$0x19080] =	vst v63  }
0x1f5: {  	_ =	swait.ge [sflag:s29], $0x1000  }
0x1f6: {  	[sflag:s29] =	ssyncset.done $0x0  }
0x1f7: {  	s15 =	simm.s32 $0x1030;
	s21 =	simm.s32 $0x180A0;
	[sflag:s29] =	ssyncadd.s32 $0xFFFFF000  }
0x1f8: {  	v8 =	vmov s15;
	v3 =	vld [tilespmem:s21+$0xFFFFFFE0]  }
0x1f9: {  	s13 =	simm.s32 $0x1010;
	s11 =	simm.s32 $0x1000;
	v8 =	vshll.u32 v8, $0x10;
	v7 =	vld [tilespmem:s21+$0xFFFFFFF0]  }
0x1fa: {  	s14 =	simm.s32 $0x1020;
	v13 =	vor.u32 v1, v8;
	v5 =	vmov s13;
	v4 =	vmov s11;
	v10 =	vld [tilespmem:s21+$0x10]  }
0x1fb: {  	v6 =	vmov s14;
	v5 =	vshll.u32 v5, $0x10;
	v4 =	vshll.u32 v4, $0x10;
	v11 =	vld [tilespmem:s21+$0x0];
	s21 =	simm.s32 $0x1070  }
0x1fc: {  	v6 =	vshll.u32 v6, $0x10;
	v9 =	vor.u32 v1, v5;
	v16 =	vmov s21  }
0x1fd: {  	v4 =	vor.u32 v1, v4;
	v16 =	vshll.u32 v16, $0x10;
	vm0 =	vlt.s32 v3, $0x8000  }
0x1fe: {  	v12 =	vor.u32 v1, v6;
	v61 =	vor.u32 v1, v16;
	v5 =	vsel vm0, $0x1, v2  }
0x1ff: {  	vm2 =	vge.s32 v3, $0x8000;
	v6 =	vadd.s32 $0xFFFF8000, v3;
	v14 =	vor.u32 v4, v3;
	(xrf0) =	vadd.scan.msk.s32 $0xffff, v5  }
0x200: {  	vm1 =	vlt.s32 v7, $0x8000;
	vm3 =	vlt.s32 v10, $0x8000;
	vm4 =	vge.s32 v7, $0x8000  }
0x201: {  	vm6 =	vlt.s32 v11, $0x8000;
	v15 =	vadd.s32 $0xFFFF8000, v10;
	vm7 =	vge.s32 v11, $0x8000  }
0x202: {  	vm8 =	vge.s32 v10, $0x8000;
	v3 =	vsel vm1, $0x1, v2;
	v8 =	vsel vm6, $0x1, v2  }
0x203: {  	vm0 =	vmmov vm0;
	v5 =	vor.u32 v4, v6;
	v4 =	vsel vm3, $0x1, v2;
	(xrf0) =	vadd.scan.msk.s32 $0xffff, v3  }
0x204: {  	vm4 =	vmmov vm4;
	v6 =	vadd.s32 $0xFFFF8000, v11;
	v3 =	vadd.s32 $0xFFFF8000, v7;
	(xrf0) =	vadd.scan.msk.s32 $0xffff, v4  }
0x205: {  	v3 =	vor.u32 v9, v3;
	v9 =	vor.u32 v9, v7;
	v7 =	vor.u32 v13, v10;
	(xrf0) =	vadd.scan.msk.s32 $0xffff, v8;
	v10, _, _ =	vpop (xrf0)  }
0x206: {  	v8 =	vor.u32 v12, v11;
	v11 =	vimm.s32 $0x0;
	(v2sf) =	vpush v10, $0xF  }
0x207: {  	s20 =	simm.s32 $0x1060;
	vm1 =	vmmov vm1;
	vm5 =	vmmov vm2;
	v11 =	vsel vm4, $0xFFFFFFFF, v11  }
0x208: {  	s6 =	simm.s32 $0x180E0;
	s17 =	simm.s32 $0x1040;
	v4 =	vor.u32 v12, v6;
	v6 =	vor.u32 v13, v15;
	v15 =	vmov s20;
	[tilespmem:$0x1FFD0] =	vst v11  }
0x209: {  	vm2 =	vmmov vm7;
	v12 =	vmov s17;
	v15 =	vshll.u32 v15, $0x10;
	v11 =	vld [tilespmem:s6+$0xFFFFFFE0];
	v10, _, _ =	vpop (xrf0)  }
0x20a: {  	s18 =	simm.s32 $0x1050;
	vm4 =	vmmov vm3;
	vm3 =	vmmov vm6;
	v18 =	vld [tilespmem:s6+$0x10];
	(v2sf) =	vpush v10, $0xF;
	v10, _, _ =	vpop (xrf0)  }
0x20b: {  	vm6 =	vmmov vm8;
	v19 =	vld [tilespmem:s6+$0x0];
	v13, _, _ =	vpop (xrf0);
	(v2sf) =	vpush v10, $0xF;
	v10 =	vmov s18  }
0x20c: {  	v12 =	vshll.u32 v12, $0x10;
	(v2sf) =	vpush v13, $0xF;
	v13 =	vld [tilespmem:s6+$0xFFFFFFF0];
	v10 =	vshll.u32 v10, $0x10  }
0x20d: {  	v15 =	vor.u32 v1, v15;
	v12 =	vor.u32 v1, v12;
	v17 =	vor.u32 v1, v10  }
0x20e: {  	vm7 =	vge.s32 v11, $0x8000;
	vm10 =	vlt.s32 v11, $0x8000;
	v16 =	vadd.s32 $0xFFFF8000, v11  }
0x20f: {  	s7 =	sadd.s32 s9, s7;
	v10 =	vor.u32 v12, v11;
	vm9 =	vlt.s32 v18, $0x8000;
	v62 =	vadd.s32 $0xFFFF8000, v18  }
0x210: {  	[tilespmem:s7+$0x0] =	vst.msk vm0, v14;
	vm12 =	vlt.s32 v19, $0x8000;
	v14 =	vadd.s32 $0xFFFF8000, v19;
	vm11 =	vge.s32 v19, $0x8000  }
0x211: {  	vm13 =	vge.s32 v18, $0x8000;
	v11 =	vsel vm10, $0x1, v2;
	vm14 =	vlt.s32 v13, $0x8000  }
0x212: {  	v16 =	vor.u32 v12, v16;
	(xrf0) =	vadd.scan.msk.s32 $0xffff, v11;
	v12 =	vadd.s32 $0xFFFF8000, v13;
	v11 =	vsel vm14, $0x1, v2  }
0x213: {  	v63 =	vsel vm9, $0x1, v2;
	vm8 =	vge.s32 v13, $0x8000;
	(xrf0) =	vadd.scan.msk.s32 $0xffff, v11;
	v11 =	vor.u32 v17, v12  }
0x214: {  	v12 =	vor.u32 v15, v14;
	v14 =	vsel vm12, $0x1, v2;
	v17 =	vor.u32 v17, v13;
	(xrf0) =	vadd.scan.msk.s32 $0xffff, v63  }
0x215: {  	s9 =	sadd.s32 $0xFFFFFFF0, s8;
	s8 =	simm.s32 $0x40;
	v13 =	vor.u32 v61, v62;
	v15 =	vor.u32 v15, v19;
	(xrf0) =	vadd.scan.msk.s32 $0xffff, v14;
	v14 =	vor.u32 v61, v18;
	s11 =	spop (v2sf)  }
.LBB2_16:
0x216: {  	v19 =	vld [tilespmem:$0x1FFD0];
	_ =	sdelay $0x2  }
0x217: {  	s9 =	sadd.s32 s11, s9;
	vm15 =	vmmov vm10;
	s6 =	sadd.s32 $0x40, s6  }
0x218: {  	s15 =	sadd.s32 $0x1060, s8;
	s17 =	sadd.s32 $0x1070, s8;
	[tilespmem:s9+$0xFFFFFFF0] =	vst.msk vm5, v5;
	vm5 =	vmmov vm7;
	vm7 =	vmmov vm6;
	vm6 =	vmmov vm13;
	v63 =	vld [tilespmem:s6+$0x10]  }
0x219: {  	v21 =	vmov s15;
	v62 =	vmov s17;
	v18, _, _ =	vpop (xrf0);
	vm10 =	vnez.u8 v19  }
0x21a: {  	(v2sf) =	vpush v18, $0xF;
	v18 =	vld [tilespmem:s6+$0xFFFFFFE0];
	v19 =	vimm.s32 $0x0;
	vm0 =	vmmov vm10  }
0x21b: {  	vm10 =	vmmov vm8;
	vm8 =	vmmov vm4;
	vm4 =	vmmov vm9  }
0x21c: {  	vm9 =	vmmov vm2;
	vm2 =	vmmov vm11;
	v19 =	vsel vm10, $0xFFFFFFFF, v19  }
0x21d: {  	s13 =	sadd.s32 $0x1040, s8;
	s7 =	sadd.s32 s7, s11;
	v5 =	vmovc v16;
	vm13 =	vge.s32 v63, $0x8000;
	vm10 =	vmmov vm1;
	vm1 =	vmmov vm14;
	[tilespmem:$0x1FFD0] =	vst v19  }
0x21e: {  	s10 =	sadd.s32 $0xFFFFFFF0, s9;
	v16, _, _ =	vpop (xrf0);
	vm14 =	vmmov vm3;
	vm3 =	vmmov vm12;
	v19 =	vmov s13;
	[tilespmem:s7+$0x0] =	vst.msk vm10, v9;
	s9 =	spop (v2sf)  }
0x21f: {  	v9 =	vmovc v17;
	vm10 =	vlt.s32 v18, $0x8000;
	v17 =	vshll.u32 v19, $0x10;
	v19 =	vld [tilespmem:s6+$0xFFFFFFF0];
	s18 =	spop (v2sf);
	(v2sf) =	vpush v16, $0xF;
	s7 =	sadd.s32 s7, s9  }
0x220: {  	s14 =	sadd.s32 $0x1050, s8;
	v16, _, _ =	vpop (xrf0);
	[tilespmem:s7+$0x0] =	vst.msk vm14, v8;
	v8 =	vmov v15;
	v15 =	vor.u32 v1, v17;
	v17 =	vshll.u32 v21, $0x10  }
0x221: {  	s10 =	sadd.s32 s9, s10;
	v20, _, _ =	vpop (xrf0);
	s21 =	spop (v2sf);
	(v2sf) =	vpush v16, $0xF;
	v16 =	vmov s14;
	v23 =	vor.u32 v1, v17  }
0x222: {  	s20 =	sadd.s32 $0xFFFFFFF0, s10;
	[tilespmem:s10+$0xFFFFFFF0] =	vst.msk vm0, v3;
	(v2sf) =	vpush v20, $0xF;
	v16 =	vshll.u32 v16, $0x10;
	s7 =	sadd.s32 s7, s21;
	v20 =	vshll.u32 v62, $0x10  }
0x223: {  	v22 =	vld [tilespmem:s6+$0x0];
	s11 =	sadd.s32 s21, s20;
	[tilespmem:s7+$0x0] =	vst.msk vm8, v7;
	v7 =	vmovc v14;
	v14 =	vor.u32 v1, v16;
	v20 =	vor.u32 v1, v20;
	v16 =	vadd.s32 $0xFFFF8000, v18  }
0x224: {  	s8 =	sadd.s32 $0x40, s8;
	s20 =	sadd.s32 $0xFFFFFFF0, s11;
	s7 =	sadd.s32 s7, s18;
	[tilespmem:s11+$0xFFFFFFF0] =	vst.msk vm9, v4;
	v4 =	vmovc v12;
	v12 =	vor.u32 v15, v18;
	vm8 =	vge.s32 v19, $0x8000;
	vm14 =	vlt.s32 v19, $0x8000  }
0x225: {  	p0 =	slt.u32 s8, $0xFC0;
	v3 =	vmovc v11;
	v11 =	vadd.s32 $0xFFFF8000, v19;
	vm9 =	vlt.s32 v63, $0x8000;
	s21 =	sadd.s32 s18, s20;
	v16 =	vor.u32 v15, v16;
	[tilespmem:s7+$0x0] =	vst.msk vm15, v10  }
.Ltmp9:
0x226: {  	v15 =	vadd.s32 $0xFFFF8000, v63;
	v17 =	vsel vm9, $0x1, v2;
	[tilespmem:s21+$0xFFFFFFF0] =	vst.msk vm7, v6;
	v6 =	vmovc v13;
	v13 =	vsel vm10, $0x1, v2;
	(pc) =	sbr.rel @p0 .LBB2_16-.Ltmp9, $4  }
0x227: {  	v11 =	vor.u32 v14, v11;
	vm7 =	vge.s32 v18, $0x8000;
	(xrf0) =	vadd.scan.msk.s32 $0xffff, v13;
	v13 =	vsel vm14, $0x1, v2  }
0x228: {  	v10 =	vmovc v12;
	vm12 =	vlt.s32 v22, $0x8000;
	v12 =	vadd.s32 $0xFFFF8000, v22;
	vm11 =	vge.s32 v22, $0x8000;
	(xrf0) =	vadd.scan.msk.s32 $0xffff, v13  }
0x229: {  	v12 =	vor.u32 v23, v12;
	v18 =	vsel vm12, $0x1, v2;
	v13 =	vor.u32 v20, v15;
	(xrf0) =	vadd.scan.msk.s32 $0xffff, v17  }
0x22a: {  	s9 =	sadd.s32 $0xFFFFFFF0, s21;
	v15 =	vor.u32 v23, v22;
	s11 =	spop (v2sf);
	v17 =	vor.u32 v14, v19;
	v14 =	vor.u32 v20, v63;
	(xrf0) =	vadd.scan.msk.s32 $0xffff, v18  }
0x22b: {  	_ =	sdelay $0x1  }
0x22c: {  	v18, _, _ =	vpop (xrf0)  }
0x22d: {  	(v2sf) =	vpush v18, $0xF  }
0x22e: {  	v18, _, _ =	vpop (xrf0)  }
0x22f: {  	s6 =	sadd.s32 s11, s9;
	(v2sf) =	vpush v18, $0xF;
	v18, _, _ =	vpop (xrf0)  }
0x230: {  	s9 =	sadd.s32 $0xFFFFFFF0, s6;
	s8 =	spop (v2sf);
	v19, _, _ =	vpop (xrf0);
	(v2sf) =	vpush v18, $0xF  }
0x231: {  	s9 =	sadd.s32 s8, s9;
	s10 =	spop (v2sf);
	(v2sf) =	vpush v19, $0xF  }
0x232: {  	vm0 =	vmmov vm1;
	s7 =	sadd.s32 s7, s11;
	[tilespmem:s6+$0xFFFFFFF0] =	vst.msk vm5, v5;
	s17 =	sadd.s32 $0xFFFFFFF0, s9;
	s13 =	spop (v2sf)  }
0x233: {  	vm1 =	vmmov vm3;
	[tilespmem:s7+$0x0] =	vst.msk vm0, v9;
	s7 =	sadd.s32 s7, s8;
	s6 =	sadd.s32 s13, s17  }
0x234: {  	vm0 =	vmmov vm4;
	[tilespmem:s7+$0x0] =	vst.msk vm1, v8;
	s7 =	sadd.s32 s7, s13;
	s18 =	sadd.s32 $0xFFFFFFF0, s6  }
0x235: {  	vm1 =	vmmov vm6;
	[tilespmem:s7+$0x0] =	vst.msk vm0, v7;
	s8 =	sadd.s32 s10, s18  }
0x236: {  	[tilespmem:s8+$0xFFFFFFF0] =	vst.msk vm1, v6  }
0x237: {  	v5 =	vld [tilespmem:$0x1FFD0];
	_ =	sdelay $0x3  }
0x238: {  	vm0 =	vmmov vm2  }
0x239: {  	s10 =	sadd.s32 s7, s10;
	s20 =	sadd.s32 $0xFFFFFFF0, s8;
	[tilespmem:s6+$0xFFFFFFF0] =	vst.msk vm0, v4;
	vm0 =	vmmov vm10;
	vm1 =	vnez.u8 v5;
	s21 =	spop (v2sf)  }
0x23a: {  	[tilespmem:s10+$0x0] =	vst.msk vm0, v10;
	vm1 =	vmmov vm1;
	s11 =	sadd.s32 s21, s20  }
0x23b: {  	vm2 =	vmmov vm7;
	[tilespmem:s9+$0xFFFFFFF0] =	vst.msk vm1, v3;
	vm1 =	vmmov vm14;
	s14 =	spop (v2sf);
	s13 =	sadd.s32 $0xFFFFFFF0, s11  }
0x23c: {  	vm0 =	vmmov vm12;
	vm1 =	vmmov vm1;
	s8 =	sadd.s32 s10, s21;
	s7 =	spop (v2sf);
	[tilespmem:s11+$0xFFFFFFF0] =	vst.msk vm2, v16;
	s15 =	sadd.s32 s14, s13  }
0x23d: {  	vm0 =	vmmov vm0;
	vm2 =	vmmov vm9;
	[tilespmem:s8+$0x0] =	vst.msk vm1, v17;
	s8 =	sadd.s32 s8, s14;
	s18 =	spop (v2sf);
	s17 =	sadd.s32 $0xFFFFFFF0, s15  }
0x23e: {  	vm2 =	vmmov vm2;
	[tilespmem:s8+$0x0] =	vst.msk vm0, v15;
	vm0 =	vmmov vm11;
	s9 =	sadd.s32 s8, s18;
	s6 =	sadd.s32 s18, s17  }
0x23f: {  	vm1 =	vmmov vm13;
	vm0 =	vmmov vm0;
	[tilespmem:s9+$0x0] =	vst.msk vm2, v14;
	s20 =	sadd.s32 $0xFFFFFFF0, s6  }
0x240: {  	vm1 =	vmmov vm1;
	vm2 =	vmmov vm8;
	[tilespmem:s6+$0xFFFFFFF0] =	vst.msk vm0, v12;
	s8 =	sadd.s32 s7, s20  }
0x241: {  	[tilespmem:s8+$0xFFFFFFF0] =	vst.msk vm1, v13;
	vm1 =	vmmov vm2  }
0x242: {  	[tilespmem:s15+$0xFFFFFFF0] =	vst.msk vm1, v11  }
0x243: {  	s6 =	rddreg [dreg:$0x17]  }
0x244: {  	[tilespmem:s28], [sflag:$0x3] =	stream.strided.gather [hbm4b:s6+s25], $0x1000, s26, s25, $0x38;
	[tilespmem:$0x19080] =	vst v63  }
0x245: {  	_ =	swait.ge [sflag:s29], $0x1000  }
0x246: {  	[sflag:s29] =	ssyncset.done $0x0  }
0x247: {  	s21 =	simm.s32 $0x180A0;
	[sflag:s29] =	ssyncadd.s32 $0xFFFFF000  }
0x248: {  	s11 =	simm.s32 $0x2000;
	s13 =	simm.s32 $0x2010;
	v3 =	vld [tilespmem:s21+$0xFFFFFFE0]  }
0x249: {  	s14 =	simm.s32 $0x2020;
	v4 =	vmov s11;
	v5 =	vmov s13;
	v7 =	vld [tilespmem:s21+$0xFFFFFFF0]  }
0x24a: {  	v6 =	vmov s14;
	v4 =	vshll.u32 v4, $0x10;
	v5 =	vshll.u32 v5, $0x10;
	v10 =	vld [tilespmem:s21+$0x10]  }
0x24b: {  	v4 =	vor.u32 v1, v4;
	v6 =	vshll.u32 v6, $0x10;
	v9 =	vor.u32 v1, v5;
	s15 =	simm.s32 $0x2030;
	v11 =	vld [tilespmem:s21+$0x0];
	s21 =	simm.s32 $0x2070  }
0x24c: {  	v12 =	vor.u32 v1, v6;
	v8 =	vmov s15;
	v16 =	vmov s21  }
0x24d: {  	v8 =	vshll.u32 v8, $0x10;
	v16 =	vshll.u32 v16, $0x10;
	vm0 =	vlt.s32 v3, $0x8000  }
0x24e: {  	v13 =	vor.u32 v1, v8;
	v20 =	vor.u32 v1, v16;
	v5 =	vsel vm0, $0x1, v2  }
0x24f: {  	vm2 =	vge.s32 v3, $0x8000;
	v6 =	vadd.s32 $0xFFFF8000, v3;
	v14 =	vor.u32 v4, v3;
	(xrf0) =	vadd.scan.msk.s32 $0xffff, v5  }
0x250: {  	vm1 =	vlt.s32 v7, $0x8000;
	vm3 =	vlt.s32 v10, $0x8000;
	vm4 =	vge.s32 v7, $0x8000  }
0x251: {  	vm6 =	vlt.s32 v11, $0x8000;
	v15 =	vadd.s32 $0xFFFF8000, v10;
	vm7 =	vge.s32 v11, $0x8000  }
0x252: {  	vm8 =	vge.s32 v10, $0x8000;
	v3 =	vsel vm1, $0x1, v2;
	v8 =	vsel vm6, $0x1, v2  }
0x253: {  	vm0 =	vmmov vm0;
	v5 =	vor.u32 v4, v6;
	v4 =	vsel vm3, $0x1, v2;
	(xrf0) =	vadd.scan.msk.s32 $0xffff, v3  }
0x254: {  	vm4 =	vmmov vm4;
	v6 =	vadd.s32 $0xFFFF8000, v11;
	v3 =	vadd.s32 $0xFFFF8000, v7;
	(xrf0) =	vadd.scan.msk.s32 $0xffff, v4  }
0x255: {  	v3 =	vor.u32 v9, v3;
	v9 =	vor.u32 v9, v7;
	v7 =	vor.u32 v13, v10;
	(xrf0) =	vadd.scan.msk.s32 $0xffff, v8;
	v10, _, _ =	vpop (xrf0)  }
0x256: {  	v8 =	vor.u32 v12, v11;
	v11 =	vimm.s32 $0x0;
	(v2sf) =	vpush v10, $0xF  }
0x257: {  	s20 =	simm.s32 $0x2060;
	vm1 =	vmmov vm1;
	vm5 =	vmmov vm2;
	v11 =	vsel vm4, $0xFFFFFFFF, v11  }
0x258: {  	s17 =	simm.s32 $0x2040;
	s6 =	simm.s32 $0x180E0;
	v4 =	vor.u32 v12, v6;
	v6 =	vor.u32 v13, v15;
	v15 =	vmov s20;
	[tilespmem:$0x1FFA0] =	vst v11  }
0x259: {  	vm2 =	vmmov vm7;
	v12 =	vmov s17;
	v15 =	vshll.u32 v15, $0x10;
	v11 =	vld [tilespmem:s6+$0xFFFFFFE0];
	v10, _, _ =	vpop (xrf0)  }
0x25a: {  	s18 =	simm.s32 $0x2050;
	vm4 =	vmmov vm3;
	vm3 =	vmmov vm6;
	v18 =	vld [tilespmem:s6+$0x10];
	(v2sf) =	vpush v10, $0xF;
	v10, _, _ =	vpop (xrf0)  }
0x25b: {  	vm6 =	vmmov vm8;
	v19 =	vld [tilespmem:s6+$0x0];
	v13, _, _ =	vpop (xrf0);
	(v2sf) =	vpush v10, $0xF;
	v10 =	vmov s18  }
0x25c: {  	v12 =	vshll.u32 v12, $0x10;
	(v2sf) =	vpush v13, $0xF;
	v13 =	vld [tilespmem:s6+$0xFFFFFFF0];
	v10 =	vshll.u32 v10, $0x10  }
0x25d: {  	v15 =	vor.u32 v1, v15;
	v12 =	vor.u32 v1, v12;
	v17 =	vor.u32 v1, v10  }
0x25e: {  	vm7 =	vge.s32 v11, $0x8000;
	vm10 =	vlt.s32 v11, $0x8000;
	v16 =	vadd.s32 $0xFFFF8000, v11  }
0x25f: {  	s7 =	sadd.s32 s9, s7;
	v10 =	vor.u32 v12, v11;
	vm9 =	vlt.s32 v18, $0x8000;
	v21 =	vadd.s32 $0xFFFF8000, v18  }
0x260: {  	[tilespmem:s7+$0x0] =	vst.msk vm0, v14;
	vm12 =	vlt.s32 v19, $0x8000;
	v14 =	vadd.s32 $0xFFFF8000, v19;
	vm11 =	vge.s32 v19, $0x8000  }
0x261: {  	vm13 =	vge.s32 v18, $0x8000;
	v11 =	vsel vm10, $0x1, v2;
	vm14 =	vlt.s32 v13, $0x8000  }
0x262: {  	v16 =	vor.u32 v12, v16;
	(xrf0) =	vadd.scan.msk.s32 $0xffff, v11;
	v12 =	vadd.s32 $0xFFFF8000, v13;
	v11 =	vsel vm14, $0x1, v2  }
0x263: {  	v22 =	vsel vm9, $0x1, v2;
	vm8 =	vge.s32 v13, $0x8000;
	(xrf0) =	vadd.scan.msk.s32 $0xffff, v11;
	v11 =	vor.u32 v17, v12  }
0x264: {  	v12 =	vor.u32 v15, v14;
	v14 =	vsel vm12, $0x1, v2;
	v17 =	vor.u32 v17, v13;
	(xrf0) =	vadd.scan.msk.s32 $0xffff, v22  }
0x265: {  	s9 =	sadd.s32 $0xFFFFFFF0, s8;
	s8 =	simm.s32 $0x40;
	v13 =	vor.u32 v20, v21;
	v15 =	vor.u32 v15, v19;
	(xrf0) =	vadd.scan.msk.s32 $0xffff, v14;
	v14 =	vor.u32 v20, v18;
	s11 =	spop (v2sf)  }
.LBB2_18:
0x266: {  	v19 =	vld [tilespmem:$0x1FFA0];
	_ =	sdelay $0x2  }
0x267: {  	s9 =	sadd.s32 s11, s9;
	vm15 =	vmmov vm10;
	s6 =	sadd.s32 $0x40, s6  }
0x268: {  	s15 =	sadd.s32 $0x2060, s8;
	s17 =	sadd.s32 $0x2070, s8;
	[tilespmem:s9+$0xFFFFFFF0] =	vst.msk vm5, v5;
	vm5 =	vmmov vm7;
	vm7 =	vmmov vm6;
	vm6 =	vmmov vm13;
	v63 =	vld [tilespmem:s6+$0x10]  }
0x269: {  	v21 =	vmov s15;
	v62 =	vmov s17;
	v18, _, _ =	vpop (xrf0);
	vm10 =	vnez.u8 v19  }
0x26a: {  	(v2sf) =	vpush v18, $0xF;
	v18 =	vld [tilespmem:s6+$0xFFFFFFE0];
	v19 =	vimm.s32 $0x0;
	vm0 =	vmmov vm10  }
0x26b: {  	vm10 =	vmmov vm8;
	vm8 =	vmmov vm4;
	vm4 =	vmmov vm9  }
0x26c: {  	vm9 =	vmmov vm2;
	vm2 =	vmmov vm11;
	v19 =	vsel vm10, $0xFFFFFFFF, v19  }
0x26d: {  	s13 =	sadd.s32 $0x2040, s8;
	s7 =	sadd.s32 s7, s11;
	v5 =	vmovc v16;
	vm13 =	vge.s32 v63, $0x8000;
	vm10 =	vmmov vm1;
	vm1 =	vmmov vm14;
	[tilespmem:$0x1FFA0] =	vst v19  }
0x26e: {  	s10 =	sadd.s32 $0xFFFFFFF0, s9;
	v16, _, _ =	vpop (xrf0);
	vm14 =	vmmov vm3;
	vm3 =	vmmov vm12;
	v19 =	vmov s13;
	[tilespmem:s7+$0x0] =	vst.msk vm10, v9;
	s9 =	spop (v2sf)  }
0x26f: {  	v9 =	vmovc v17;
	vm10 =	vlt.s32 v18, $0x8000;
	v17 =	vshll.u32 v19, $0x10;
	v19 =	vld [tilespmem:s6+$0xFFFFFFF0];
	s18 =	spop (v2sf);
	(v2sf) =	vpush v16, $0xF;
	s7 =	sadd.s32 s7, s9  }
0x270: {  	s14 =	sadd.s32 $0x2050, s8;
	v16, _, _ =	vpop (xrf0);
	[tilespmem:s7+$0x0] =	vst.msk vm14, v8;
	v8 =	vmov v15;
	v15 =	vor.u32 v1, v17;
	v17 =	vshll.u32 v21, $0x10  }
0x271: {  	s10 =	sadd.s32 s9, s10;
	v20, _, _ =	vpop (xrf0);
	s21 =	spop (v2sf);
	(v2sf) =	vpush v16, $0xF;
	v16 =	vmov s14;
	v23 =	vor.u32 v1, v17  }
0x272: {  	s20 =	sadd.s32 $0xFFFFFFF0, s10;
	[tilespmem:s10+$0xFFFFFFF0] =	vst.msk vm0, v3;
	(v2sf) =	vpush v20, $0xF;
	v16 =	vshll.u32 v16, $0x10;
	s7 =	sadd.s32 s7, s21;
	v20 =	vshll.u32 v62, $0x10  }
0x273: {  	v22 =	vld [tilespmem:s6+$0x0];
	s11 =	sadd.s32 s21, s20;
	[tilespmem:s7+$0x0] =	vst.msk vm8, v7;
	v7 =	vmovc v14;
	v14 =	vor.u32 v1, v16;
	v20 =	vor.u32 v1, v20;
	v16 =	vadd.s32 $0xFFFF8000, v18  }
0x274: {  	s8 =	sadd.s32 $0x40, s8;
	s20 =	sadd.s32 $0xFFFFFFF0, s11;
	s7 =	sadd.s32 s7, s18;
	[tilespmem:s11+$0xFFFFFFF0] =	vst.msk vm9, v4;
	v4 =	vmovc v12;
	v12 =	vor.u32 v15, v18;
	vm8 =	vge.s32 v19, $0x8000;
	vm14 =	vlt.s32 v19, $0x8000  }
0x275: {  	p0 =	slt.u32 s8, $0xFC0;
	v3 =	vmovc v11;
	v11 =	vadd.s32 $0xFFFF8000, v19;
	vm9 =	vlt.s32 v63, $0x8000;
	s21 =	sadd.s32 s18, s20;
	v16 =	vor.u32 v15, v16;
	[tilespmem:s7+$0x0] =	vst.msk vm15, v10  }
.Ltmp10:
0x276: {  	v15 =	vadd.s32 $0xFFFF8000, v63;
	v17 =	vsel vm9, $0x1, v2;
	[tilespmem:s21+$0xFFFFFFF0] =	vst.msk vm7, v6;
	v6 =	vmovc v13;
	v13 =	vsel vm10, $0x1, v2;
	(pc) =	sbr.rel @p0 .LBB2_18-.Ltmp10, $4  }
0x277: {  	v11 =	vor.u32 v14, v11;
	vm7 =	vge.s32 v18, $0x8000;
	(xrf0) =	vadd.scan.msk.s32 $0xffff, v13;
	v13 =	vsel vm14, $0x1, v2  }
0x278: {  	v10 =	vmovc v12;
	vm12 =	vlt.s32 v22, $0x8000;
	v12 =	vadd.s32 $0xFFFF8000, v22;
	vm11 =	vge.s32 v22, $0x8000;
	(xrf0) =	vadd.scan.msk.s32 $0xffff, v13  }
0x279: {  	v12 =	vor.u32 v23, v12;
	v18 =	vsel vm12, $0x1, v2;
	v13 =	vor.u32 v20, v15;
	(xrf0) =	vadd.scan.msk.s32 $0xffff, v17  }
0x27a: {  	s9 =	sadd.s32 $0xFFFFFFF0, s21;
	v15 =	vor.u32 v23, v22;
	s11 =	spop (v2sf);
	v17 =	vor.u32 v14, v19;
	v14 =	vor.u32 v20, v63;
	(xrf0) =	vadd.scan.msk.s32 $0xffff, v18  }
0x27b: {  	_ =	sdelay $0x1  }
0x27c: {  	v18, _, _ =	vpop (xrf0)  }
0x27d: {  	(v2sf) =	vpush v18, $0xF  }
0x27e: {  	v18, _, _ =	vpop (xrf0)  }
0x27f: {  	s6 =	sadd.s32 s11, s9;
	(v2sf) =	vpush v18, $0xF;
	v18, _, _ =	vpop (xrf0)  }
0x280: {  	s9 =	sadd.s32 $0xFFFFFFF0, s6;
	s8 =	spop (v2sf);
	(v2sf) =	vpush v18, $0xF;
	v18, _, _ =	vpop (xrf0)  }
0x281: {  	s9 =	sadd.s32 s8, s9;
	s10 =	spop (v2sf);
	(v2sf) =	vpush v18, $0xF  }
0x282: {  	vm0 =	vmmov vm1;
	s7 =	sadd.s32 s7, s11;
	[tilespmem:s6+$0xFFFFFFF0] =	vst.msk vm5, v5;
	s15 =	sadd.s32 $0xFFFFFFF0, s9;
	s13 =	spop (v2sf)  }
0x283: {  	vm1 =	vmmov vm3;
	[tilespmem:s7+$0x0] =	vst.msk vm0, v9;
	s7 =	sadd.s32 s7, s8;
	s6 =	sadd.s32 s13, s15  }
0x284: {  	vm0 =	vmmov vm4;
	[tilespmem:s7+$0x0] =	vst.msk vm1, v8;
	s7 =	sadd.s32 s7, s13;
	s17 =	sadd.s32 $0xFFFFFFF0, s6  }
0x285: {  	vm1 =	vmmov vm6;
	[tilespmem:s7+$0x0] =	vst.msk vm0, v7;
	s8 =	sadd.s32 s10, s17  }
0x286: {  	[tilespmem:s8+$0xFFFFFFF0] =	vst.msk vm1, v6  }
0x287: {  	v5 =	vld [tilespmem:$0x1FFA0];
	_ =	sdelay $0x3  }
0x288: {  	vm0 =	vmmov vm2  }
0x289: {  	s7 =	sadd.s32 s7, s10;
	s18 =	sadd.s32 $0xFFFFFFF0, s8;
	[tilespmem:s6+$0xFFFFFFF0] =	vst.msk vm0, v4;
	vm0 =	vmmov vm10;
	vm1 =	vnez.u8 v5;
	s20 =	spop (v2sf)  }
0x28a: {  	[tilespmem:s7+$0x0] =	vst.msk vm0, v10;
	vm1 =	vmmov vm1;
	s21 =	sadd.s32 s20, s18  }
0x28b: {  	vm2 =	vmmov vm7;
	[tilespmem:s9+$0xFFFFFFF0] =	vst.msk vm1, v3;
	vm1 =	vmmov vm14;
	s13 =	spop (v2sf);
	s11 =	sadd.s32 $0xFFFFFFF0, s21  }
0x28c: {  	vm0 =	vmmov vm12;
	vm1 =	vmmov vm1;
	s7 =	sadd.s32 s7, s20;
	s14 =	spop (v2sf);
	[tilespmem:s21+$0xFFFFFFF0] =	vst.msk vm2, v16;
	s9 =	sadd.s32 s13, s11  }
0x28d: {  	vm0 =	vmmov vm0;
	vm2 =	vmmov vm9;
	[tilespmem:s7+$0x0] =	vst.msk vm1, v17;
	s7 =	sadd.s32 s7, s13;
	s17 =	spop (v2sf);
	s15 =	sadd.s32 $0xFFFFFFF0, s9  }
0x28e: {  	vm2 =	vmmov vm2;
	[tilespmem:s7+$0x0] =	vst.msk vm0, v15;
	vm0 =	vmmov vm11;
	s10 =	sadd.s32 s7, s17;
	s6 =	sadd.s32 s17, s15  }
0x28f: {  	vm1 =	vmmov vm13;
	vm0 =	vmmov vm0;
	[tilespmem:s10+$0x0] =	vst.msk vm2, v14;
	s18 =	sadd.s32 $0xFFFFFFF0, s6  }
0x290: {  	vm1 =	vmmov vm1;
	vm2 =	vmmov vm8;
	[tilespmem:s6+$0xFFFFFFF0] =	vst.msk vm0, v12;
	s20 =	sadd.s32 s14, s18  }
0x291: {  	[tilespmem:s20+$0xFFFFFFF0] =	vst.msk vm1, v13;
	vm1 =	vmmov vm2  }
0x292: {  	[tilespmem:s9+$0xFFFFFFF0] =	vst.msk vm1, v11  }
0x293: {  	[tilespmem:s28], [sflag:$0x3] =	stream.strided.gather [hbm4b:s22+s25], $0x1000, s26, s25, $0x38;
	[tilespmem:$0x19080] =	vst v63  }
0x294: {  	_ =	swait.ge [sflag:s29], $0x1000  }
0x295: {  	[sflag:s29] =	ssyncset.done $0x0  }
0x296: {  	s21 =	simm.s32 $0x180A0;
	[sflag:s29] =	ssyncadd.s32 $0xFFFFF000  }
0x297: {  	s11 =	simm.s32 $0x3000;
	s13 =	simm.s32 $0x3010;
	v3 =	vld [tilespmem:s21+$0xFFFFFFE0]  }
0x298: {  	v4 =	vmov s11;
	v5 =	vmov s13;
	s15 =	simm.s32 $0x3030;
	v7 =	vld [tilespmem:s21+$0xFFFFFFF0]  }
0x299: {  	v4 =	vshll.u32 v4, $0x10;
	v5 =	vshll.u32 v5, $0x10;
	v8 =	vmov s15;
	v10 =	vld [tilespmem:s21+$0x10]  }
0x29a: {  	s6 =	sadd.s32 s10, s14;
	v4 =	vor.u32 v1, v4;
	v9 =	vor.u32 v1, v5;
	s14 =	simm.s32 $0x3020;
	v8 =	vshll.u32 v8, $0x10;
	v11 =	vld [tilespmem:s21+$0x0];
	s21 =	simm.s32 $0x3070  }
0x29b: {  	v6 =	vmov s14;
	v13 =	vor.u32 v1, v8;
	v16 =	vmov s21  }
0x29c: {  	v6 =	vshll.u32 v6, $0x10;
	v16 =	vshll.u32 v16, $0x10;
	vm0 =	vlt.s32 v3, $0x8000  }
0x29d: {  	v12 =	vor.u32 v1, v6;
	v20 =	vor.u32 v1, v16;
	v5 =	vsel vm0, $0x1, v2  }
0x29e: {  	vm2 =	vge.s32 v3, $0x8000;
	v6 =	vadd.s32 $0xFFFF8000, v3;
	v14 =	vor.u32 v4, v3;
	(xrf0) =	vadd.scan.msk.s32 $0xffff, v5  }
0x29f: {  	vm1 =	vlt.s32 v7, $0x8000;
	vm3 =	vlt.s32 v10, $0x8000;
	vm4 =	vge.s32 v7, $0x8000  }
0x2a0: {  	vm6 =	vlt.s32 v11, $0x8000;
	v15 =	vadd.s32 $0xFFFF8000, v10;
	vm7 =	vge.s32 v11, $0x8000  }
0x2a1: {  	vm8 =	vge.s32 v10, $0x8000;
	v3 =	vsel vm1, $0x1, v2;
	v8 =	vsel vm6, $0x1, v2  }
0x2a2: {  	vm0 =	vmmov vm0;
	v5 =	vor.u32 v4, v6;
	v4 =	vsel vm3, $0x1, v2;
	(xrf0) =	vadd.scan.msk.s32 $0xffff, v3  }
0x2a3: {  	vm4 =	vmmov vm4;
	v6 =	vadd.s32 $0xFFFF8000, v11;
	v3 =	vadd.s32 $0xFFFF8000, v7;
	(xrf0) =	vadd.scan.msk.s32 $0xffff, v4  }
0x2a4: {  	v3 =	vor.u32 v9, v3;
	v9 =	vor.u32 v9, v7;
	v7 =	vor.u32 v13, v10;
	(xrf0) =	vadd.scan.msk.s32 $0xffff, v8;
	v10, _, _ =	vpop (xrf0)  }
0x2a5: {  	v8 =	vor.u32 v12, v11;
	v11 =	vimm.s32 $0x0;
	(v2sf) =	vpush v10, $0xF  }
0x2a6: {  	s7 =	sadd.s32 $0xFFFFFFF0, s20;
	s20 =	simm.s32 $0x3060;
	vm1 =	vmmov vm1;
	vm5 =	vmmov vm2;
	v11 =	vsel vm4, $0xFFFFFFFF, v11  }
0x2a7: {  	s8 =	simm.s32 $0x180E0;
	s17 =	simm.s32 $0x3040;
	v4 =	vor.u32 v12, v6;
	v6 =	vor.u32 v13, v15;
	v15 =	vmov s20;
	[tilespmem:$0x1FF90] =	vst v11  }
0x2a8: {  	vm2 =	vmmov vm7;
	v12 =	vmov s17;
	v15 =	vshll.u32 v15, $0x10;
	v11 =	vld [tilespmem:s8+$0xFFFFFFE0];
	v10, _, _ =	vpop (xrf0)  }
0x2a9: {  	s18 =	simm.s32 $0x3050;
	vm4 =	vmmov vm3;
	vm3 =	vmmov vm6;
	v18 =	vld [tilespmem:s8+$0x10];
	(v2sf) =	vpush v10, $0xF;
	v10, _, _ =	vpop (xrf0)  }
0x2aa: {  	vm6 =	vmmov vm8;
	v19 =	vld [tilespmem:s8+$0x0];
	v13, _, _ =	vpop (xrf0);
	(v2sf) =	vpush v10, $0xF;
	v10 =	vmov s18  }
0x2ab: {  	v12 =	vshll.u32 v12, $0x10;
	(v2sf) =	vpush v13, $0xF;
	v13 =	vld [tilespmem:s8+$0xFFFFFFF0];
	v10 =	vshll.u32 v10, $0x10  }
0x2ac: {  	v15 =	vor.u32 v1, v15;
	v12 =	vor.u32 v1, v12;
	v17 =	vor.u32 v1, v10  }
0x2ad: {  	vm7 =	vge.s32 v11, $0x8000;
	vm10 =	vlt.s32 v11, $0x8000;
	v16 =	vadd.s32 $0xFFFF8000, v11  }
0x2ae: {  	v10 =	vor.u32 v12, v11;
	vm9 =	vlt.s32 v18, $0x8000;
	v21 =	vadd.s32 $0xFFFF8000, v18  }
0x2af: {  	[tilespmem:s6+$0x0] =	vst.msk vm0, v14;
	vm12 =	vlt.s32 v19, $0x8000;
	v14 =	vadd.s32 $0xFFFF8000, v19;
	vm11 =	vge.s32 v19, $0x8000  }
0x2b0: {  	vm13 =	vge.s32 v18, $0x8000;
	v11 =	vsel vm10, $0x1, v2;
	vm14 =	vlt.s32 v13, $0x8000  }
0x2b1: {  	v16 =	vor.u32 v12, v16;
	(xrf0) =	vadd.scan.msk.s32 $0xffff, v11;
	v12 =	vadd.s32 $0xFFFF8000, v13;
	v11 =	vsel vm14, $0x1, v2  }
0x2b2: {  	v22 =	vsel vm9, $0x1, v2;
	vm8 =	vge.s32 v13, $0x8000;
	(xrf0) =	vadd.scan.msk.s32 $0xffff, v11;
	v11 =	vor.u32 v17, v12  }
0x2b3: {  	v12 =	vor.u32 v15, v14;
	v14 =	vsel vm12, $0x1, v2;
	v17 =	vor.u32 v17, v13;
	(xrf0) =	vadd.scan.msk.s32 $0xffff, v22  }
0x2b4: {  	s9 =	simm.s32 $0x40;
	v13 =	vor.u32 v20, v21;
	v15 =	vor.u32 v15, v19;
	(xrf0) =	vadd.scan.msk.s32 $0xffff, v14;
	v14 =	vor.u32 v20, v18;
	s11 =	spop (v2sf)  }
.LBB2_20:
0x2b5: {  	v19 =	vld [tilespmem:$0x1FF90];
	_ =	sdelay $0x2  }
0x2b6: {  	s7 =	sadd.s32 s11, s7;
	vm15 =	vmmov vm10;
	s8 =	sadd.s32 $0x40, s8  }
0x2b7: {  	s15 =	sadd.s32 $0x3060, s9;
	s17 =	sadd.s32 $0x3070, s9;
	[tilespmem:s7+$0xFFFFFFF0] =	vst.msk vm5, v5;
	vm5 =	vmmov vm7;
	vm7 =	vmmov vm6;
	vm6 =	vmmov vm13;
	v63 =	vld [tilespmem:s8+$0x10]  }
0x2b8: {  	v21 =	vmov s15;
	v62 =	vmov s17;
	v18, _, _ =	vpop (xrf0);
	vm10 =	vnez.u8 v19  }
0x2b9: {  	(v2sf) =	vpush v18, $0xF;
	v18 =	vld [tilespmem:s8+$0xFFFFFFE0];
	v19 =	vimm.s32 $0x0;
	vm0 =	vmmov vm10  }
0x2ba: {  	vm10 =	vmmov vm8;
	vm8 =	vmmov vm4;
	vm4 =	vmmov vm9  }
0x2bb: {  	vm9 =	vmmov vm2;
	vm2 =	vmmov vm11;
	v19 =	vsel vm10, $0xFFFFFFFF, v19  }
0x2bc: {  	s13 =	sadd.s32 $0x3040, s9;
	s6 =	sadd.s32 s6, s11;
	v5 =	vmovc v16;
	vm13 =	vge.s32 v63, $0x8000;
	vm10 =	vmmov vm1;
	vm1 =	vmmov vm14;
	[tilespmem:$0x1FF90] =	vst v19  }
0x2bd: {  	s10 =	sadd.s32 $0xFFFFFFF0, s7;
	v16, _, _ =	vpop (xrf0);
	vm14 =	vmmov vm3;
	vm3 =	vmmov vm12;
	v19 =	vmov s13;
	[tilespmem:s6+$0x0] =	vst.msk vm10, v9;
	s7 =	spop (v2sf)  }
0x2be: {  	v9 =	vmovc v17;
	vm10 =	vlt.s32 v18, $0x8000;
	v17 =	vshll.u32 v19, $0x10;
	v19 =	vld [tilespmem:s8+$0xFFFFFFF0];
	s18 =	spop (v2sf);
	(v2sf) =	vpush v16, $0xF;
	s6 =	sadd.s32 s6, s7  }
0x2bf: {  	s14 =	sadd.s32 $0x3050, s9;
	v16, _, _ =	vpop (xrf0);
	[tilespmem:s6+$0x0] =	vst.msk vm14, v8;
	v8 =	vmov v15;
	v15 =	vor.u32 v1, v17;
	v17 =	vshll.u32 v21, $0x10  }
0x2c0: {  	s10 =	sadd.s32 s7, s10;
	v20, _, _ =	vpop (xrf0);
	s21 =	spop (v2sf);
	(v2sf) =	vpush v16, $0xF;
	v16 =	vmov s14;
	v23 =	vor.u32 v1, v17  }
0x2c1: {  	s20 =	sadd.s32 $0xFFFFFFF0, s10;
	[tilespmem:s10+$0xFFFFFFF0] =	vst.msk vm0, v3;
	(v2sf) =	vpush v20, $0xF;
	v16 =	vshll.u32 v16, $0x10;
	s6 =	sadd.s32 s6, s21;
	v20 =	vshll.u32 v62, $0x10  }
0x2c2: {  	v22 =	vld [tilespmem:s8+$0x0];
	s11 =	sadd.s32 s21, s20;
	[tilespmem:s6+$0x0] =	vst.msk vm8, v7;
	v7 =	vmovc v14;
	v14 =	vor.u32 v1, v16;
	v20 =	vor.u32 v1, v20;
	v16 =	vadd.s32 $0xFFFF8000, v18  }
0x2c3: {  	s9 =	sadd.s32 $0x40, s9;
	s20 =	sadd.s32 $0xFFFFFFF0, s11;
	s6 =	sadd.s32 s6, s18;
	[tilespmem:s11+$0xFFFFFFF0] =	vst.msk vm9, v4;
	v4 =	vmovc v12;
	v12 =	vor.u32 v15, v18;
	vm8 =	vge.s32 v19, $0x8000;
	vm14 =	vlt.s32 v19, $0x8000  }
0x2c4: {  	p0 =	slt.u32 s9, $0xFC0;
	v3 =	vmovc v11;
	v11 =	vadd.s32 $0xFFFF8000, v19;
	vm9 =	vlt.s32 v63, $0x8000;
	s21 =	sadd.s32 s18, s20;
	v16 =	vor.u32 v15, v16;
	[tilespmem:s6+$0x0] =	vst.msk vm15, v10  }
.Ltmp11:
0x2c5: {  	v15 =	vadd.s32 $0xFFFF8000, v63;
	v17 =	vsel vm9, $0x1, v2;
	[tilespmem:s21+$0xFFFFFFF0] =	vst.msk vm7, v6;
	v6 =	vmovc v13;
	v13 =	vsel vm10, $0x1, v2;
	(pc) =	sbr.rel @p0 .LBB2_20-.Ltmp11, $4  }
0x2c6: {  	v11 =	vor.u32 v14, v11;
	vm7 =	vge.s32 v18, $0x8000;
	(xrf0) =	vadd.scan.msk.s32 $0xffff, v13;
	v13 =	vsel vm14, $0x1, v2  }
0x2c7: {  	v10 =	vmovc v12;
	vm12 =	vlt.s32 v22, $0x8000;
	v12 =	vadd.s32 $0xFFFF8000, v22;
	vm11 =	vge.s32 v22, $0x8000;
	(xrf0) =	vadd.scan.msk.s32 $0xffff, v13  }
0x2c8: {  	v12 =	vor.u32 v23, v12;
	v18 =	vsel vm12, $0x1, v2;
	v13 =	vor.u32 v20, v15;
	(xrf0) =	vadd.scan.msk.s32 $0xffff, v17  }
0x2c9: {  	s7 =	sadd.s32 $0xFFFFFFF0, s21;
	v15 =	vor.u32 v23, v22;
	s11 =	spop (v2sf);
	v17 =	vor.u32 v14, v19;
	v14 =	vor.u32 v20, v63;
	(xrf0) =	vadd.scan.msk.s32 $0xffff, v18  }
0x2ca: {  	_ =	sdelay $0x1  }
0x2cb: {  	v18, _, _ =	vpop (xrf0)  }
0x2cc: {  	(v2sf) =	vpush v18, $0xF  }
0x2cd: {  	v61, _, _ =	vpop (xrf0)  }
0x2ce: {  	s7 =	sadd.s32 s11, s7;
	(v2sf) =	vpush v61, $0xF;
	v62, _, _ =	vpop (xrf0)  }
0x2cf: {  	s9 =	sadd.s32 $0xFFFFFFF0, s7;
	s8 =	spop (v2sf);
	(v2sf) =	vpush v62, $0xF;
	v63, _, _ =	vpop (xrf0)  }
0x2d0: {  	s13 =	sadd.s32 s8, s9;
	s10 =	spop (v2sf);
	(v2sf) =	vpush v63, $0xF  }
0x2d1: {  	vm0 =	vmmov vm1;
	s6 =	sadd.s32 s6, s11;
	[tilespmem:s7+$0xFFFFFFF0] =	vst.msk vm5, v5;
	s21 =	sadd.s32 $0xFFFFFFF0, s13;
	s20 =	spop (v2sf)  }
0x2d2: {  	vm15 =	vmmov vm3;
	[tilespmem:s6+$0x0] =	vst.msk vm0, v9;
	s6 =	sadd.s32 s6, s8;
	s7 =	sadd.s32 s20, s21  }
0x2d3: {  	vm4 =	vmmov vm4;
	[tilespmem:s6+$0x0] =	vst.msk vm15, v8;
	s9 =	sadd.s32 s6, s20;
	s11 =	sadd.s32 $0xFFFFFFF0, s7  }
0x2d4: {  	vm5 =	vmmov vm6;
	[tilespmem:s9+$0x0] =	vst.msk vm4, v7;
	s14 =	sadd.s32 s10, s11  }
0x2d5: {  	[tilespmem:s14+$0xFFFFFFF0] =	vst.msk vm5, v6  }
0x2d6: {  	v5 =	vld [tilespmem:$0x1FF90];
	_ =	sdelay $0x3  }
0x2d7: {  	vm6 =	vmmov vm2  }
0x2d8: {  	vm4 =	vmmov vm10;
	s9 =	sadd.s32 s9, s10;
	s8 =	sadd.s32 $0xFFFFFFF0, s14;
	[tilespmem:s7+$0xFFFFFFF0] =	vst.msk vm6, v4;
	vm15 =	vnez.u8 v5;
	s6 =	spop (v2sf)  }
0x2d9: {  	[tilespmem:s9+$0x0] =	vst.msk vm4, v10;
	vm1 =	vmmov vm15;
	s15 =	sadd.s32 s6, s8  }
0x2da: {  	vm5 =	vmmov vm14;
	vm6 =	vmmov vm7;
	[tilespmem:s13+$0xFFFFFFF0] =	vst.msk vm1, v3;
	s18 =	spop (v2sf);
	s8 =	sadd.s32 $0xFFFFFFF0, s15  }
0x2db: {  	vm14 =	vmmov vm8;
	vm1 =	vmmov vm5;
	s14 =	sadd.s32 s9, s6;
	s17 =	spop (v2sf);
	[tilespmem:s15+$0xFFFFFFF0] =	vst.msk vm6, v16;
	s10 =	sadd.s32 s18, s8  }
0x2dc: {  	vm7 =	vmmov vm12;
	vm15 =	vmmov vm14;
	[tilespmem:s14+$0x0] =	vst.msk vm1, v17;
	s7 =	sadd.s32 s18, s6;
	s21 =	spop (v2sf);
	s20 =	sadd.s32 $0xFFFFFFF0, s10  }
0x2dd: {  	vm10 =	vmmov vm9;
	vm0 =	vmmov vm7;
	s14 =	sadd.s32 s14, s18;
	[tilespmem:s10+$0xFFFFFFF0] =	vst.msk vm15, v11;
	s10 =	sadd.s32 s21, s7;
	s11 =	sadd.s32 s21, s20  }
0x2de: {  	vm2 =	vmmov vm10;
	vm12 =	vmmov vm13;
	[tilespmem:s14+$0x0] =	vst.msk vm0, v15;
	s14 =	sadd.s32 s14, s21;
	s10 =	sadd.s32 s17, s10;
	s15 =	sadd.s32 $0xFFFFFFF0, s11  }
0x2df: {  	vm1 =	vmmov vm12;
	[tilespmem:s14+$0x0] =	vst.msk vm2, v14;
	s10 =	sadd.s32 s9, s10;
	s15 =	sadd.s32 s17, s15  }
0x2e0: {  	s13 =	sshll.u32 s10, $0x2;
	[tilespmem:s15+$0xFFFFFFF0] =	vst.msk vm1, v13;
	s15 =	sadd.s32 s14, s17  }
0x2e1: {  	vm13 =	vmmov vm11;
	s14 =	sshra.s32 s13, $0x2;
	s6 =	sand.u32 $0xFFFFFFF0, s15  }
0x2e2: {  	vm0 =	vmmov vm13;
	s7 =	sand.u32 $0xFFFFFF80, s15;
	s18 =	ssub.s32 $0x4000, s15;
	s20 =	sand.u32 $0xF, s15  }
0x2e3: {  	[tilespmem:s11+$0xFFFFFFF0] =	vst.msk vm0, v12;
	s11 =	sand.u32 $0xFFFFFF80, s14;
	p0 =	slt.s32 s15, $0x80;
	s8 =	sand.u32 $0xFFFFFFF0, s18  }
.Ltmp12:
0x2e4: {  	s9 =	sand.u32 $0xFFFFFF80, s18;
	s17 =	sshll.u32 s18, $0x2;
	(pc) =	sbr.rel .LBB2_22-.Ltmp12, $4  }
0x2e5: {  	s21 =	sand.u32 $0xF, s18;
	p1 =	sge.s32 s7, s6;
	p2 =	seq.s32 s20, $0x0  }
0x2e6: {  	p3 =	slt.s32 s18, $0x80;
	s17 =	sand.u32 $0xFFFFFE00, s17;
	s10 =	sadd.s32 s8, s15  }
0x2e7: {  	v4 =	vmov s15;
	p4 =	sge.s32 s9, s8;
	p5 =	seq.s32 s21, $0x0;
	s17 =	sadd.s32 s13, s17  }
0x2e8: {  	v3 =	vor.u32 s6, v0;
	v6 =	vmov s18;
	v5 =	vor.u32 s8, v0;
	s13 =	sadd.s32 $0x40, s14;
	s14 =	sshra.s32 s17, $0x2;
	s17 =	simm.s32 $0x0  }
.LBB2_31:
0x2e9: {  	v7 =	vld @!p5 [tilespmem:s10+$0x0];
	_ =	sdelay $0x3  }
0x2ea: {  	vm0 =	vlt.s32 @!p5 v5, v6  }
0x2eb: {  	v8 =	vand.u32 @!p5 $0x7FFF, v7;
	_ =	sdelay $0x3  }
0x2ec: {  	s20 =	simm.s32 @!p5 $0xC080;
	v7 =	vshrl.u32 @!p5 v7, $0x10  }
0x2ed: {  	v7 =	vand.u32 @!p5 $0x3FFF, v7;
	v8 =	vld.idx.msk @!p5 [tilespmem:v8+s20+$0x0], vm0;
	_ =	sdelay $0x3  }
0x2ee: {  	s21 =	sadd.s32 s4, s17;
	s17 =	sshll.u32 s17, $0x4;
	s20 =	simm.s32 @!p5 $0x14080  }
0x2ef: {  	s18 =	sadd.s32 s18, s16;
	s17 =	sand.u32 $0x70, s17;
	s21 =	sshll.u32 s21, $0xB;
	[tilespmem:v7+s20+$0x0] =	vst.idx.msk @!p5 vm0, v8  }
0x2f0: {  	[tilespmem:s31], [sflag:$0x2] =	stream.strided.gather [hbm4b:s18+s25], $0x8000, s26, s25, $0x38;
	[tilespmem:$0x19080] =	vst v63  }
0x2f1: {  	p6 =	sne.s32 s15, $0x20;
	s17 =	sadd.s32 s17, s23;
	s18 =	sand.u32 $0x3C000, s21  }
.Ltmp13:
0x2f2: {  	s17 =	sadd.s32 s18, s17;
	(pc) =	sbr.rel @!p6 .LBB2_32-.Ltmp13, $4  }
0x2f3: {  	[hbm4b:s17+s25] =	stream.strided.scatter [tilespmem:s2], [sflag:$0x3], $0x4000, s26, s25, $0x38;
	[tilespmem:$0x19080] =	vst v63  }
0x2f4: {  	_ =	swait.ge [sflag:s29], $0x4000  }
0x2f5: {  	[sflag:s29] =	ssyncset.done $0x0  }
0x2f6: {  	s17 =	smov.u32 s15;
	[sflag:s29] =	ssyncadd.s32 $0xFFFFC000  }
.LBB2_22:
.Ltmp14:
0x2f7: {  	(pc) =	sbr.rel @p0 .LBB2_26-.Ltmp14, $4  }
0x2f8: {  	_ = 	snop  }
0x2f9: {  	_ =	swait.ge [sflag:s0], $0x8000  }
0x2fa: {  	[sflag:s0] =	ssyncset.done $0x0  }
0x2fb: {  	[sflag:s0] =	ssyncadd.s32 $0xFFFF8000  }
0x2fc: {  	s15 =	simm.s32 $0x40  }
0x2fd: {  	v8 =	vld [tilespmem:s15+$0x30]  }
0x2fe: {  	v7 =	vld [tilespmem:s15+$0xFFFFFFD0]  }
0x2ff: {  	v13 =	vld [tilespmem:s15+$0x0];
	_ =	sdelay $0x1  }
0x300: {  	v9 =	vld [tilespmem:s15+$0xFFFFFFE0]  }
0x301: {  	v11 =	vld [tilespmem:s15+$0xFFFFFFF0];
	v10 =	vand.u32 $0x7FFF, v8  }
0x302: {  	v14 =	vld [tilespmem:s15+$0x10];
	v12 =	vand.u32 $0x7FFF, v7  }
0x303: {  	v20 =	vld [tilespmem:s15+$0x20];
	v22 =	vand.u32 $0x7FFF, v13;
	_ =	sdelay $0x1  }
0x304: {  	v21 =	vld [tilespmem:s15+$0xFFFFFFC0];
	v15 =	vand.u32 $0x7FFF, v9  }
0x305: {  	v19 =	vand.u32 $0x7FFF, v11;
	v17 =	vld.idx.msk [tilespmem:v10+s30+$0x0], $0xffff  }
0x306: {  	p6 =	sgt.s32 s7, $0x80;
	v23 =	vand.u32 $0x7FFF, v14;
	v16 =	vld.idx.msk [tilespmem:v12+s30+$0x0], $0xffff;
	v10 =	vshrl.u32 v7, $0x10;
	v12 =	vshrl.u32 v9, $0x10  }
.Ltmp15:
0x307: {  	v7 =	vshrl.u32 v20, $0x10;
	v9 =	vand.u32 $0x7FFF, v20;
	v20 =	vld.idx.msk [tilespmem:v22+s30+$0x0], $0xffff;
	v22 =	vshrl.u32 v8, $0x10;
	(pc) =	sbr.rel @!p6 .LBB2_25-.Ltmp15, $4  }
0x308: {  	_ = 	snop  }
0x309: {  	v18 =	vld.idx.msk [tilespmem:v15+s30+$0x0], $0xffff  }
0x30a: {  	v11 =	vshrl.u32 v11, $0x10;
	v13 =	vshrl.u32 v13, $0x10;
	v19 =	vld.idx.msk [tilespmem:v19+s30+$0x0], $0xffff  }
0x30b: {  	s18 =	simm.s32 $0xC0;
	s15 =	simm.s32 $0x80;
	v14 =	vshrl.u32 v14, $0x10;
	v8 =	vshrl.u32 v21, $0x10;
	v15 =	vand.u32 $0x7FFF, v21;
	v21 =	vld.idx.msk [tilespmem:v23+s30+$0x0], $0xffff  }
.LBB2_24:
0x30c: {  	v23 =	vld [tilespmem:s18+$0x30];
	s15 =	sadd.s32 $0x80, s15;
	[tilespmem:v22+s2+$0x0] =	vst.idx.msk $0xffff, v17  }
0x30d: {  	v17 =	vld [tilespmem:s18+$0xFFFFFFD0];
	p6 =	slt.s32 s15, s7;
	[tilespmem:v10+s2+$0x0] =	vst.idx.msk $0xffff, v16  }
0x30e: {  	v16 =	vld [tilespmem:s18+$0xFFFFFFE0];
	[tilespmem:v12+s2+$0x0] =	vst.idx.msk $0xffff, v18  }
0x30f: {  	v18 =	vld [tilespmem:s18+$0xFFFFFFF0];
	[tilespmem:v11+s2+$0x0] =	vst.idx.msk $0xffff, v19  }
0x310: {  	v19 =	vld [tilespmem:s18+$0x0];
	[tilespmem:v13+s2+$0x0] =	vst.idx.msk $0xffff, v20  }
0x311: {  	v20 =	vld [tilespmem:s18+$0x10];
	v22 =	vand.u32 $0x7FFF, v23;
	[tilespmem:v14+s2+$0x0] =	vst.idx.msk $0xffff, v21  }
0x312: {  	v10 =	vshrl.u32 v17, $0x10;
	v21 =	vand.u32 $0x7FFF, v17;
	v24 =	vld [tilespmem:s18+$0x20]  }
0x313: {  	v25 =	vld [tilespmem:s18+$0xFFFFFFC0];
	v12 =	vshrl.u32 v16, $0x10;
	v26 =	vand.u32 $0x7FFF, v16  }
0x314: {  	v11 =	vshrl.u32 v18, $0x10;
	v27 =	vand.u32 $0x7FFF, v18;
	v28 =	vld.idx.msk [tilespmem:v15+s30+$0x0], $0xffff  }
0x315: {  	v13 =	vshrl.u32 v19, $0x10;
	v29 =	vand.u32 $0x7FFF, v19;
	v30 =	vld.idx.msk [tilespmem:v9+s30+$0x0], $0xffff  }
0x316: {  	v14 =	vshrl.u32 v20, $0x10;
	v31 =	vand.u32 $0x7FFF, v20;
	v17 =	vld.idx.msk [tilespmem:v22+s30+$0x0], $0xffff  }
.Ltmp16:
0x317: {  	v22 =	vshrl.u32 v23, $0x10;
	v16 =	vld.idx.msk [tilespmem:v21+s30+$0x0], $0xffff;
	v32 =	vshrl.u32 v24, $0x10;
	v9 =	vand.u32 $0x7FFF, v24;
	(pc) =	sbr.rel @p6 .LBB2_24-.Ltmp16, $4  }
0x318: {  	v21 =	vshrl.u32 v25, $0x10;
	v15 =	vand.u32 $0x7FFF, v25;
	v18 =	vld.idx.msk [tilespmem:v26+s30+$0x0], $0xffff  }
0x319: {  	v19 =	vld.idx.msk [tilespmem:v27+s30+$0x0], $0xffff  }
0x31a: {  	v20 =	vld.idx.msk [tilespmem:v29+s30+$0x0], $0xffff;
	[tilespmem:v8+s2+$0x0] =	vst.idx.msk $0xffff, v28;
	v8 =	vmov v21  }
0x31b: {  	s18 =	sadd.s32 $0x80, s18;
	v21 =	vld.idx.msk [tilespmem:v31+s30+$0x0], $0xffff;
	[tilespmem:v7+s2+$0x0] =	vst.idx.msk $0xffff, v30;
	v7 =	vmov v32  }
.LBB2_25:
0x31c: {  	_ =	sdelay $0x3  }
0x31d: {  	[tilespmem:v22+s2+$0x0] =	vst.idx.msk $0xffff, v17  }
0x31e: {  	[tilespmem:v10+s2+$0x0] =	vst.idx.msk $0xffff, v16;
	v63 =	vld.idx.msk [tilespmem:v15+s30+$0x0], $0xffff  }
0x31f: {  	v9 =	vld.idx.msk [tilespmem:v9+s30+$0x0], $0xffff;
	[tilespmem:v12+s2+$0x0] =	vst.idx.msk $0xffff, v18  }
0x320: {  	[tilespmem:v11+s2+$0x0] =	vst.idx.msk $0xffff, v19  }
0x321: {  	[tilespmem:v13+s2+$0x0] =	vst.idx.msk $0xffff, v20  }
0x322: {  	[tilespmem:v14+s2+$0x0] =	vst.idx.msk $0xffff, v21  }
0x323: {  	[tilespmem:v8+s2+$0x0] =	vst.idx.msk $0xffff, v63  }
0x324: {  	[tilespmem:v7+s2+$0x0] =	vst.idx.msk $0xffff, v9  }
.LBB2_26:
.Ltmp17:
0x325: {  	(pc) =	sbr.rel @p1 .LBB2_28-.Ltmp17, $2  }
0x326: {  	_ =	sdelay $0x2  }
0x327: {  	s15 =	smov.u32 s11;
	s18 =	smov.u32 s7  }
.LBB2_27:
0x328: {  	v7 =	vld [tilespmem:s15+$0x0];
	_ =	sdelay $0x4  }
0x329: {  	v8 =	vand.u32 $0x7FFF, v7;
	_ =	sdelay $0x3  }
0x32a: {  	s18 =	sadd.s32 $0x10, s18  }
0x32b: {  	p6 =	slt.s32 s18, s6;
	v7 =	vshrl.u32 v7, $0x10;
	v8 =	vld.idx.msk [tilespmem:v8+s30+$0x0], $0xffff  }
.Ltmp18:
0x32c: {  	_ = 	snop;
	(pc) =	sbr.rel @p6 .LBB2_27-.Ltmp18, $2  }
0x32d: {  	_ =	sdelay $0x2  }
0x32e: {  	s15 =	sadd.s32 $0x10, s15;
	[tilespmem:v7+s2+$0x0] =	vst.idx.msk $0xffff, v8  }
.LBB2_28:
0x32f: {  	v7 =	vld @!p2 [tilespmem:s6+$0x0];
	_ =	sdelay $0x3  }
0x330: {  	vm0 =	vlt.s32 @!p2 v3, v4  }
0x331: {  	v8 =	vand.u32 @!p2 $0x7FFF, v7;
	_ =	sdelay $0x1  }
0x332: {  	s15 =	sadd.s32 $0x1, s17  }
0x333: {  	s18 =	smin.u32 s15, $0x1F  }
0x334: {  	s20 =	simm.s32 @!p2 $0x4080;
	s21 =	sor.u32 s4, s18;
	v7 =	vshrl.u32 @!p2 v7, $0x10  }
0x335: {  	s18 =	sshll.u32 s18, $0x7;
	s21 =	sshll.u32 s21, $0x10;
	v7 =	vand.u32 @!p2 $0x3FFF, v7;
	v8 =	vld.idx.msk @!p2 [tilespmem:v8+s20+$0x0], vm0  }
0x336: {  	s18 =	sor.u32 s21, s18  }
0x337: {  	s18 =	sand.u32 $0x780380, s18  }
0x338: {  	s18 =	sor.u32 s12, s18  }
0x339: {  	s18 =	sshrl.u32 s18, $0x3;
	s20 =	simm.s32 @!p2 $0x14080  }
.Ltmp19:
0x33a: {  	s21 =	sadd.s32 s1, s18;
	[tilespmem:v7+s20+$0x0] =	vst.idx.msk @!p2 vm0, v8;
	(pc) =	sbr.rel @p3 .LBB2_29-.Ltmp19, $4  }
0x33b: {  	[tilespmem:s30], [sflag:$0x1] =	stream.strided.gather [hbm4b:s21+s25], $0x8000, s26, s25, $0x38;
	[tilespmem:$0x19080] =	vst v63  }
0x33c: {  	_ =	swait.ge [sflag:s3], $0x8000  }
0x33d: {  	[sflag:s3] =	ssyncset.done $0x0  }
0x33e: {  	[sflag:s3] =	ssyncadd.s32 $0xFFFF8000  }
0x33f: {  	v8 =	vld [tilespmem:s13+$0x30]  }
0x340: {  	v7 =	vld [tilespmem:s13+$0xFFFFFFD0]  }
0x341: {  	v13 =	vld [tilespmem:s13+$0x0];
	_ =	sdelay $0x1  }
0x342: {  	v9 =	vld [tilespmem:s13+$0xFFFFFFE0]  }
0x343: {  	v11 =	vld [tilespmem:s13+$0xFFFFFFF0];
	v10 =	vand.u32 $0x7FFF, v8  }
0x344: {  	v14 =	vld [tilespmem:s13+$0x10];
	v12 =	vand.u32 $0x7FFF, v7  }
0x345: {  	v20 =	vld [tilespmem:s13+$0x20];
	v22 =	vand.u32 $0x7FFF, v13;
	_ =	sdelay $0x1  }
0x346: {  	v21 =	vld [tilespmem:s13+$0xFFFFFFC0];
	v15 =	vand.u32 $0x7FFF, v9  }
0x347: {  	v19 =	vand.u32 $0x7FFF, v11;
	v17 =	vld.idx.msk [tilespmem:v10+s31+$0x0], $0xffff  }
0x348: {  	p6 =	sgt.s32 s9, $0x80;
	v23 =	vand.u32 $0x7FFF, v14;
	v16 =	vld.idx.msk [tilespmem:v12+s31+$0x0], $0xffff;
	v10 =	vshrl.u32 v7, $0x10;
	v12 =	vshrl.u32 v9, $0x10  }
.Ltmp20:
0x349: {  	v7 =	vshrl.u32 v20, $0x10;
	v9 =	vand.u32 $0x7FFF, v20;
	v20 =	vld.idx.msk [tilespmem:v22+s31+$0x0], $0xffff;
	v22 =	vshrl.u32 v8, $0x10;
	(pc) =	sbr.rel @!p6 .LBB2_36-.Ltmp20, $4  }
0x34a: {  	_ = 	snop  }
0x34b: {  	v18 =	vld.idx.msk [tilespmem:v15+s31+$0x0], $0xffff  }
0x34c: {  	v11 =	vshrl.u32 v11, $0x10;
	v13 =	vshrl.u32 v13, $0x10;
	v19 =	vld.idx.msk [tilespmem:v19+s31+$0x0], $0xffff  }
0x34d: {  	s20 =	simm.s32 $0x80;
	s21 =	sadd.s32 $0x80, s13;
	v14 =	vshrl.u32 v14, $0x10;
	v8 =	vshrl.u32 v21, $0x10;
	v15 =	vand.u32 $0x7FFF, v21;
	v21 =	vld.idx.msk [tilespmem:v23+s31+$0x0], $0xffff  }
.LBB2_35:
0x34e: {  	v23 =	vld [tilespmem:s21+$0x30];
	s20 =	sadd.s32 $0x80, s20;
	[tilespmem:v22+s2+$0x0] =	vst.idx.msk $0xffff, v17  }
0x34f: {  	v17 =	vld [tilespmem:s21+$0xFFFFFFD0];
	p6 =	slt.s32 s20, s9;
	[tilespmem:v10+s2+$0x0] =	vst.idx.msk $0xffff, v16  }
0x350: {  	v16 =	vld [tilespmem:s21+$0xFFFFFFE0];
	[tilespmem:v12+s2+$0x0] =	vst.idx.msk $0xffff, v18  }
0x351: {  	v18 =	vld [tilespmem:s21+$0xFFFFFFF0];
	[tilespmem:v11+s2+$0x0] =	vst.idx.msk $0xffff, v19  }
0x352: {  	v19 =	vld [tilespmem:s21+$0x0];
	[tilespmem:v13+s2+$0x0] =	vst.idx.msk $0xffff, v20  }
0x353: {  	v20 =	vld [tilespmem:s21+$0x10];
	v22 =	vand.u32 $0x7FFF, v23;
	[tilespmem:v14+s2+$0x0] =	vst.idx.msk $0xffff, v21  }
0x354: {  	v10 =	vshrl.u32 v17, $0x10;
	v21 =	vand.u32 $0x7FFF, v17;
	v24 =	vld [tilespmem:s21+$0x20]  }
0x355: {  	v25 =	vld [tilespmem:s21+$0xFFFFFFC0];
	v12 =	vshrl.u32 v16, $0x10;
	v26 =	vand.u32 $0x7FFF, v16  }
0x356: {  	v11 =	vshrl.u32 v18, $0x10;
	v27 =	vand.u32 $0x7FFF, v18;
	v28 =	vld.idx.msk [tilespmem:v15+s31+$0x0], $0xffff  }
0x357: {  	v13 =	vshrl.u32 v19, $0x10;
	v29 =	vand.u32 $0x7FFF, v19;
	v30 =	vld.idx.msk [tilespmem:v9+s31+$0x0], $0xffff  }
0x358: {  	v14 =	vshrl.u32 v20, $0x10;
	v31 =	vand.u32 $0x7FFF, v20;
	v17 =	vld.idx.msk [tilespmem:v22+s31+$0x0], $0xffff  }
.Ltmp21:
0x359: {  	v22 =	vshrl.u32 v23, $0x10;
	v16 =	vld.idx.msk [tilespmem:v21+s31+$0x0], $0xffff;
	v32 =	vshrl.u32 v24, $0x10;
	v9 =	vand.u32 $0x7FFF, v24;
	(pc) =	sbr.rel @p6 .LBB2_35-.Ltmp21, $4  }
0x35a: {  	v21 =	vshrl.u32 v25, $0x10;
	v15 =	vand.u32 $0x7FFF, v25;
	v18 =	vld.idx.msk [tilespmem:v26+s31+$0x0], $0xffff  }
0x35b: {  	v19 =	vld.idx.msk [tilespmem:v27+s31+$0x0], $0xffff  }
0x35c: {  	v20 =	vld.idx.msk [tilespmem:v29+s31+$0x0], $0xffff;
	[tilespmem:v8+s2+$0x0] =	vst.idx.msk $0xffff, v28;
	v8 =	vmov v21  }
0x35d: {  	s21 =	sadd.s32 $0x80, s21;
	v21 =	vld.idx.msk [tilespmem:v31+s31+$0x0], $0xffff;
	[tilespmem:v7+s2+$0x0] =	vst.idx.msk $0xffff, v30;
	v7 =	vmov v32  }
.LBB2_36:
0x35e: {  	_ =	sdelay $0x3  }
0x35f: {  	[tilespmem:v22+s2+$0x0] =	vst.idx.msk $0xffff, v17  }
0x360: {  	[tilespmem:v10+s2+$0x0] =	vst.idx.msk $0xffff, v16;
	v63 =	vld.idx.msk [tilespmem:v15+s31+$0x0], $0xffff  }
0x361: {  	v9 =	vld.idx.msk [tilespmem:v9+s31+$0x0], $0xffff;
	[tilespmem:v12+s2+$0x0] =	vst.idx.msk $0xffff, v18  }
0x362: {  	[tilespmem:v11+s2+$0x0] =	vst.idx.msk $0xffff, v19  }
0x363: {  	[tilespmem:v13+s2+$0x0] =	vst.idx.msk $0xffff, v20  }
0x364: {  	[tilespmem:v14+s2+$0x0] =	vst.idx.msk $0xffff, v21  }
0x365: {  	[tilespmem:v8+s2+$0x0] =	vst.idx.msk $0xffff, v63  }
0x366: {  	[tilespmem:v7+s2+$0x0] =	vst.idx.msk $0xffff, v9  }
.LBB2_29:
.Ltmp22:
0x367: {  	(pc) =	sbr.rel @p4 .LBB2_31-.Ltmp22, $2  }
0x368: {  	_ =	sdelay $0x2  }
0x369: {  	s20 =	smov.u32 s14;
	s21 =	smov.u32 s9  }
.LBB2_30:
0x36a: {  	v7 =	vld [tilespmem:s20+$0x0];
	_ =	sdelay $0x4  }
0x36b: {  	v8 =	vand.u32 $0x7FFF, v7;
	_ =	sdelay $0x3  }
0x36c: {  	s21 =	sadd.s32 $0x10, s21  }
0x36d: {  	p6 =	slt.s32 s21, s8;
	v7 =	vshrl.u32 v7, $0x10;
	v8 =	vld.idx.msk [tilespmem:v8+s31+$0x0], $0xffff  }
.Ltmp23:
0x36e: {  	_ = 	snop;
	(pc) =	sbr.rel @p6 .LBB2_30-.Ltmp23, $2  }
0x36f: {  	_ =	sdelay $0x2  }
0x370: {  	s20 =	sadd.s32 $0x10, s20;
	[tilespmem:v7+s2+$0x0] =	vst.idx.msk $0xffff, v8  }
.Ltmp24:
0x371: {  	_ = 	snop;
	(pc) =	sbr.rel .LBB2_31-.Ltmp24, $1  }
0x372: {  	_ =	sdelay $0x3  }
.LBB2_33:
0x373: {  	_ =	sfence.sel $0x180000  }
0x374: {  	[bflag:$0x0] =	sbarrier.arrive $0xFFFF  }
0x375: {  	_ =	strace $0x90000047  }
0x376: {  	s0 =	stileid.u32;
	[bflag:$0x2] =	sbarrier.arrive $0xFFFF  }
0x377: {  	p0 =	sne.s32 s0, $0x0;
	s0 =	rddreg [dreg:$0x9]  }
0x378: {  	s0 =	sadd.s32 @!p0 $0x100000, s0  }
0x379: {  	[sflag:s0] =	ssyncadd.tile.s32 @!p0 $0x1;
	_ =	shalt  }
.Lfunc_end2:
_tile_overlayer_lowered:
.L_overlay_start_2:
0x37a: {  	(tag) =	ssettag $0x2  }
0x37b: {  	s0 =	rddreg [dreg:$0x0];
	s2 =	stileid.u32  }
0x37c: {  	s1 =	rddreg [dreg:$0x1];
	p0 =	sne.s32 s2, $0x0  }
0x37d: {  	s3 =	rddreg [dreg:$0x2];
	[bflag:$0x3] =	sbarrier.arrive $0xFFFF;
	s2 =	simm.s32 @!p0 $0x1C03  }
0x37e: {  	[timem:s3], [sflag:s2] =	dma.local @!p0 [hbm:s0], s1  }
0x37f: {  	s0 =	simm.s32 @!p0 $0x3  }
0x380: {  	_ =	swait.ge @!p0 [sflag:s0], s1  }
0x381: {  	s1 =	ssub.s32 @!p0 $0x0, s1;
	[sflag:s0] =	ssyncset.done @!p0 $0x0  }
0x382: {  	[sflag:s0] =	ssyncadd.s32 @!p0 s1  }
0x383: {  	[bflag:$0x3] =	sbarrier.arrive $0xFFFF  }
0x384: {  	_ =	shalt  }

</sc_bundles>
